<compile_context>
chip_gen: v7x
topology: tpu7x:2x2x1
jax: 0.10.2.dev20260603
libtpu: 0.0.44.dev20260713+nightly
codegen_flags: <defaults>
</compile_context>

<pallas_src>
import functools
import jax
import jax.numpy as jnp
from jax import lax
from jax.experimental import pallas as pl
from jax.experimental.pallas import tpu as pltpu
from jax.experimental.pallas import tpu_sc as plsc

TOPK = 8
L = 16
LANES = 128


def _bfly(v, iota, op):
    for s in (8, 4, 2, 1):
        perm = jnp.bitwise_xor(iota, s)
        v = op(v, v.at[perm].get(mode="promise_in_bounds"))
    return v


def _tc_logits_body(x_ref, gw_ref, gb_ref, eb_ref, lg_out, part_scr):
    b = pl.program_id(0)
    nb = pl.num_programs(0)
    spatial = x_ref.shape[2]
    nsub = spatial // LANES
    xs = x_ref[0]
    acc = xs[:, 0:LANES]
    for j in range(1, nsub):
        acc = acc + xs[:, j * LANES:(j + 1) * LANES]
    part_scr[b] = acc

    @pl.when(b == nb - 1)
    def _():
        xm = jnp.sum(part_scr[...], axis=2) * (1.0 / spatial)
        logits = jax.lax.dot_general(
            xm, gw_ref[...], (((1,), (1,)), ((), ())),
            preferred_element_type=jnp.float32)
        logits = logits + gb_ref[...]
        logits = jnp.clip(logits, -10.0, 10.0)
        lg_out[...] = logits + eb_ref[...]


def _make_sc_router(B, E):
    NQ = E // L

    mesh = plsc.VectorSubcoreMesh(core_axis_name="c", subcore_axis_name="s")

    @functools.partial(
        pl.kernel,
        mesh=mesh,
        out_type=[
            jax.ShapeDtypeStruct((B, L), jnp.float32),
            jax.ShapeDtypeStruct((B, L), jnp.int32),
        ],
        scratch_types=[
            pltpu.VMEM((E,), jnp.float32),
            pltpu.VMEM((L,), jnp.float32),
            pltpu.VMEM((L,), jnp.int32),
        ],
    )
    def sc_router(lg_hbm, probs_hbm, idx_hbm, lbuf, pbuf, ibuf):
        w = lax.axis_index("s") * 2 + lax.axis_index("c")
        iota = lax.broadcasted_iota(jnp.int32, (L,), 0)

        pltpu.sync_copy(lg_hbm.at[w], lbuf)
        lg = [lbuf[pl.ds(q * L, L)] for q in range(NQ)]

        mv = jnp.maximum(jnp.maximum(lg[0], lg[1]),
                         jnp.maximum(lg[2], lg[3]))
        mxv = _bfly(mv, iota, jnp.maximum)
        eq = [jnp.exp(lg[q] - mxv) for q in range(NQ)]
        esv = _bfly((eq[0] + eq[1]) + (eq[2] + eq[3]), iota, jnp.add)
        p = [jnp.clip(e / esv, 1e-06, 1.0) for e in eq]

        topv = jnp.zeros((L,), jnp.float32)
        topi = jnp.zeros((L,), jnp.int32)
        psum = jnp.zeros((L,), jnp.float32)
        sel = list(lg)
        for k in range(TOPK):
            m = jnp.maximum(jnp.maximum(sel[0], sel[1]),
                            jnp.maximum(sel[2], sel[3]))
            mkv = _bfly(m, iota, jnp.maximum)
            cand = [jnp.where(sel[q] == mkv, iota + q * L, E)
                    for q in range(NQ)]
            cm = jnp.minimum(jnp.minimum(cand[0], cand[1]),
                             jnp.minimum(cand[2], cand[3]))
            civ = _bfly(cm, iota, jnp.minimum)
            hit = [iota + q * L == civ for q in range(NQ)]
            pv = jnp.where(hit[0], p[0], 0.0)
            for q in range(1, NQ):
                pv = pv + jnp.where(hit[q], p[q], 0.0)
            pkv = _bfly(pv, iota, jnp.add)
            topv = jnp.where(iota == k, pkv, topv)
            topi = jnp.where(iota == k, civ, topi)
            psum = psum + pkv
            for q in range(NQ):
                sel[q] = jnp.where(hit[q], -3.0e38, sel[q])

        pbuf[...] = topv / (psum + 1e-08)
        ibuf[...] = topi
        pltpu.sync_copy(pbuf, probs_hbm.at[w])
        pltpu.sync_copy(ibuf, idx_hbm.at[w])

    return sc_router


def kernel(x, gate_w, gate_b, expert_bias):
    B, C, H, W = x.shape
    E = gate_w.shape[0]
    S = H * W
    xr = x.reshape(B, C, S)
    gb = gate_b.reshape(1, E)
    eb = expert_bias.reshape(1, E)

    logits = pl.pallas_call(
        _tc_logits_body,
        grid=(B,),
        in_specs=[
            pl.BlockSpec((1, C, S), lambda b: (b, 0, 0)),
            pl.BlockSpec((E, C), lambda b: (0, 0)),
            pl.BlockSpec((1, E), lambda b: (0, 0)),
            pl.BlockSpec((1, E), lambda b: (0, 0)),
        ],
        out_specs=pl.BlockSpec((B, E), lambda b: (0, 0)),
        out_shape=jax.ShapeDtypeStruct((B, E), jnp.float32),
        scratch_shapes=[pltpu.VMEM((B, C, LANES), jnp.float32)],
    )(xr, gate_w, gb, eb)

    probs16, idx16 = _make_sc_router(B, E)(logits)
    probs = probs16[:, :TOPK]
    idx = idx16[:, :TOPK]
    loss = jnp.zeros((), dtype=jnp.float32)
    return (probs, idx, loss)

# --- scband reference (transcript-rebuilt; emitter-appended) ---
"""Pipeline reference for scband-sparse-router-77232101916871 (READ-ONLY COPY).

The authoritative reference and input builder live on the scoring server;
editing this copy changes nothing except your own understanding.
"""

import jax, jax.numpy as jnp
import numpy as np

TOP_K = 8

def setup_inputs(seed: int = 0) -> dict:
    key = jax.random.key(seed)
    k1, k2 = jax.random.split(key, 2)
    x = jax.random.normal(k1, (32, 384, 64, 64), dtype=jnp.float32)
    # gate: AdaptiveAvgPool2d(1) -> Conv2d(dim, num_experts, 1) -> Flatten
    # Conv2d 1x1 weight [E, C, 1, 1] collapses to a dense matrix [E, C]
    gate_w = jax.random.normal(k2, (64, 384), dtype=jnp.float32) * 0.05
    gate_b = jnp.zeros((64,), dtype=jnp.float32)
    expert_bias = jnp.zeros((64,), dtype=jnp.float32)
    return {"x": x, "gate_w": gate_w, "gate_b": gate_b, "expert_bias": expert_bias}

def reference(x, gate_w, gate_b, expert_bias):
    # AdaptiveAvgPool2d(1): global mean over spatial dims -> [B, C]
    xm = jnp.mean(x, axis=(2, 3))
    # 1x1 conv on [B, C, 1, 1] == dense matmul
    logits = xm @ gate_w.T + gate_b[None, :]
    logits = jnp.clip(logits, -10.0, 10.0)
    logits_biased = logits + expert_bias[None, :]
    probs = jax.nn.softmax(logits_biased / 1.0, axis=1)
    probs = jnp.clip(probs, 1e-06, 1.0)
    top_k_probs, top_k_indices = jax.lax.top_k(probs, TOP_K)
    top_k_probs = top_k_probs / (jnp.sum(top_k_probs, axis=1, keepdims=True) + 1e-08)
    load_balance_loss = jnp.array(0.0, dtype=probs.dtype)
    return (top_k_probs, top_k_indices, load_balance_loss)

if __name__ == "__main__":
    import jax
    _d = setup_inputs()
    print(jax.jit(kernel)(*tuple(_d.values())))

</pallas_src>

<mosaic_0001>
#map = affine_map<(d0, d1) -> (0, 0)>
module attributes {stable_mosaic.version = 14 : i64} {
  func.func @sc_router(%arg0: i32, %arg1: i32, %arg2: memref<32x64xf32, #tpu.memory_space<hbm>>, %arg3: memref<32x16xf32, #tpu.memory_space<hbm>>, %arg4: memref<32x16xi32, #tpu.memory_space<hbm>>, %arg5: memref<64xf32, #tpu.memory_space<vmem>>, %arg6: memref<16xf32, #tpu.memory_space<vmem>>, %arg7: memref<16xi32, #tpu.memory_space<vmem>>) attributes {dimension_semantics = [#tpu.dimension_semantics<core_parallel>, #tpu.dimension_semantics<subcore_parallel>], iteration_bounds = array<i64: 2, 16>, scalar_prefetch = 0 : i64, scratch_operands = 3 : i64, tpu.core_type = #tpu.core_type<sc_vector_subcore>, window_params = [{transform_indices = #map}, {transform_indices = #map}, {transform_indices = #map}]} {
    %mul3A = arith.constant 2 : i32
    %mul3A_0 = arith.muli %arg1, %mul3A : i32
    %add3A = arith.addi %mul3A_0, %arg0 : i32
    %iota3A = tpu.iota {dimensions = array<i32: 0>} : vector<16xi32>
    "tpu.region"() ({
      %run_scoped3A = tpu.sem_alloc : memref<!tpu.dma_semaphore, #tpu.memory_space<semaphore_mem>>
      %dma_start3A = arith.constant 0 : i32
      %dma_start3A_2203 = tpu.memref_slice %arg2[%add3A, %dma_start3A] : memref<32x64xf32, #tpu.memory_space<hbm>> -> memref<1x64xf32, #tpu.memory_space<hbm>>
      %dma_start3A_2204 = tpu.memref_squeeze %dma_start3A_2203 : memref<1x64xf32, #tpu.memory_space<hbm>> -> memref<64xf32, #tpu.memory_space<hbm>>
      %dma_start3A_2205 = arith.constant 0 : i32
      %dma_start3A_2206 = tpu.memref_slice %arg2[%add3A, %dma_start3A_2205] : memref<32x64xf32, #tpu.memory_space<hbm>> -> memref<1x64xf32, #tpu.memory_space<hbm>>
      %dma_start3A_2207 = tpu.memref_squeeze %dma_start3A_2206 : memref<1x64xf32, #tpu.memory_space<hbm>> -> memref<64xf32, #tpu.memory_space<hbm>>
      tpu.enqueue_dma source(%dma_start3A_2207 : memref<64xf32, #tpu.memory_space<hbm>>) target(%arg5 : memref<64xf32, #tpu.memory_space<vmem>>) target_semaphore(%run_scoped3A : memref<!tpu.dma_semaphore, #tpu.memory_space<semaphore_mem>>)
      %dma_wait3A = arith.constant 0 : i32
      %dma_wait3A_2208 = tpu.memref_slice %arg2[%add3A, %dma_wait3A] : memref<32x64xf32, #tpu.memory_space<hbm>> -> memref<1x64xf32, #tpu.memory_space<hbm>>
      %dma_wait3A_2209 = tpu.memref_squeeze %dma_wait3A_2208 : memref<1x64xf32, #tpu.memory_space<hbm>> -> memref<64xf32, #tpu.memory_space<hbm>>
      %dma_wait3A_2210 = arith.constant 0 : i32
      %dma_wait3A_2211 = tpu.memref_slice %arg2[%add3A, %dma_wait3A_2210] : memref<32x64xf32, #tpu.memory_space<hbm>> -> memref<1x64xf32, #tpu.memory_space<hbm>>
      %dma_wait3A_2212 = tpu.memref_squeeze %dma_wait3A_2211 : memref<1x64xf32, #tpu.memory_space<hbm>> -> memref<64xf32, #tpu.memory_space<hbm>>
      tpu.wait_dma2 semaphore(%run_scoped3A : memref<!tpu.dma_semaphore, #tpu.memory_space<semaphore_mem>>) src(%dma_wait3A_2212 : memref<64xf32, #tpu.memory_space<hbm>>) dst(%arg5 : memref<64xf32, #tpu.memory_space<vmem>>)
      tpu.yield
    }) : () -> ()
    %get3A = arith.constant 0 : index
    %get3A_1 = tpu.vector_load %arg5[%get3A] {strides = array<i32>} : memref<64xf32, #tpu.memory_space<vmem>>, vector<16xf32>,
    %get3A_2 = vector.shape_cast %get3A_1 : vector<16xf32> to vector<16xf32>
    %get3A_3 = arith.constant 16 : index
    %get3A_4 = tpu.vector_load %arg5[%get3A_3] {strides = array<i32>} : memref<64xf32, #tpu.memory_space<vmem>>, vector<16xf32>,
    %get3A_5 = vector.shape_cast %get3A_4 : vector<16xf32> to vector<16xf32>
    %get3A_6 = arith.constant 32 : index
    %get3A_7 = tpu.vector_load %arg5[%get3A_6] {strides = array<i32>} : memref<64xf32, #tpu.memory_space<vmem>>, vector<16xf32>,
    %get3A_8 = vector.shape_cast %get3A_7 : vector<16xf32> to vector<16xf32>
    %get3A_9 = arith.constant 48 : index
    %get3A_10 = tpu.vector_load %arg5[%get3A_9] {strides = array<i32>} : memref<64xf32, #tpu.memory_space<vmem>>, vector<16xf32>,
    %get3A_11 = vector.shape_cast %get3A_10 : vector<16xf32> to vector<16xf32>
    %max3A = arith.maximumf %get3A_2, %get3A_5 : vector<16xf32>
    %max3A_12 = arith.maximumf %get3A_8, %get3A_11 : vector<16xf32>
    %max3A_13 = arith.maximumf %max3A, %max3A_12 : vector<16xf32>
    %xor3A = arith.constant 8 : i32
    %xor3A_14 = vector.broadcast %xor3A : i32 to vector<16xi32>
    %xor3A_15 = arith.xori %iota3A, %xor3A_14 : vector<16xi32>
    %lt3A = arith.constant 0 : i32
    %lt3A_16 = vector.broadcast %lt3A : i32 to vector<16xi32>
    %lt3A_17 = arith.cmpi slt, %xor3A_15, %lt3A_16 : vector<16xi32>
    %add3A_18 = arith.constant 16 : i32
    %add3A_19 = vector.broadcast %add3A_18 : i32 to vector<16xi32>
    %add3A_20 = arith.addi %xor3A_15, %add3A_19 : vector<16xi32>
    %select_n3A = arith.select %lt3A_17, %add3A_20, %xor3A_15 : vector<16xi1>, vector<16xi32>
    %broadcast_in_dim3A = vector.shape_cast %select_n3A : vector<16xi32> to vector<16x1xi32>
    %gather3A = vector.shape_cast %broadcast_in_dim3A : vector<16x1xi32> to vector<16xi32>
    %gather3A_21 = tpu.dynamic_gather %max3A_13[%gather3A] in [0] : vector<16xf32>, vector<16xi32> -> vector<16xf32>
    %max3A_22 = arith.maximumf %max3A_13, %gather3A_21 : vector<16xf32>
    %xor3A_23 = arith.constant 4 : i32
    %xor3A_24 = vector.broadcast %xor3A_23 : i32 to vector<16xi32>
    %xor3A_25 = arith.xori %iota3A, %xor3A_24 : vector<16xi32>
    %lt3A_26 = arith.constant 0 : i32
    %lt3A_27 = vector.broadcast %lt3A_26 : i32 to vector<16xi32>
    %lt3A_28 = arith.cmpi slt, %xor3A_25, %lt3A_27 : vector<16xi32>
    %add3A_29 = arith.constant 16 : i32
    %add3A_30 = vector.broadcast %add3A_29 : i32 to vector<16xi32>
    %add3A_31 = arith.addi %xor3A_25, %add3A_30 : vector<16xi32>
    %select_n3A_32 = arith.select %lt3A_28, %add3A_31, %xor3A_25 : vector<16xi1>, vector<16xi32>
    %broadcast_in_dim3A_33 = vector.shape_cast %select_n3A_32 : vector<16xi32> to vector<16x1xi32>
    %gather3A_34 = vector.shape_cast %broadcast_in_dim3A_33 : vector<16x1xi32> to vector<16xi32>
    %gather3A_35 = tpu.dynamic_gather %max3A_22[%gather3A_34] in [0] : vector<16xf32>, vector<16xi32> -> vector<16xf32>
    %max3A_36 = arith.maximumf %max3A_22, %gather3A_35 : vector<16xf32>
    %xor3A_37 = arith.constant 2 : i32
    %xor3A_38 = vector.broadcast %xor3A_37 : i32 to vector<16xi32>
    %xor3A_39 = arith.xori %iota3A, %xor3A_38 : vector<16xi32>
    %lt3A_40 = arith.constant 0 : i32
    %lt3A_41 = vector.broadcast %lt3A_40 : i32 to vector<16xi32>
    %lt3A_42 = arith.cmpi slt, %xor3A_39, %lt3A_41 : vector<16xi32>
    %add3A_43 = arith.constant 16 : i32
    %add3A_44 = vector.broadcast %add3A_43 : i32 to vector<16xi32>
    %add3A_45 = arith.addi %xor3A_39, %add3A_44 : vector<16xi32>
    %select_n3A_46 = arith.select %lt3A_42, %add3A_45, %xor3A_39 : vector<16xi1>, vector<16xi32>
    %broadcast_in_dim3A_47 = vector.shape_cast %select_n3A_46 : vector<16xi32> to vector<16x1xi32>
    %gather3A_48 = vector.shape_cast %broadcast_in_dim3A_47 : vector<16x1xi32> to vector<16xi32>
    %gather3A_49 = tpu.dynamic_gather %max3A_36[%gather3A_48] in [0] : vector<16xf32>, vector<16xi32> -> vector<16xf32>
    %max3A_50 = arith.maximumf %max3A_36, %gather3A_49 : vector<16xf32>
    %xor3A_51 = arith.constant 1 : i32
    %xor3A_52 = vector.broadcast %xor3A_51 : i32 to vector<16xi32>
    %xor3A_53 = arith.xori %iota3A, %xor3A_52 : vector<16xi32>
    %lt3A_54 = arith.constant 0 : i32
    %lt3A_55 = vector.broadcast %lt3A_54 : i32 to vector<16xi32>
    %lt3A_56 = arith.cmpi slt, %xor3A_53, %lt3A_55 : vector<16xi32>
    %add3A_57 = arith.constant 16 : i32
    %add3A_58 = vector.broadcast %add3A_57 : i32 to vector<16xi32>
    %add3A_59 = arith.addi %xor3A_53, %add3A_58 : vector<16xi32>
    %select_n3A_60 = arith.select %lt3A_56, %add3A_59, %xor3A_53 : vector<16xi1>, vector<16xi32>
    %broadcast_in_dim3A_61 = vector.shape_cast %select_n3A_60 : vector<16xi32> to vector<16x1xi32>
    %gather3A_62 = vector.shape_cast %broadcast_in_dim3A_61 : vector<16x1xi32> to vector<16xi32>
    %gather3A_63 = tpu.dynamic_gather %max3A_50[%gather3A_62] in [0] : vector<16xf32>, vector<16xi32> -> vector<16xf32>
    %max3A_64 = arith.maximumf %max3A_50, %gather3A_63 : vector<16xf32>
    %sub3A = arith.subf %get3A_2, %max3A_64 : vector<16xf32>
    %exp3A = math.exp %sub3A : vector<16xf32>
    %sub3A_65 = arith.subf %get3A_5, %max3A_64 : vector<16xf32>
    %exp3A_66 = math.exp %sub3A_65 : vector<16xf32>
    %sub3A_67 = arith.subf %get3A_8, %max3A_64 : vector<16xf32>
    %exp3A_68 = math.exp %sub3A_67 : vector<16xf32>
    %sub3A_69 = arith.subf %get3A_11, %max3A_64 : vector<16xf32>
    %exp3A_70 = math.exp %sub3A_69 : vector<16xf32>
    %add3A_71 = arith.addf %exp3A, %exp3A_66 : vector<16xf32>
    %add3A_72 = arith.addf %exp3A_68, %exp3A_70 : vector<16xf32>
    %add3A_73 = arith.addf %add3A_71, %add3A_72 : vector<16xf32>
    %xor3A_74 = arith.constant 8 : i32
    %xor3A_75 = vector.broadcast %xor3A_74 : i32 to vector<16xi32>
    %xor3A_76 = arith.xori %iota3A, %xor3A_75 : vector<16xi32>
    %lt3A_77 = arith.constant 0 : i32
    %lt3A_78 = vector.broadcast %lt3A_77 : i32 to vector<16xi32>
    %lt3A_79 = arith.cmpi slt, %xor3A_76, %lt3A_78 : vector<16xi32>
    %add3A_80 = arith.constant 16 : i32
    %add3A_81 = vector.broadcast %add3A_80 : i32 to vector<16xi32>
    %add3A_82 = arith.addi %xor3A_76, %add3A_81 : vector<16xi32>
    %select_n3A_83 = arith.select %lt3A_79, %add3A_82, %xor3A_76 : vector<16xi1>, vector<16xi32>
    %broadcast_in_dim3A_84 = vector.shape_cast %select_n3A_83 : vector<16xi32> to vector<16x1xi32>
    %gather3A_85 = vector.shape_cast %broadcast_in_dim3A_84 : vector<16x1xi32> to vector<16xi32>
    %gather3A_86 = tpu.dynamic_gather %add3A_73[%gather3A_85] in [0] : vector<16xf32>, vector<16xi32> -> vector<16xf32>
    %add3A_87 = arith.addf %add3A_73, %gather3A_86 : vector<16xf32>
    %xor3A_88 = arith.constant 4 : i32
    %xor3A_89 = vector.broadcast %xor3A_88 : i32 to vector<16xi32>
    %xor3A_90 = arith.xori %iota3A, %xor3A_89 : vector<16xi32>
    %lt3A_91 = arith.constant 0 : i32
    %lt3A_92 = vector.broadcast %lt3A_91 : i32 to vector<16xi32>
    %lt3A_93 = arith.cmpi slt, %xor3A_90, %lt3A_92 : vector<16xi32>
    %add3A_94 = arith.constant 16 : i32
    %add3A_95 = vector.broadcast %add3A_94 : i32 to vector<16xi32>
    %add3A_96 = arith.addi %xor3A_90, %add3A_95 : vector<16xi32>
    %select_n3A_97 = arith.select %lt3A_93, %add3A_96, %xor3A_90 : vector<16xi1>, vector<16xi32>
    %broadcast_in_dim3A_98 = vector.shape_cast %select_n3A_97 : vector<16xi32> to vector<16x1xi32>
    %gather3A_99 = vector.shape_cast %broadcast_in_dim3A_98 : vector<16x1xi32> to vector<16xi32>
    %gather3A_100 = tpu.dynamic_gather %add3A_87[%gather3A_99] in [0] : vector<16xf32>, vector<16xi32> -> vector<16xf32>
    %add3A_101 = arith.addf %add3A_87, %gather3A_100 : vector<16xf32>
    %xor3A_102 = arith.constant 2 : i32
    %xor3A_103 = vector.broadcast %xor3A_102 : i32 to vector<16xi32>
    %xor3A_104 = arith.xori %iota3A, %xor3A_103 : vector<16xi32>
    %lt3A_105 = arith.constant 0 : i32
    %lt3A_106 = vector.broadcast %lt3A_105 : i32 to vector<16xi32>
    %lt3A_107 = arith.cmpi slt, %xor3A_104, %lt3A_106 : vector<16xi32>
    %add3A_108 = arith.constant 16 : i32
    %add3A_109 = vector.broadcast %add3A_108 : i32 to vector<16xi32>
    %add3A_110 = arith.addi %xor3A_104, %add3A_109 : vector<16xi32>
    %select_n3A_111 = arith.select %lt3A_107, %add3A_110, %xor3A_104 : vector<16xi1>, vector<16xi32>
    %broadcast_in_dim3A_112 = vector.shape_cast %select_n3A_111 : vector<16xi32> to vector<16x1xi32>
    %gather3A_113 = vector.shape_cast %broadcast_in_dim3A_112 : vector<16x1xi32> to vector<16xi32>
    %gather3A_114 = tpu.dynamic_gather %add3A_101[%gather3A_113] in [0] : vector<16xf32>, vector<16xi32> -> vector<16xf32>
    %add3A_115 = arith.addf %add3A_101, %gather3A_114 : vector<16xf32>
    %xor3A_116 = arith.constant 1 : i32
    %xor3A_117 = vector.broadcast %xor3A_116 : i32 to vector<16xi32>
    %xor3A_118 = arith.xori %iota3A, %xor3A_117 : vector<16xi32>
    %lt3A_119 = arith.constant 0 : i32
    %lt3A_120 = vector.broadcast %lt3A_119 : i32 to vector<16xi32>
    %lt3A_121 = arith.cmpi slt, %xor3A_118, %lt3A_120 : vector<16xi32>
    %add3A_122 = arith.constant 16 : i32
    %add3A_123 = vector.broadcast %add3A_122 : i32 to vector<16xi32>
    %add3A_124 = arith.addi %xor3A_118, %add3A_123 : vector<16xi32>
    %select_n3A_125 = arith.select %lt3A_121, %add3A_124, %xor3A_118 : vector<16xi1>, vector<16xi32>
    %broadcast_in_dim3A_126 = vector.shape_cast %select_n3A_125 : vector<16xi32> to vector<16x1xi32>
    %gather3A_127 = vector.shape_cast %broadcast_in_dim3A_126 : vector<16x1xi32> to vector<16xi32>
    %gather3A_128 = tpu.dynamic_gather %add3A_115[%gather3A_127] in [0] : vector<16xf32>, vector<16xi32> -> vector<16xf32>
    %add3A_129 = arith.addf %add3A_115, %gather3A_128 : vector<16xf32>
    %div3A = arith.divf %exp3A, %add3A_129 : vector<16xf32>
    %jit3A = arith.constant 9.99999997E-7 : f32
    %jit3A_130 = arith.constant 1.000000e+00 : f32
    %max3A_131 = vector.broadcast %jit3A : f32 to vector<16xf32>
    %max3A_132 = arith.maximumf %max3A_131, %div3A : vector<16xf32>
    %min3A = vector.broadcast %jit3A_130 : f32 to vector<16xf32>
    %min3A_133 = arith.minimumf %min3A, %max3A_132 : vector<16xf32>
    %div3A_134 = arith.divf %exp3A_66, %add3A_129 : vector<16xf32>
    %jit3A_135 = arith.constant 9.99999997E-7 : f32
    %jit3A_136 = arith.constant 1.000000e+00 : f32
    %max3A_137 = vector.broadcast %jit3A_135 : f32 to vector<16xf32>
    %max3A_138 = arith.maximumf %max3A_137, %div3A_134 : vector<16xf32>
    %min3A_139 = vector.broadcast %jit3A_136 : f32 to vector<16xf32>
    %min3A_140 = arith.minimumf %min3A_139, %max3A_138 : vector<16xf32>
    %div3A_141 = arith.divf %exp3A_68, %add3A_129 : vector<16xf32>
    %jit3A_142 = arith.constant 9.99999997E-7 : f32
    %jit3A_143 = arith.constant 1.000000e+00 : f32
    %max3A_144 = vector.broadcast %jit3A_142 : f32 to vector<16xf32>
    %max3A_145 = arith.maximumf %max3A_144, %div3A_141 : vector<16xf32>
    %min3A_146 = vector.broadcast %jit3A_143 : f32 to vector<16xf32>
    %min3A_147 = arith.minimumf %min3A_146, %max3A_145 : vector<16xf32>
    %div3A_148 = arith.divf %exp3A_70, %add3A_129 : vector<16xf32>
    %jit3A_149 = arith.constant 9.99999997E-7 : f32
    %jit3A_150 = arith.constant 1.000000e+00 : f32
    %max3A_151 = vector.broadcast %jit3A_149 : f32 to vector<16xf32>
    %max3A_152 = arith.maximumf %max3A_151, %div3A_148 : vector<16xf32>
    %min3A_153 = vector.broadcast %jit3A_150 : f32 to vector<16xf32>
    %min3A_154 = arith.minimumf %min3A_153, %max3A_152 : vector<16xf32>
    %broadcast_in_dim3A_155 = arith.constant 0.000000e+00 : f32
    %broadcast_in_dim3A_156 = vector.broadcast %broadcast_in_dim3A_155 : f32 to vector<16xf32>
    %broadcast_in_dim3A_157 = arith.constant 0 : i32
    %broadcast_in_dim3A_158 = vector.broadcast %broadcast_in_dim3A_157 : i32 to vector<16xi32>
    %broadcast_in_dim3A_159 = arith.constant 0.000000e+00 : f32
    %broadcast_in_dim3A_160 = vector.broadcast %broadcast_in_dim3A_159 : f32 to vector<16xf32>
    %max3A_161 = arith.maximumf %get3A_2, %get3A_5 : vector<16xf32>
    %max3A_162 = arith.maximumf %get3A_8, %get3A_11 : vector<16xf32>
    %max3A_163 = arith.maximumf %max3A_161, %max3A_162 : vector<16xf32>
    %xor3A_164 = arith.constant 8 : i32
    %xor3A_165 = vector.broadcast %xor3A_164 : i32 to vector<16xi32>
    %xor3A_166 = arith.xori %iota3A, %xor3A_165 : vector<16xi32>
    %lt3A_167 = arith.constant 0 : i32
    %lt3A_168 = vector.broadcast %lt3A_167 : i32 to vector<16xi32>
    %lt3A_169 = arith.cmpi slt, %xor3A_166, %lt3A_168 : vector<16xi32>
    %add3A_170 = arith.constant 16 : i32
    %add3A_171 = vector.broadcast %add3A_170 : i32 to vector<16xi32>
    %add3A_172 = arith.addi %xor3A_166, %add3A_171 : vector<16xi32>
    %select_n3A_173 = arith.select %lt3A_169, %add3A_172, %xor3A_166 : vector<16xi1>, vector<16xi32>
    %broadcast_in_dim3A_174 = vector.shape_cast %select_n3A_173 : vector<16xi32> to vector<16x1xi32>
    %gather3A_175 = vector.shape_cast %broadcast_in_dim3A_174 : vector<16x1xi32> to vector<16xi32>
    %gather3A_176 = tpu.dynamic_gather %max3A_163[%gather3A_175] in [0] : vector<16xf32>, vector<16xi32> -> vector<16xf32>
    %max3A_177 = arith.maximumf %max3A_163, %gather3A_176 : vector<16xf32>
    %xor3A_178 = arith.constant 4 : i32
    %xor3A_179 = vector.broadcast %xor3A_178 : i32 to vector<16xi32>
    %xor3A_180 = arith.xori %iota3A, %xor3A_179 : vector<16xi32>
    %lt3A_181 = arith.constant 0 : i32
    %lt3A_182 = vector.broadcast %lt3A_181 : i32 to vector<16xi32>
    %lt3A_183 = arith.cmpi slt, %xor3A_180, %lt3A_182 : vector<16xi32>
    %add3A_184 = arith.constant 16 : i32
    %add3A_185 = vector.broadcast %add3A_184 : i32 to vector<16xi32>
    %add3A_186 = arith.addi %xor3A_180, %add3A_185 : vector<16xi32>
    %select_n3A_187 = arith.select %lt3A_183, %add3A_186, %xor3A_180 : vector<16xi1>, vector<16xi32>
    %broadcast_in_dim3A_188 = vector.shape_cast %select_n3A_187 : vector<16xi32> to vector<16x1xi32>
    %gather3A_189 = vector.shape_cast %broadcast_in_dim3A_188 : vector<16x1xi32> to vector<16xi32>
    %gather3A_190 = tpu.dynamic_gather %max3A_177[%gather3A_189] in [0] : vector<16xf32>, vector<16xi32> -> vector<16xf32>
    %max3A_191 = arith.maximumf %max3A_177, %gather3A_190 : vector<16xf32>
    %xor3A_192 = arith.constant 2 : i32
    %xor3A_193 = vector.broadcast %xor3A_192 : i32 to vector<16xi32>
    %xor3A_194 = arith.xori %iota3A, %xor3A_193 : vector<16xi32>
    %lt3A_195 = arith.constant 0 : i32
    %lt3A_196 = vector.broadcast %lt3A_195 : i32 to vector<16xi32>
    %lt3A_197 = arith.cmpi slt, %xor3A_194, %lt3A_196 : vector<16xi32>
    %add3A_198 = arith.constant 16 : i32
    %add3A_199 = vector.broadcast %add3A_198 : i32 to vector<16xi32>
    %add3A_200 = arith.addi %xor3A_194, %add3A_199 : vector<16xi32>
    %select_n3A_201 = arith.select %lt3A_197, %add3A_200, %xor3A_194 : vector<16xi1>, vector<16xi32>
    %broadcast_in_dim3A_202 = vector.shape_cast %select_n3A_201 : vector<16xi32> to vector<16x1xi32>
    %gather3A_203 = vector.shape_cast %broadcast_in_dim3A_202 : vector<16x1xi32> to vector<16xi32>
    %gather3A_204 = tpu.dynamic_gather %max3A_191[%gather3A_203] in [0] : vector<16xf32>, vector<16xi32> -> vector<16xf32>
    %max3A_205 = arith.maximumf %max3A_191, %gather3A_204 : vector<16xf32>
    %xor3A_206 = arith.constant 1 : i32
    %xor3A_207 = vector.broadcast %xor3A_206 : i32 to vector<16xi32>
    %xor3A_208 = arith.xori %iota3A, %xor3A_207 : vector<16xi32>
    %lt3A_209 = arith.constant 0 : i32
    %lt3A_210 = vector.broadcast %lt3A_209 : i32 to vector<16xi32>
    %lt3A_211 = arith.cmpi slt, %xor3A_208, %lt3A_210 : vector<16xi32>
    %add3A_212 = arith.constant 16 : i32
    %add3A_213 = vector.broadcast %add3A_212 : i32 to vector<16xi32>
    %add3A_214 = arith.addi %xor3A_208, %add3A_213 : vector<16xi32>
    %select_n3A_215 = arith.select %lt3A_211, %add3A_214, %xor3A_208 : vector<16xi1>, vector<16xi32>
    %broadcast_in_dim3A_216 = vector.shape_cast %select_n3A_215 : vector<16xi32> to vector<16x1xi32>
    %gather3A_217 = vector.shape_cast %broadcast_in_dim3A_216 : vector<16x1xi32> to vector<16xi32>
    %gather3A_218 = tpu.dynamic_gather %max3A_205[%gather3A_217] in [0] : vector<16xf32>, vector<16xi32> -> vector<16xf32>
    %max3A_219 = arith.maximumf %max3A_205, %gather3A_218 : vector<16xf32>
    %eq3A = arith.cmpf oeq, %get3A_2, %max3A_219 : vector<16xf32>
    %add3A_220 = arith.constant 0 : i32
    %add3A_221 = vector.broadcast %add3A_220 : i32 to vector<16xi32>
    %add3A_222 = arith.addi %iota3A, %add3A_221 : vector<16xi32>
    %jit3A_223 = arith.constant 64 : i32
    %broadcast_in_dim3A_224 = vector.broadcast %jit3A_223 : i32 to vector<16xi32>
    %select_n3A_225 = arith.select %eq3A, %add3A_222, %broadcast_in_dim3A_224 : vector<16xi1>, vector<16xi32>
    %eq3A_226 = arith.cmpf oeq, %get3A_5, %max3A_219 : vector<16xf32>
    %add3A_227 = arith.constant 16 : i32
    %add3A_228 = vector.broadcast %add3A_227 : i32 to vector<16xi32>
    %add3A_229 = arith.addi %iota3A, %add3A_228 : vector<16xi32>
    %jit3A_230 = arith.constant 64 : i32
    %broadcast_in_dim3A_231 = vector.broadcast %jit3A_230 : i32 to vector<16xi32>
    %select_n3A_232 = arith.select %eq3A_226, %add3A_229, %broadcast_in_dim3A_231 : vector<16xi1>, vector<16xi32>
    %eq3A_233 = arith.cmpf oeq, %get3A_8, %max3A_219 : vector<16xf32>
    %add3A_234 = arith.constant 32 : i32
    %add3A_235 = vector.broadcast %add3A_234 : i32 to vector<16xi32>
    %add3A_236 = arith.addi %iota3A, %add3A_235 : vector<16xi32>
    %jit3A_237 = arith.constant 64 : i32
    %broadcast_in_dim3A_238 = vector.broadcast %jit3A_237 : i32 to vector<16xi32>
    %select_n3A_239 = arith.select %eq3A_233, %add3A_236, %broadcast_in_dim3A_238 : vector<16xi1>, vector<16xi32>
    %eq3A_240 = arith.cmpf oeq, %get3A_11, %max3A_219 : vector<16xf32>
    %add3A_241 = arith.constant 48 : i32
    %add3A_242 = vector.broadcast %add3A_241 : i32 to vector<16xi32>
    %add3A_243 = arith.addi %iota3A, %add3A_242 : vector<16xi32>
    %jit3A_244 = arith.constant 64 : i32
    %broadcast_in_dim3A_245 = vector.broadcast %jit3A_244 : i32 to vector<16xi32>
    %select_n3A_246 = arith.select %eq3A_240, %add3A_243, %broadcast_in_dim3A_245 : vector<16xi1>, vector<16xi32>
    %min3A_247 = arith.minsi %select_n3A_225, %select_n3A_232 : vector<16xi32>
    %min3A_248 = arith.minsi %select_n3A_239, %select_n3A_246 : vector<16xi32>
    %min3A_249 = arith.minsi %min3A_247, %min3A_248 : vector<16xi32>
    %xor3A_250 = arith.constant 8 : i32
    %xor3A_251 = vector.broadcast %xor3A_250 : i32 to vector<16xi32>
    %xor3A_252 = arith.xori %iota3A, %xor3A_251 : vector<16xi32>
    %lt3A_253 = arith.constant 0 : i32
    %lt3A_254 = vector.broadcast %lt3A_253 : i32 to vector<16xi32>
    %lt3A_255 = arith.cmpi slt, %xor3A_252, %lt3A_254 : vector<16xi32>
    %add3A_256 = arith.constant 16 : i32
    %add3A_257 = vector.broadcast %add3A_256 : i32 to vector<16xi32>
    %add3A_258 = arith.addi %xor3A_252, %add3A_257 : vector<16xi32>
    %select_n3A_259 = arith.select %lt3A_255, %add3A_258, %xor3A_252 : vector<16xi1>, vector<16xi32>
    %broadcast_in_dim3A_260 = vector.shape_cast %select_n3A_259 : vector<16xi32> to vector<16x1xi32>
    %gather3A_261 = vector.shape_cast %broadcast_in_dim3A_260 : vector<16x1xi32> to vector<16xi32>
    %gather3A_262 = tpu.dynamic_gather %min3A_249[%gather3A_261] in [0] : vector<16xi32>, vector<16xi32> -> vector<16xi32>
    %min3A_263 = arith.minsi %min3A_249, %gather3A_262 : vector<16xi32>
    %xor3A_264 = arith.constant 4 : i32
    %xor3A_265 = vector.broadcast %xor3A_264 : i32 to vector<16xi32>
    %xor3A_266 = arith.xori %iota3A, %xor3A_265 : vector<16xi32>
    %lt3A_267 = arith.constant 0 : i32
    %lt3A_268 = vector.broadcast %lt3A_267 : i32 to vector<16xi32>
    %lt3A_269 = arith.cmpi slt, %xor3A_266, %lt3A_268 : vector<16xi32>
    %add3A_270 = arith.constant 16 : i32
    %add3A_271 = vector.broadcast %add3A_270 : i32 to vector<16xi32>
    %add3A_272 = arith.addi %xor3A_266, %add3A_271 : vector<16xi32>
    %select_n3A_273 = arith.select %lt3A_269, %add3A_272, %xor3A_266 : vector<16xi1>, vector<16xi32>
    %broadcast_in_dim3A_274 = vector.shape_cast %select_n3A_273 : vector<16xi32> to vector<16x1xi32>
    %gather3A_275 = vector.shape_cast %broadcast_in_dim3A_274 : vector<16x1xi32> to vector<16xi32>
    %gather3A_276 = tpu.dynamic_gather %min3A_263[%gather3A_275] in [0] : vector<16xi32>, vector<16xi32> -> vector<16xi32>
    %min3A_277 = arith.minsi %min3A_263, %gather3A_276 : vector<16xi32>
    %xor3A_278 = arith.constant 2 : i32
    %xor3A_279 = vector.broadcast %xor3A_278 : i32 to vector<16xi32>
    %xor3A_280 = arith.xori %iota3A, %xor3A_279 : vector<16xi32>
    %lt3A_281 = arith.constant 0 : i32
    %lt3A_282 = vector.broadcast %lt3A_281 : i32 to vector<16xi32>
    %lt3A_283 = arith.cmpi slt, %xor3A_280, %lt3A_282 : vector<16xi32>
    %add3A_284 = arith.constant 16 : i32
    %add3A_285 = vector.broadcast %add3A_284 : i32 to vector<16xi32>
    %add3A_286 = arith.addi %xor3A_280, %add3A_285 : vector<16xi32>
    %select_n3A_287 = arith.select %lt3A_283, %add3A_286, %xor3A_280 : vector<16xi1>, vector<16xi32>
    %broadcast_in_dim3A_288 = vector.shape_cast %select_n3A_287 : vector<16xi32> to vector<16x1xi32>
    %gather3A_289 = vector.shape_cast %broadcast_in_dim3A_288 : vector<16x1xi32> to vector<16xi32>
    %gather3A_290 = tpu.dynamic_gather %min3A_277[%gather3A_289] in [0] : vector<16xi32>, vector<16xi32> -> vector<16xi32>
    %min3A_291 = arith.minsi %min3A_277, %gather3A_290 : vector<16xi32>
    %xor3A_292 = arith.constant 1 : i32
    %xor3A_293 = vector.broadcast %xor3A_292 : i32 to vector<16xi32>
    %xor3A_294 = arith.xori %iota3A, %xor3A_293 : vector<16xi32>
    %lt3A_295 = arith.constant 0 : i32
    %lt3A_296 = vector.broadcast %lt3A_295 : i32 to vector<16xi32>
    %lt3A_297 = arith.cmpi slt, %xor3A_294, %lt3A_296 : vector<16xi32>
    %add3A_298 = arith.constant 16 : i32
    %add3A_299 = vector.broadcast %add3A_298 : i32 to vector<16xi32>
    %add3A_300 = arith.addi %xor3A_294, %add3A_299 : vector<16xi32>
    %select_n3A_301 = arith.select %lt3A_297, %add3A_300, %xor3A_294 : vector<16xi1>, vector<16xi32>
    %broadcast_in_dim3A_302 = vector.shape_cast %select_n3A_301 : vector<16xi32> to vector<16x1xi32>
    %gather3A_303 = vector.shape_cast %broadcast_in_dim3A_302 : vector<16x1xi32> to vector<16xi32>
    %gather3A_304 = tpu.dynamic_gather %min3A_291[%gather3A_303] in [0] : vector<16xi32>, vector<16xi32> -> vector<16xi32>
    %min3A_305 = arith.minsi %min3A_291, %gather3A_304 : vector<16xi32>
    %add3A_306 = arith.constant 0 : i32
    %add3A_307 = vector.broadcast %add3A_306 : i32 to vector<16xi32>
    %add3A_308 = arith.addi %iota3A, %add3A_307 : vector<16xi32>
    %eq3A_309 = arith.cmpi eq, %add3A_308, %min3A_305 : vector<16xi32>
    %add3A_310 = arith.constant 16 : i32
    %add3A_311 = vector.broadcast %add3A_310 : i32 to vector<16xi32>
    %add3A_312 = arith.addi %iota3A, %add3A_311 : vector<16xi32>
    %eq3A_313 = arith.cmpi eq, %add3A_312, %min3A_305 : vector<16xi32>
    %add3A_314 = arith.constant 32 : i32
    %add3A_315 = vector.broadcast %add3A_314 : i32 to vector<16xi32>
    %add3A_316 = arith.addi %iota3A, %add3A_315 : vector<16xi32>
    %eq3A_317 = arith.cmpi eq, %add3A_316, %min3A_305 : vector<16xi32>
    %add3A_318 = arith.constant 48 : i32
    %add3A_319 = vector.broadcast %add3A_318 : i32 to vector<16xi32>
    %add3A_320 = arith.addi %iota3A, %add3A_319 : vector<16xi32>
    %eq3A_321 = arith.cmpi eq, %add3A_320, %min3A_305 : vector<16xi32>
    %jit3A_322 = arith.constant 0.000000e+00 : f32
    %broadcast_in_dim3A_323 = vector.broadcast %jit3A_322 : f32 to vector<16xf32>
    %select_n3A_324 = arith.select %eq3A_309, %min3A_133, %broadcast_in_dim3A_323 : vector<16xi1>, vector<16xf32>
    %jit3A_325 = arith.constant 0.000000e+00 : f32
    %broadcast_in_dim3A_326 = vector.broadcast %jit3A_325 : f32 to vector<16xf32>
    %select_n3A_327 = arith.select %eq3A_313, %min3A_140, %broadcast_in_dim3A_326 : vector<16xi1>, vector<16xf32>
    %add3A_328 = arith.addf %select_n3A_324, %select_n3A_327 : vector<16xf32>
    %jit3A_329 = arith.constant 0.000000e+00 : f32
    %broadcast_in_dim3A_330 = vector.broadcast %jit3A_329 : f32 to vector<16xf32>
    %select_n3A_331 = arith.select %eq3A_317, %min3A_147, %broadcast_in_dim3A_330 : vector<16xi1>, vector<16xf32>
    %add3A_332 = arith.addf %add3A_328, %select_n3A_331 : vector<16xf32>
    %jit3A_333 = arith.constant 0.000000e+00 : f32
    %broadcast_in_dim3A_334 = vector.broadcast %jit3A_333 : f32 to vector<16xf32>
    %select_n3A_335 = arith.select %eq3A_321, %min3A_154, %broadcast_in_dim3A_334 : vector<16xi1>, vector<16xf32>
    %add3A_336 = arith.addf %add3A_332, %select_n3A_335 : vector<16xf32>
    %xor3A_337 = arith.constant 8 : i32
    %xor3A_338 = vector.broadcast %xor3A_337 : i32 to vector<16xi32>
    %xor3A_339 = arith.xori %iota3A, %xor3A_338 : vector<16xi32>
    %lt3A_340 = arith.constant 0 : i32
    %lt3A_341 = vector.broadcast %lt3A_340 : i32 to vector<16xi32>
    %lt3A_342 = arith.cmpi slt, %xor3A_339, %lt3A_341 : vector<16xi32>
    %add3A_343 = arith.constant 16 : i32
    %add3A_344 = vector.broadcast %add3A_343 : i32 to vector<16xi32>
    %add3A_345 = arith.addi %xor3A_339, %add3A_344 : vector<16xi32>
    %select_n3A_346 = arith.select %lt3A_342, %add3A_345, %xor3A_339 : vector<16xi1>, vector<16xi32>
    %broadcast_in_dim3A_347 = vector.shape_cast %select_n3A_346 : vector<16xi32> to vector<16x1xi32>
    %gather3A_348 = vector.shape_cast %broadcast_in_dim3A_347 : vector<16x1xi32> to vector<16xi32>
    %gather3A_349 = tpu.dynamic_gather %add3A_336[%gather3A_348] in [0] : vector<16xf32>, vector<16xi32> -> vector<16xf32>
    %add3A_350 = arith.addf %add3A_336, %gather3A_349 : vector<16xf32>
    %xor3A_351 = arith.constant 4 : i32
    %xor3A_352 = vector.broadcast %xor3A_351 : i32 to vector<16xi32>
    %xor3A_353 = arith.xori %iota3A, %xor3A_352 : vector<16xi32>
    %lt3A_354 = arith.constant 0 : i32
    %lt3A_355 = vector.broadcast %lt3A_354 : i32 to vector<16xi32>
    %lt3A_356 = arith.cmpi slt, %xor3A_353, %lt3A_355 : vector<16xi32>
    %add3A_357 = arith.constant 16 : i32
    %add3A_358 = vector.broadcast %add3A_357 : i32 to vector<16xi32>
    %add3A_359 = arith.addi %xor3A_353, %add3A_358 : vector<16xi32>
    %select_n3A_360 = arith.select %lt3A_356, %add3A_359, %xor3A_353 : vector<16xi1>, vector<16xi32>
    %broadcast_in_dim3A_361 = vector.shape_cast %select_n3A_360 : vector<16xi32> to vector<16x1xi32>
    %gather3A_362 = vector.shape_cast %broadcast_in_dim3A_361 : vector<16x1xi32> to vector<16xi32>
    %gather3A_363 = tpu.dynamic_gather %add3A_350[%gather3A_362] in [0] : vector<16xf32>, vector<16xi32> -> vector<16xf32>
    %add3A_364 = arith.addf %add3A_350, %gather3A_363 : vector<16xf32>
    %xor3A_365 = arith.constant 2 : i32
    %xor3A_366 = vector.broadcast %xor3A_365 : i32 to vector<16xi32>
    %xor3A_367 = arith.xori %iota3A, %xor3A_366 : vector<16xi32>
    %lt3A_368 = arith.constant 0 : i32
    %lt3A_369 = vector.broadcast %lt3A_368 : i32 to vector<16xi32>
    %lt3A_370 = arith.cmpi slt, %xor3A_367, %lt3A_369 : vector<16xi32>
    %add3A_371 = arith.constant 16 : i32
    %add3A_372 = vector.broadcast %add3A_371 : i32 to vector<16xi32>
    %add3A_373 = arith.addi %xor3A_367, %add3A_372 : vector<16xi32>
    %select_n3A_374 = arith.select %lt3A_370, %add3A_373, %xor3A_367 : vector<16xi1>, vector<16xi32>
    %broadcast_in_dim3A_375 = vector.shape_cast %select_n3A_374 : vector<16xi32> to vector<16x1xi32>
    %gather3A_376 = vector.shape_cast %broadcast_in_dim3A_375 : vector<16x1xi32> to vector<16xi32>
    %gather3A_377 = tpu.dynamic_gather %add3A_364[%gather3A_376] in [0] : vector<16xf32>, vector<16xi32> -> vector<16xf32>
    %add3A_378 = arith.addf %add3A_364, %gather3A_377 : vector<16xf32>
    %xor3A_379 = arith.constant 1 : i32
    %xor3A_380 = vector.broadcast %xor3A_379 : i32 to vector<16xi32>
    %xor3A_381 = arith.xori %iota3A, %xor3A_380 : vector<16xi32>
    %lt3A_382 = arith.constant 0 : i32
    %lt3A_383 = vector.broadcast %lt3A_382 : i32 to vector<16xi32>
    %lt3A_384 = arith.cmpi slt, %xor3A_381, %lt3A_383 : vector<16xi32>
    %add3A_385 = arith.constant 16 : i32
    %add3A_386 = vector.broadcast %add3A_385 : i32 to vector<16xi32>
    %add3A_387 = arith.addi %xor3A_381, %add3A_386 : vector<16xi32>
    %select_n3A_388 = arith.select %lt3A_384, %add3A_387, %xor3A_381 : vector<16xi1>, vector<16xi32>
    %broadcast_in_dim3A_389 = vector.shape_cast %select_n3A_388 : vector<16xi32> to vector<16x1xi32>
    %gather3A_390 = vector.shape_cast %broadcast_in_dim3A_389 : vector<16x1xi32> to vector<16xi32>
    %gather3A_391 = tpu.dynamic_gather %add3A_378[%gather3A_390] in [0] : vector<16xf32>, vector<16xi32> -> vector<16xf32>
    %add3A_392 = arith.addf %add3A_378, %gather3A_391 : vector<16xf32>
    %eq3A_393 = arith.constant 0 : i32
    %eq3A_394 = vector.broadcast %eq3A_393 : i32 to vector<16xi32>
    %eq3A_395 = arith.cmpi eq, %iota3A, %eq3A_394 : vector<16xi32>
    %select_n3A_396 = arith.select %eq3A_395, %add3A_392, %broadcast_in_dim3A_156 : vector<16xi1>, vector<16xf32>
    %eq3A_397 = arith.constant 0 : i32
    %eq3A_398 = vector.broadcast %eq3A_397 : i32 to vector<16xi32>
    %eq3A_399 = arith.cmpi eq, %iota3A, %eq3A_398 : vector<16xi32>
    %select_n3A_400 = arith.select %eq3A_399, %min3A_305, %broadcast_in_dim3A_158 : vector<16xi1>, vector<16xi32>
    %add3A_401 = arith.addf %broadcast_in_dim3A_160, %add3A_392 : vector<16xf32>
    %jit3A_402 = arith.constant -3.000000e+38 : f32
    %broadcast_in_dim3A_403 = vector.broadcast %jit3A_402 : f32 to vector<16xf32>
    %select_n3A_404 = arith.select %eq3A_309, %broadcast_in_dim3A_403, %get3A_2 : vector<16xi1>, vector<16xf32>
    %jit3A_405 = arith.constant -3.000000e+38 : f32
    %broadcast_in_dim3A_406 = vector.broadcast %jit3A_405 : f32 to vector<16xf32>
    %select_n3A_407 = arith.select %eq3A_313, %broadcast_in_dim3A_406, %get3A_5 : vector<16xi1>, vector<16xf32>
    %jit3A_408 = arith.constant -3.000000e+38 : f32
    %broadcast_in_dim3A_409 = vector.broadcast %jit3A_408 : f32 to vector<16xf32>
    %select_n3A_410 = arith.select %eq3A_317, %broadcast_in_dim3A_409, %get3A_8 : vector<16xi1>, vector<16xf32>
    %jit3A_411 = arith.constant -3.000000e+38 : f32
    %broadcast_in_dim3A_412 = vector.broadcast %jit3A_411 : f32 to vector<16xf32>
    %select_n3A_413 = arith.select %eq3A_321, %broadcast_in_dim3A_412, %get3A_11 : vector<16xi1>, vector<16xf32>
    %max3A_414 = arith.maximumf %select_n3A_404, %select_n3A_407 : vector<16xf32>
    %max3A_415 = arith.maximumf %select_n3A_410, %select_n3A_413 : vector<16xf32>
    %max3A_416 = arith.maximumf %max3A_414, %max3A_415 : vector<16xf32>
    %xor3A_417 = arith.constant 8 : i32
    %xor3A_418 = vector.broadcast %xor3A_417 : i32 to vector<16xi32>
    %xor3A_419 = arith.xori %iota3A, %xor3A_418 : vector<16xi32>
    %lt3A_420 = arith.constant 0 : i32
    %lt3A_421 = vector.broadcast %lt3A_420 : i32 to vector<16xi32>
    %lt3A_422 = arith.cmpi slt, %xor3A_419, %lt3A_421 : vector<16xi32>
    %add3A_423 = arith.constant 16 : i32
    %add3A_424 = vector.broadcast %add3A_423 : i32 to vector<16xi32>
    %add3A_425 = arith.addi %xor3A_419, %add3A_424 : vector<16xi32>
    %select_n3A_426 = arith.select %lt3A_422, %add3A_425, %xor3A_419 : vector<16xi1>, vector<16xi32>
    %broadcast_in_dim3A_427 = vector.shape_cast %select_n3A_426 : vector<16xi32> to vector<16x1xi32>
    %gather3A_428 = vector.shape_cast %broadcast_in_dim3A_427 : vector<16x1xi32> to vector<16xi32>
    %gather3A_429 = tpu.dynamic_gather %max3A_416[%gather3A_428] in [0] : vector<16xf32>, vector<16xi32> -> vector<16xf32>
    %max3A_430 = arith.maximumf %max3A_416, %gather3A_429 : vector<16xf32>
    %xor3A_431 = arith.constant 4 : i32
    %xor3A_432 = vector.broadcast %xor3A_431 : i32 to vector<16xi32>
    %xor3A_433 = arith.xori %iota3A, %xor3A_432 : vector<16xi32>
    %lt3A_434 = arith.constant 0 : i32
    %lt3A_435 = vector.broadcast %lt3A_434 : i32 to vector<16xi32>
    %lt3A_436 = arith.cmpi slt, %xor3A_433, %lt3A_435 : vector<16xi32>
    %add3A_437 = arith.constant 16 : i32
    %add3A_438 = vector.broadcast %add3A_437 : i32 to vector<16xi32>
    %add3A_439 = arith.addi %xor3A_433, %add3A_438 : vector<16xi32>
    %select_n3A_440 = arith.select %lt3A_436, %add3A_439, %xor3A_433 : vector<16xi1>, vector<16xi32>
    %broadcast_in_dim3A_441 = vector.shape_cast %select_n3A_440 : vector<16xi32> to vector<16x1xi32>
    %gather3A_442 = vector.shape_cast %broadcast_in_dim3A_441 : vector<16x1xi32> to vector<16xi32>
    %gather3A_443 = tpu.dynamic_gather %max3A_430[%gather3A_442] in [0] : vector<16xf32>, vector<16xi32> -> vector<16xf32>
    %max3A_444 = arith.maximumf %max3A_430, %gather3A_443 : vector<16xf32>
    %xor3A_445 = arith.constant 2 : i32
    %xor3A_446 = vector.broadcast %xor3A_445 : i32 to vector<16xi32>
    %xor3A_447 = arith.xori %iota3A, %xor3A_446 : vector<16xi32>
    %lt3A_448 = arith.constant 0 : i32
    %lt3A_449 = vector.broadcast %lt3A_448 : i32 to vector<16xi32>
    %lt3A_450 = arith.cmpi slt, %xor3A_447, %lt3A_449 : vector<16xi32>
    %add3A_451 = arith.constant 16 : i32
    %add3A_452 = vector.broadcast %add3A_451 : i32 to vector<16xi32>
    %add3A_453 = arith.addi %xor3A_447, %add3A_452 : vector<16xi32>
    %select_n3A_454 = arith.select %lt3A_450, %add3A_453, %xor3A_447 : vector<16xi1>, vector<16xi32>
    %broadcast_in_dim3A_455 = vector.shape_cast %select_n3A_454 : vector<16xi32> to vector<16x1xi32>
    %gather3A_456 = vector.shape_cast %broadcast_in_dim3A_455 : vector<16x1xi32> to vector<16xi32>
    %gather3A_457 = tpu.dynamic_gather %max3A_444[%gather3A_456] in [0] : vector<16xf32>, vector<16xi32> -> vector<16xf32>
    %max3A_458 = arith.maximumf %max3A_444, %gather3A_457 : vector<16xf32>
    %xor3A_459 = arith.constant 1 : i32
    %xor3A_460 = vector.broadcast %xor3A_459 : i32 to vector<16xi32>
    %xor3A_461 = arith.xori %iota3A, %xor3A_460 : vector<16xi32>
    %lt3A_462 = arith.constant 0 : i32
    %lt3A_463 = vector.broadcast %lt3A_462 : i32 to vector<16xi32>
    %lt3A_464 = arith.cmpi slt, %xor3A_461, %lt3A_463 : vector<16xi32>
    %add3A_465 = arith.constant 16 : i32
    %add3A_466 = vector.broadcast %add3A_465 : i32 to vector<16xi32>
    %add3A_467 = arith.addi %xor3A_461, %add3A_466 : vector<16xi32>
    %select_n3A_468 = arith.select %lt3A_464, %add3A_467, %xor3A_461 : vector<16xi1>, vector<16xi32>
    %broadcast_in_dim3A_469 = vector.shape_cast %select_n3A_468 : vector<16xi32> to vector<16x1xi32>
    %gather3A_470 = vector.shape_cast %broadcast_in_dim3A_469 : vector<16x1xi32> to vector<16xi32>
    %gather3A_471 = tpu.dynamic_gather %max3A_458[%gather3A_470] in [0] : vector<16xf32>, vector<16xi32> -> vector<16xf32>
    %max3A_472 = arith.maximumf %max3A_458, %gather3A_471 : vector<16xf32>
    %eq3A_473 = arith.cmpf oeq, %select_n3A_404, %max3A_472 : vector<16xf32>
    %add3A_474 = arith.constant 0 : i32
    %add3A_475 = vector.broadcast %add3A_474 : i32 to vector<16xi32>
    %add3A_476 = arith.addi %iota3A, %add3A_475 : vector<16xi32>
    %jit3A_477 = arith.constant 64 : i32
    %broadcast_in_dim3A_478 = vector.broadcast %jit3A_477 : i32 to vector<16xi32>
    %select_n3A_479 = arith.select %eq3A_473, %add3A_476, %broadcast_in_dim3A_478 : vector<16xi1>, vector<16xi32>
    %eq3A_480 = arith.cmpf oeq, %select_n3A_407, %max3A_472 : vector<16xf32>
    %add3A_481 = arith.constant 16 : i32
    %add3A_482 = vector.broadcast %add3A_481 : i32 to vector<16xi32>
    %add3A_483 = arith.addi %iota3A, %add3A_482 : vector<16xi32>
    %jit3A_484 = arith.constant 64 : i32
    %broadcast_in_dim3A_485 = vector.broadcast %jit3A_484 : i32 to vector<16xi32>
    %select_n3A_486 = arith.select %eq3A_480, %add3A_483, %broadcast_in_dim3A_485 : vector<16xi1>, vector<16xi32>
    %eq3A_487 = arith.cmpf oeq, %select_n3A_410, %max3A_472 : vector<16xf32>
    %add3A_488 = arith.constant 32 : i32
    %add3A_489 = vector.broadcast %add3A_488 : i32 to vector<16xi32>
    %add3A_490 = arith.addi %iota3A, %add3A_489 : vector<16xi32>
    %jit3A_491 = arith.constant 64 : i32
    %broadcast_in_dim3A_492 = vector.broadcast %jit3A_491 : i32 to vector<16xi32>
    %select_n3A_493 = arith.select %eq3A_487, %add3A_490, %broadcast_in_dim3A_492 : vector<16xi1>, vector<16xi32>
    %eq3A_494 = arith.cmpf oeq, %select_n3A_413, %max3A_472 : vector<16xf32>
    %add3A_495 = arith.constant 48 : i32
    %add3A_496 = vector.broadcast %add3A_495 : i32 to vector<16xi32>
    %add3A_497 = arith.addi %iota3A, %add3A_496 : vector<16xi32>
    %jit3A_498 = arith.constant 64 : i32
    %broadcast_in_dim3A_499 = vector.broadcast %jit3A_498 : i32 to vector<16xi32>
    %select_n3A_500 = arith.select %eq3A_494, %add3A_497, %broadcast_in_dim3A_499 : vector<16xi1>, vector<16xi32>
    %min3A_501 = arith.minsi %select_n3A_479, %select_n3A_486 : vector<16xi32>
    %min3A_502 = arith.minsi %select_n3A_493, %select_n3A_500 : vector<16xi32>
    %min3A_503 = arith.minsi %min3A_501, %min3A_502 : vector<16xi32>
    %xor3A_504 = arith.constant 8 : i32
    %xor3A_505 = vector.broadcast %xor3A_504 : i32 to vector<16xi32>
    %xor3A_506 = arith.xori %iota3A, %xor3A_505 : vector<16xi32>
    %lt3A_507 = arith.constant 0 : i32
    %lt3A_508 = vector.broadcast %lt3A_507 : i32 to vector<16xi32>
    %lt3A_509 = arith.cmpi slt, %xor3A_506, %lt3A_508 : vector<16xi32>
    %add3A_510 = arith.constant 16 : i32
    %add3A_511 = vector.broadcast %add3A_510 : i32 to vector<16xi32>
    %add3A_512 = arith.addi %xor3A_506, %add3A_511 : vector<16xi32>
    %select_n3A_513 = arith.select %lt3A_509, %add3A_512, %xor3A_506 : vector<16xi1>, vector<16xi32>
    %broadcast_in_dim3A_514 = vector.shape_cast %select_n3A_513 : vector<16xi32> to vector<16x1xi32>
    %gather3A_515 = vector.shape_cast %broadcast_in_dim3A_514 : vector<16x1xi32> to vector<16xi32>
    %gather3A_516 = tpu.dynamic_gather %min3A_503[%gather3A_515] in [0] : vector<16xi32>, vector<16xi32> -> vector<16xi32>
    %min3A_517 = arith.minsi %min3A_503, %gather3A_516 : vector<16xi32>
    %xor3A_518 = arith.constant 4 : i32
    %xor3A_519 = vector.broadcast %xor3A_518 : i32 to vector<16xi32>
    %xor3A_520 = arith.xori %iota3A, %xor3A_519 : vector<16xi32>
    %lt3A_521 = arith.constant 0 : i32
    %lt3A_522 = vector.broadcast %lt3A_521 : i32 to vector<16xi32>
    %lt3A_523 = arith.cmpi slt, %xor3A_520, %lt3A_522 : vector<16xi32>
    %add3A_524 = arith.constant 16 : i32
    %add3A_525 = vector.broadcast %add3A_524 : i32 to vector<16xi32>
    %add3A_526 = arith.addi %xor3A_520, %add3A_525 : vector<16xi32>
    %select_n3A_527 = arith.select %lt3A_523, %add3A_526, %xor3A_520 : vector<16xi1>, vector<16xi32>
    %broadcast_in_dim3A_528 = vector.shape_cast %select_n3A_527 : vector<16xi32> to vector<16x1xi32>
    %gather3A_529 = vector.shape_cast %broadcast_in_dim3A_528 : vector<16x1xi32> to vector<16xi32>
    %gather3A_530 = tpu.dynamic_gather %min3A_517[%gather3A_529] in [0] : vector<16xi32>, vector<16xi32> -> vector<16xi32>
    %min3A_531 = arith.minsi %min3A_517, %gather3A_530 : vector<16xi32>
    %xor3A_532 = arith.constant 2 : i32
    %xor3A_533 = vector.broadcast %xor3A_532 : i32 to vector<16xi32>
    %xor3A_534 = arith.xori %iota3A, %xor3A_533 : vector<16xi32>
    %lt3A_535 = arith.constant 0 : i32
    %lt3A_536 = vector.broadcast %lt3A_535 : i32 to vector<16xi32>
    %lt3A_537 = arith.cmpi slt, %xor3A_534, %lt3A_536 : vector<16xi32>
    %add3A_538 = arith.constant 16 : i32
    %add3A_539 = vector.broadcast %add3A_538 : i32 to vector<16xi32>
    %add3A_540 = arith.addi %xor3A_534, %add3A_539 : vector<16xi32>
    %select_n3A_541 = arith.select %lt3A_537, %add3A_540, %xor3A_534 : vector<16xi1>, vector<16xi32>
    %broadcast_in_dim3A_542 = vector.shape_cast %select_n3A_541 : vector<16xi32> to vector<16x1xi32>
    %gather3A_543 = vector.shape_cast %broadcast_in_dim3A_542 : vector<16x1xi32> to vector<16xi32>
    %gather3A_544 = tpu.dynamic_gather %min3A_531[%gather3A_543] in [0] : vector<16xi32>, vector<16xi32> -> vector<16xi32>
    %min3A_545 = arith.minsi %min3A_531, %gather3A_544 : vector<16xi32>
    %xor3A_546 = arith.constant 1 : i32
    %xor3A_547 = vector.broadcast %xor3A_546 : i32 to vector<16xi32>
    %xor3A_548 = arith.xori %iota3A, %xor3A_547 : vector<16xi32>
    %lt3A_549 = arith.constant 0 : i32
    %lt3A_550 = vector.broadcast %lt3A_549 : i32 to vector<16xi32>
    %lt3A_551 = arith.cmpi slt, %xor3A_548, %lt3A_550 : vector<16xi32>
    %add3A_552 = arith.constant 16 : i32
    %add3A_553 = vector.broadcast %add3A_552 : i32 to vector<16xi32>
    %add3A_554 = arith.addi %xor3A_548, %add3A_553 : vector<16xi32>
    %select_n3A_555 = arith.select %lt3A_551, %add3A_554, %xor3A_548 : vector<16xi1>, vector<16xi32>
    %broadcast_in_dim3A_556 = vector.shape_cast %select_n3A_555 : vector<16xi32> to vector<16x1xi32>
    %gather3A_557 = vector.shape_cast %broadcast_in_dim3A_556 : vector<16x1xi32> to vector<16xi32>
    %gather3A_558 = tpu.dynamic_gather %min3A_545[%gather3A_557] in [0] : vector<16xi32>, vector<16xi32> -> vector<16xi32>
    %min3A_559 = arith.minsi %min3A_545, %gather3A_558 : vector<16xi32>
    %add3A_560 = arith.constant 0 : i32
    %add3A_561 = vector.broadcast %add3A_560 : i32 to vector<16xi32>
    %add3A_562 = arith.addi %iota3A, %add3A_561 : vector<16xi32>
    %eq3A_563 = arith.cmpi eq, %add3A_562, %min3A_559 : vector<16xi32>
    %add3A_564 = arith.constant 16 : i32
    %add3A_565 = vector.broadcast %add3A_564 : i32 to vector<16xi32>
    %add3A_566 = arith.addi %iota3A, %add3A_565 : vector<16xi32>
    %eq3A_567 = arith.cmpi eq, %add3A_566, %min3A_559 : vector<16xi32>
    %add3A_568 = arith.constant 32 : i32
    %add3A_569 = vector.broadcast %add3A_568 : i32 to vector<16xi32>
    %add3A_570 = arith.addi %iota3A, %add3A_569 : vector<16xi32>
    %eq3A_571 = arith.cmpi eq, %add3A_570, %min3A_559 : vector<16xi32>
    %add3A_572 = arith.constant 48 : i32
    %add3A_573 = vector.broadcast %add3A_572 : i32 to vector<16xi32>
    %add3A_574 = arith.addi %iota3A, %add3A_573 : vector<16xi32>
    %eq3A_575 = arith.cmpi eq, %add3A_574, %min3A_559 : vector<16xi32>
    %jit3A_576 = arith.constant 0.000000e+00 : f32
    %broadcast_in_dim3A_577 = vector.broadcast %jit3A_576 : f32 to vector<16xf32>
    %select_n3A_578 = arith.select %eq3A_563, %min3A_133, %broadcast_in_dim3A_577 : vector<16xi1>, vector<16xf32>
    %jit3A_579 = arith.constant 0.000000e+00 : f32
    %broadcast_in_dim3A_580 = vector.broadcast %jit3A_579 : f32 to vector<16xf32>
    %select_n3A_581 = arith.select %eq3A_567, %min3A_140, %broadcast_in_dim3A_580 : vector<16xi1>, vector<16xf32>
    %add3A_582 = arith.addf %select_n3A_578, %select_n3A_581 : vector<16xf32>
    %jit3A_583 = arith.constant 0.000000e+00 : f32
    %broadcast_in_dim3A_584 = vector.broadcast %jit3A_583 : f32 to vector<16xf32>
    %select_n3A_585 = arith.select %eq3A_571, %min3A_147, %broadcast_in_dim3A_584 : vector<16xi1>, vector<16xf32>
    %add3A_586 = arith.addf %add3A_582, %select_n3A_585 : vector<16xf32>
    %jit3A_587 = arith.constant 0.000000e+00 : f32
    %broadcast_in_dim3A_588 = vector.broadcast %jit3A_587 : f32 to vector<16xf32>
    %select_n3A_589 = arith.select %eq3A_575, %min3A_154, %broadcast_in_dim3A_588 : vector<16xi1>, vector<16xf32>
    %add3A_590 = arith.addf %add3A_586, %select_n3A_589 : vector<16xf32>
    %xor3A_591 = arith.constant 8 : i32
    %xor3A_592 = vector.broadcast %xor3A_591 : i32 to vector<16xi32>
    %xor3A_593 = arith.xori %iota3A, %xor3A_592 : vector<16xi32>
    %lt3A_594 = arith.constant 0 : i32
    %lt3A_595 = vector.broadcast %lt3A_594 : i32 to vector<16xi32>
    %lt3A_596 = arith.cmpi slt, %xor3A_593, %lt3A_595 : vector<16xi32>
    %add3A_597 = arith.constant 16 : i32
    %add3A_598 = vector.broadcast %add3A_597 : i32 to vector<16xi32>
    %add3A_599 = arith.addi %xor3A_593, %add3A_598 : vector<16xi32>
    %select_n3A_600 = arith.select %lt3A_596, %add3A_599, %xor3A_593 : vector<16xi1>, vector<16xi32>
    %broadcast_in_dim3A_601 = vector.shape_cast %select_n3A_600 : vector<16xi32> to vector<16x1xi32>
    %gather3A_602 = vector.shape_cast %broadcast_in_dim3A_601 : vector<16x1xi32> to vector<16xi32>
    %gather3A_603 = tpu.dynamic_gather %add3A_590[%gather3A_602] in [0] : vector<16xf32>, vector<16xi32> -> vector<16xf32>
    %add3A_604 = arith.addf %add3A_590, %gather3A_603 : vector<16xf32>
    %xor3A_605 = arith.constant 4 : i32
    %xor3A_606 = vector.broadcast %xor3A_605 : i32 to vector<16xi32>
    %xor3A_607 = arith.xori %iota3A, %xor3A_606 : vector<16xi32>
    %lt3A_608 = arith.constant 0 : i32
    %lt3A_609 = vector.broadcast %lt3A_608 : i32 to vector<16xi32>
    %lt3A_610 = arith.cmpi slt, %xor3A_607, %lt3A_609 : vector<16xi32>
    %add3A_611 = arith.constant 16 : i32
    %add3A_612 = vector.broadcast %add3A_611 : i32 to vector<16xi32>
    %add3A_613 = arith.addi %xor3A_607, %add3A_612 : vector<16xi32>
    %select_n3A_614 = arith.select %lt3A_610, %add3A_613, %xor3A_607 : vector<16xi1>, vector<16xi32>
    %broadcast_in_dim3A_615 = vector.shape_cast %select_n3A_614 : vector<16xi32> to vector<16x1xi32>
    %gather3A_616 = vector.shape_cast %broadcast_in_dim3A_615 : vector<16x1xi32> to vector<16xi32>
    %gather3A_617 = tpu.dynamic_gather %add3A_604[%gather3A_616] in [0] : vector<16xf32>, vector<16xi32> -> vector<16xf32>
    %add3A_618 = arith.addf %add3A_604, %gather3A_617 : vector<16xf32>
    %xor3A_619 = arith.constant 2 : i32
    %xor3A_620 = vector.broadcast %xor3A_619 : i32 to vector<16xi32>
    %xor3A_621 = arith.xori %iota3A, %xor3A_620 : vector<16xi32>
    %lt3A_622 = arith.constant 0 : i32
    %lt3A_623 = vector.broadcast %lt3A_622 : i32 to vector<16xi32>
    %lt3A_624 = arith.cmpi slt, %xor3A_621, %lt3A_623 : vector<16xi32>
    %add3A_625 = arith.constant 16 : i32
    %add3A_626 = vector.broadcast %add3A_625 : i32 to vector<16xi32>
    %add3A_627 = arith.addi %xor3A_621, %add3A_626 : vector<16xi32>
    %select_n3A_628 = arith.select %lt3A_624, %add3A_627, %xor3A_621 : vector<16xi1>, vector<16xi32>
    %broadcast_in_dim3A_629 = vector.shape_cast %select_n3A_628 : vector<16xi32> to vector<16x1xi32>
    %gather3A_630 = vector.shape_cast %broadcast_in_dim3A_629 : vector<16x1xi32> to vector<16xi32>
    %gather3A_631 = tpu.dynamic_gather %add3A_618[%gather3A_630] in [0] : vector<16xf32>, vector<16xi32> -> vector<16xf32>
    %add3A_632 = arith.addf %add3A_618, %gather3A_631 : vector<16xf32>
    %xor3A_633 = arith.constant 1 : i32
    %xor3A_634 = vector.broadcast %xor3A_633 : i32 to vector<16xi32>
    %xor3A_635 = arith.xori %iota3A, %xor3A_634 : vector<16xi32>
    %lt3A_636 = arith.constant 0 : i32
    %lt3A_637 = vector.broadcast %lt3A_636 : i32 to vector<16xi32>
    %lt3A_638 = arith.cmpi slt, %xor3A_635, %lt3A_637 : vector<16xi32>
    %add3A_639 = arith.constant 16 : i32
    %add3A_640 = vector.broadcast %add3A_639 : i32 to vector<16xi32>
    %add3A_641 = arith.addi %xor3A_635, %add3A_640 : vector<16xi32>
    %select_n3A_642 = arith.select %lt3A_638, %add3A_641, %xor3A_635 : vector<16xi1>, vector<16xi32>
    %broadcast_in_dim3A_643 = vector.shape_cast %select_n3A_642 : vector<16xi32> to vector<16x1xi32>
    %gather3A_644 = vector.shape_cast %broadcast_in_dim3A_643 : vector<16x1xi32> to vector<16xi32>
    %gather3A_645 = tpu.dynamic_gather %add3A_632[%gather3A_644] in [0] : vector<16xf32>, vector<16xi32> -> vector<16xf32>
    %add3A_646 = arith.addf %add3A_632, %gather3A_645 : vector<16xf32>
    %eq3A_647 = arith.constant 1 : i32
    %eq3A_648 = vector.broadcast %eq3A_647 : i32 to vector<16xi32>
    %eq3A_649 = arith.cmpi eq, %iota3A, %eq3A_648 : vector<16xi32>
    %select_n3A_650 = arith.select %eq3A_649, %add3A_646, %select_n3A_396 : vector<16xi1>, vector<16xf32>
    %eq3A_651 = arith.constant 1 : i32
    %eq3A_652 = vector.broadcast %eq3A_651 : i32 to vector<16xi32>
    %eq3A_653 = arith.cmpi eq, %iota3A, %eq3A_652 : vector<16xi32>
    %select_n3A_654 = arith.select %eq3A_653, %min3A_559, %select_n3A_400 : vector<16xi1>, vector<16xi32>
    %add3A_655 = arith.addf %add3A_401, %add3A_646 : vector<16xf32>
    %jit3A_656 = arith.constant -3.000000e+38 : f32
    %broadcast_in_dim3A_657 = vector.broadcast %jit3A_656 : f32 to vector<16xf32>
    %select_n3A_658 = arith.select %eq3A_563, %broadcast_in_dim3A_657, %select_n3A_404 : vector<16xi1>, vector<16xf32>
    %jit3A_659 = arith.constant -3.000000e+38 : f32
    %broadcast_in_dim3A_660 = vector.broadcast %jit3A_659 : f32 to vector<16xf32>
    %select_n3A_661 = arith.select %eq3A_567, %broadcast_in_dim3A_660, %select_n3A_407 : vector<16xi1>, vector<16xf32>
    %jit3A_662 = arith.constant -3.000000e+38 : f32
    %broadcast_in_dim3A_663 = vector.broadcast %jit3A_662 : f32 to vector<16xf32>
    %select_n3A_664 = arith.select %eq3A_571, %broadcast_in_dim3A_663, %select_n3A_410 : vector<16xi1>, vector<16xf32>
    %jit3A_665 = arith.constant -3.000000e+38 : f32
    %broadcast_in_dim3A_666 = vector.broadcast %jit3A_665 : f32 to vector<16xf32>
    %select_n3A_667 = arith.select %eq3A_575, %broadcast_in_dim3A_666, %select_n3A_413 : vector<16xi1>, vector<16xf32>
    %max3A_668 = arith.maximumf %select_n3A_658, %select_n3A_661 : vector<16xf32>
    %max3A_669 = arith.maximumf %select_n3A_664, %select_n3A_667 : vector<16xf32>
    %max3A_670 = arith.maximumf %max3A_668, %max3A_669 : vector<16xf32>
    %xor3A_671 = arith.constant 8 : i32
    %xor3A_672 = vector.broadcast %xor3A_671 : i32 to vector<16xi32>
    %xor3A_673 = arith.xori %iota3A, %xor3A_672 : vector<16xi32>
    %lt3A_674 = arith.constant 0 : i32
    %lt3A_675 = vector.broadcast %lt3A_674 : i32 to vector<16xi32>
    %lt3A_676 = arith.cmpi slt, %xor3A_673, %lt3A_675 : vector<16xi32>
    %add3A_677 = arith.constant 16 : i32
    %add3A_678 = vector.broadcast %add3A_677 : i32 to vector<16xi32>
    %add3A_679 = arith.addi %xor3A_673, %add3A_678 : vector<16xi32>
    %select_n3A_680 = arith.select %lt3A_676, %add3A_679, %xor3A_673 : vector<16xi1>, vector<16xi32>
    %broadcast_in_dim3A_681 = vector.shape_cast %select_n3A_680 : vector<16xi32> to vector<16x1xi32>
    %gather3A_682 = vector.shape_cast %broadcast_in_dim3A_681 : vector<16x1xi32> to vector<16xi32>
    %gather3A_683 = tpu.dynamic_gather %max3A_670[%gather3A_682] in [0] : vector<16xf32>, vector<16xi32> -> vector<16xf32>
    %max3A_684 = arith.maximumf %max3A_670, %gather3A_683 : vector<16xf32>
    %xor3A_685 = arith.constant 4 : i32
    %xor3A_686 = vector.broadcast %xor3A_685 : i32 to vector<16xi32>
    %xor3A_687 = arith.xori %iota3A, %xor3A_686 : vector<16xi32>
    %lt3A_688 = arith.constant 0 : i32
    %lt3A_689 = vector.broadcast %lt3A_688 : i32 to vector<16xi32>
    %lt3A_690 = arith.cmpi slt, %xor3A_687, %lt3A_689 : vector<16xi32>
    %add3A_691 = arith.constant 16 : i32
    %add3A_692 = vector.broadcast %add3A_691 : i32 to vector<16xi32>
    %add3A_693 = arith.addi %xor3A_687, %add3A_692 : vector<16xi32>
    %select_n3A_694 = arith.select %lt3A_690, %add3A_693, %xor3A_687 : vector<16xi1>, vector<16xi32>
    %broadcast_in_dim3A_695 = vector.shape_cast %select_n3A_694 : vector<16xi32> to vector<16x1xi32>
    %gather3A_696 = vector.shape_cast %broadcast_in_dim3A_695 : vector<16x1xi32> to vector<16xi32>
    %gather3A_697 = tpu.dynamic_gather %max3A_684[%gather3A_696] in [0] : vector<16xf32>, vector<16xi32> -> vector<16xf32>
    %max3A_698 = arith.maximumf %max3A_684, %gather3A_697 : vector<16xf32>
    %xor3A_699 = arith.constant 2 : i32
    %xor3A_700 = vector.broadcast %xor3A_699 : i32 to vector<16xi32>
    %xor3A_701 = arith.xori %iota3A, %xor3A_700 : vector<16xi32>
    %lt3A_702 = arith.constant 0 : i32
    %lt3A_703 = vector.broadcast %lt3A_702 : i32 to vector<16xi32>
    %lt3A_704 = arith.cmpi slt, %xor3A_701, %lt3A_703 : vector<16xi32>
    %add3A_705 = arith.constant 16 : i32
    %add3A_706 = vector.broadcast %add3A_705 : i32 to vector<16xi32>
    %add3A_707 = arith.addi %xor3A_701, %add3A_706 : vector<16xi32>
    %select_n3A_708 = arith.select %lt3A_704, %add3A_707, %xor3A_701 : vector<16xi1>, vector<16xi32>
    %broadcast_in_dim3A_709 = vector.shape_cast %select_n3A_708 : vector<16xi32> to vector<16x1xi32>
    %gather3A_710 = vector.shape_cast %broadcast_in_dim3A_709 : vector<16x1xi32> to vector<16xi32>
    %gather3A_711 = tpu.dynamic_gather %max3A_698[%gather3A_710] in [0] : vector<16xf32>, vector<16xi32> -> vector<16xf32>
    %max3A_712 = arith.maximumf %max3A_698, %gather3A_711 : vector<16xf32>
    %xor3A_713 = arith.constant 1 : i32
    %xor3A_714 = vector.broadcast %xor3A_713 : i32 to vector<16xi32>
    %xor3A_715 = arith.xori %iota3A, %xor3A_714 : vector<16xi32>
    %lt3A_716 = arith.constant 0 : i32
    %lt3A_717 = vector.broadcast %lt3A_716 : i32 to vector<16xi32>
    %lt3A_718 = arith.cmpi slt, %xor3A_715, %lt3A_717 : vector<16xi32>
    %add3A_719 = arith.constant 16 : i32
    %add3A_720 = vector.broadcast %add3A_719 : i32 to vector<16xi32>
    %add3A_721 = arith.addi %xor3A_715, %add3A_720 : vector<16xi32>
    %select_n3A_722 = arith.select %lt3A_718, %add3A_721, %xor3A_715 : vector<16xi1>, vector<16xi32>
    %broadcast_in_dim3A_723 = vector.shape_cast %select_n3A_722 : vector<16xi32> to vector<16x1xi32>
    %gather3A_724 = vector.shape_cast %broadcast_in_dim3A_723 : vector<16x1xi32> to vector<16xi32>
    %gather3A_725 = tpu.dynamic_gather %max3A_712[%gather3A_724] in [0] : vector<16xf32>, vector<16xi32> -> vector<16xf32>
    %max3A_726 = arith.maximumf %max3A_712, %gather3A_725 : vector<16xf32>
    %eq3A_727 = arith.cmpf oeq, %select_n3A_658, %max3A_726 : vector<16xf32>
    %add3A_728 = arith.constant 0 : i32
    %add3A_729 = vector.broadcast %add3A_728 : i32 to vector<16xi32>
    %add3A_730 = arith.addi %iota3A, %add3A_729 : vector<16xi32>
    %jit3A_731 = arith.constant 64 : i32
    %broadcast_in_dim3A_732 = vector.broadcast %jit3A_731 : i32 to vector<16xi32>
    %select_n3A_733 = arith.select %eq3A_727, %add3A_730, %broadcast_in_dim3A_732 : vector<16xi1>, vector<16xi32>
    %eq3A_734 = arith.cmpf oeq, %select_n3A_661, %max3A_726 : vector<16xf32>
    %add3A_735 = arith.constant 16 : i32
    %add3A_736 = vector.broadcast %add3A_735 : i32 to vector<16xi32>
    %add3A_737 = arith.addi %iota3A, %add3A_736 : vector<16xi32>
    %jit3A_738 = arith.constant 64 : i32
    %broadcast_in_dim3A_739 = vector.broadcast %jit3A_738 : i32 to vector<16xi32>
    %select_n3A_740 = arith.select %eq3A_734, %add3A_737, %broadcast_in_dim3A_739 : vector<16xi1>, vector<16xi32>
    %eq3A_741 = arith.cmpf oeq, %select_n3A_664, %max3A_726 : vector<16xf32>
    %add3A_742 = arith.constant 32 : i32
    %add3A_743 = vector.broadcast %add3A_742 : i32 to vector<16xi32>
    %add3A_744 = arith.addi %iota3A, %add3A_743 : vector<16xi32>
    %jit3A_745 = arith.constant 64 : i32
    %broadcast_in_dim3A_746 = vector.broadcast %jit3A_745 : i32 to vector<16xi32>
    %select_n3A_747 = arith.select %eq3A_741, %add3A_744, %broadcast_in_dim3A_746 : vector<16xi1>, vector<16xi32>
    %eq3A_748 = arith.cmpf oeq, %select_n3A_667, %max3A_726 : vector<16xf32>
    %add3A_749 = arith.constant 48 : i32
    %add3A_750 = vector.broadcast %add3A_749 : i32 to vector<16xi32>
    %add3A_751 = arith.addi %iota3A, %add3A_750 : vector<16xi32>
    %jit3A_752 = arith.constant 64 : i32
    %broadcast_in_dim3A_753 = vector.broadcast %jit3A_752 : i32 to vector<16xi32>
    %select_n3A_754 = arith.select %eq3A_748, %add3A_751, %broadcast_in_dim3A_753 : vector<16xi1>, vector<16xi32>
    %min3A_755 = arith.minsi %select_n3A_733, %select_n3A_740 : vector<16xi32>
    %min3A_756 = arith.minsi %select_n3A_747, %select_n3A_754 : vector<16xi32>
    %min3A_757 = arith.minsi %min3A_755, %min3A_756 : vector<16xi32>
    %xor3A_758 = arith.constant 8 : i32
    %xor3A_759 = vector.broadcast %xor3A_758 : i32 to vector<16xi32>
    %xor3A_760 = arith.xori %iota3A, %xor3A_759 : vector<16xi32>
    %lt3A_761 = arith.constant 0 : i32
    %lt3A_762 = vector.broadcast %lt3A_761 : i32 to vector<16xi32>
    %lt3A_763 = arith.cmpi slt, %xor3A_760, %lt3A_762 : vector<16xi32>
    %add3A_764 = arith.constant 16 : i32
    %add3A_765 = vector.broadcast %add3A_764 : i32 to vector<16xi32>
    %add3A_766 = arith.addi %xor3A_760, %add3A_765 : vector<16xi32>
    %select_n3A_767 = arith.select %lt3A_763, %add3A_766, %xor3A_760 : vector<16xi1>, vector<16xi32>
    %broadcast_in_dim3A_768 = vector.shape_cast %select_n3A_767 : vector<16xi32> to vector<16x1xi32>
    %gather3A_769 = vector.shape_cast %broadcast_in_dim3A_768 : vector<16x1xi32> to vector<16xi32>
    %gather3A_770 = tpu.dynamic_gather %min3A_757[%gather3A_769] in [0] : vector<16xi32>, vector<16xi32> -> vector<16xi32>
    %min3A_771 = arith.minsi %min3A_757, %gather3A_770 : vector<16xi32>
    %xor3A_772 = arith.constant 4 : i32
    %xor3A_773 = vector.broadcast %xor3A_772 : i32 to vector<16xi32>
    %xor3A_774 = arith.xori %iota3A, %xor3A_773 : vector<16xi32>
    %lt3A_775 = arith.constant 0 : i32
    %lt3A_776 = vector.broadcast %lt3A_775 : i32 to vector<16xi32>
    %lt3A_777 = arith.cmpi slt, %xor3A_774, %lt3A_776 : vector<16xi32>
    %add3A_778 = arith.constant 16 : i32
    %add3A_779 = vector.broadcast %add3A_778 : i32 to vector<16xi32>
    %add3A_780 = arith.addi %xor3A_774, %add3A_779 : vector<16xi32>
    %select_n3A_781 = arith.select %lt3A_777, %add3A_780, %xor3A_774 : vector<16xi1>, vector<16xi32>
    %broadcast_in_dim3A_782 = vector.shape_cast %select_n3A_781 : vector<16xi32> to vector<16x1xi32>
    %gather3A_783 = vector.shape_cast %broadcast_in_dim3A_782 : vector<16x1xi32> to vector<16xi32>
    %gather3A_784 = tpu.dynamic_gather %min3A_771[%gather3A_783] in [0] : vector<16xi32>, vector<16xi32> -> vector<16xi32>
    %min3A_785 = arith.minsi %min3A_771, %gather3A_784 : vector<16xi32>
    %xor3A_786 = arith.constant 2 : i32
    %xor3A_787 = vector.broadcast %xor3A_786 : i32 to vector<16xi32>
    %xor3A_788 = arith.xori %iota3A, %xor3A_787 : vector<16xi32>
    %lt3A_789 = arith.constant 0 : i32
    %lt3A_790 = vector.broadcast %lt3A_789 : i32 to vector<16xi32>
    %lt3A_791 = arith.cmpi slt, %xor3A_788, %lt3A_790 : vector<16xi32>
    %add3A_792 = arith.constant 16 : i32
    %add3A_793 = vector.broadcast %add3A_792 : i32 to vector<16xi32>
    %add3A_794 = arith.addi %xor3A_788, %add3A_793 : vector<16xi32>
    %select_n3A_795 = arith.select %lt3A_791, %add3A_794, %xor3A_788 : vector<16xi1>, vector<16xi32>
    %broadcast_in_dim3A_796 = vector.shape_cast %select_n3A_795 : vector<16xi32> to vector<16x1xi32>
    %gather3A_797 = vector.shape_cast %broadcast_in_dim3A_796 : vector<16x1xi32> to vector<16xi32>
    %gather3A_798 = tpu.dynamic_gather %min3A_785[%gather3A_797] in [0] : vector<16xi32>, vector<16xi32> -> vector<16xi32>
    %min3A_799 = arith.minsi %min3A_785, %gather3A_798 : vector<16xi32>
    %xor3A_800 = arith.constant 1 : i32
    %xor3A_801 = vector.broadcast %xor3A_800 : i32 to vector<16xi32>
    %xor3A_802 = arith.xori %iota3A, %xor3A_801 : vector<16xi32>
    %lt3A_803 = arith.constant 0 : i32
    %lt3A_804 = vector.broadcast %lt3A_803 : i32 to vector<16xi32>
    %lt3A_805 = arith.cmpi slt, %xor3A_802, %lt3A_804 : vector<16xi32>
    %add3A_806 = arith.constant 16 : i32
    %add3A_807 = vector.broadcast %add3A_806 : i32 to vector<16xi32>
    %add3A_808 = arith.addi %xor3A_802, %add3A_807 : vector<16xi32>
    %select_n3A_809 = arith.select %lt3A_805, %add3A_808, %xor3A_802 : vector<16xi1>, vector<16xi32>
    %broadcast_in_dim3A_810 = vector.shape_cast %select_n3A_809 : vector<16xi32> to vector<16x1xi32>
    %gather3A_811 = vector.shape_cast %broadcast_in_dim3A_810 : vector<16x1xi32> to vector<16xi32>
    %gather3A_812 = tpu.dynamic_gather %min3A_799[%gather3A_811] in [0] : vector<16xi32>, vector<16xi32> -> vector<16xi32>
    %min3A_813 = arith.minsi %min3A_799, %gather3A_812 : vector<16xi32>
    %add3A_814 = arith.constant 0 : i32
    %add3A_815 = vector.broadcast %add3A_814 : i32 to vector<16xi32>
    %add3A_816 = arith.addi %iota3A, %add3A_815 : vector<16xi32>
    %eq3A_817 = arith.cmpi eq, %add3A_816, %min3A_813 : vector<16xi32>
    %add3A_818 = arith.constant 16 : i32
    %add3A_819 = vector.broadcast %add3A_818 : i32 to vector<16xi32>
    %add3A_820 = arith.addi %iota3A, %add3A_819 : vector<16xi32>
    %eq3A_821 = arith.cmpi eq, %add3A_820, %min3A_813 : vector<16xi32>
    %add3A_822 = arith.constant 32 : i32
    %add3A_823 = vector.broadcast %add3A_822 : i32 to vector<16xi32>
    %add3A_824 = arith.addi %iota3A, %add3A_823 : vector<16xi32>
    %eq3A_825 = arith.cmpi eq, %add3A_824, %min3A_813 : vector<16xi32>
    %add3A_826 = arith.constant 48 : i32
    %add3A_827 = vector.broadcast %add3A_826 : i32 to vector<16xi32>
    %add3A_828 = arith.addi %iota3A, %add3A_827 : vector<16xi32>
    %eq3A_829 = arith.cmpi eq, %add3A_828, %min3A_813 : vector<16xi32>
    %jit3A_830 = arith.constant 0.000000e+00 : f32
    %broadcast_in_dim3A_831 = vector.broadcast %jit3A_830 : f32 to vector<16xf32>
    %select_n3A_832 = arith.select %eq3A_817, %min3A_133, %broadcast_in_dim3A_831 : vector<16xi1>, vector<16xf32>
    %jit3A_833 = arith.constant 0.000000e+00 : f32
    %broadcast_in_dim3A_834 = vector.broadcast %jit3A_833 : f32 to vector<16xf32>
    %select_n3A_835 = arith.select %eq3A_821, %min3A_140, %broadcast_in_dim3A_834 : vector<16xi1>, vector<16xf32>
    %add3A_836 = arith.addf %select_n3A_832, %select_n3A_835 : vector<16xf32>
    %jit3A_837 = arith.constant 0.000000e+00 : f32
    %broadcast_in_dim3A_838 = vector.broadcast %jit3A_837 : f32 to vector<16xf32>
    %select_n3A_839 = arith.select %eq3A_825, %min3A_147, %broadcast_in_dim3A_838 : vector<16xi1>, vector<16xf32>
    %add3A_840 = arith.addf %add3A_836, %select_n3A_839 : vector<16xf32>
    %jit3A_841 = arith.constant 0.000000e+00 : f32
    %broadcast_in_dim3A_842 = vector.broadcast %jit3A_841 : f32 to vector<16xf32>
    %select_n3A_843 = arith.select %eq3A_829, %min3A_154, %broadcast_in_dim3A_842 : vector<16xi1>, vector<16xf32>
    %add3A_844 = arith.addf %add3A_840, %select_n3A_843 : vector<16xf32>
    %xor3A_845 = arith.constant 8 : i32
    %xor3A_846 = vector.broadcast %xor3A_845 : i32 to vector<16xi32>
    %xor3A_847 = arith.xori %iota3A, %xor3A_846 : vector<16xi32>
    %lt3A_848 = arith.constant 0 : i32
    %lt3A_849 = vector.broadcast %lt3A_848 : i32 to vector<16xi32>
    %lt3A_850 = arith.cmpi slt, %xor3A_847, %lt3A_849 : vector<16xi32>
    %add3A_851 = arith.constant 16 : i32
    %add3A_852 = vector.broadcast %add3A_851 : i32 to vector<16xi32>
    %add3A_853 = arith.addi %xor3A_847, %add3A_852 : vector<16xi32>
    %select_n3A_854 = arith.select %lt3A_850, %add3A_853, %xor3A_847 : vector<16xi1>, vector<16xi32>
    %broadcast_in_dim3A_855 = vector.shape_cast %select_n3A_854 : vector<16xi32> to vector<16x1xi32>
    %gather3A_856 = vector.shape_cast %broadcast_in_dim3A_855 : vector<16x1xi32> to vector<16xi32>
    %gather3A_857 = tpu.dynamic_gather %add3A_844[%gather3A_856] in [0] : vector<16xf32>, vector<16xi32> -> vector<16xf32>
    %add3A_858 = arith.addf %add3A_844, %gather3A_857 : vector<16xf32>
    %xor3A_859 = arith.constant 4 : i32
    %xor3A_860 = vector.broadcast %xor3A_859 : i32 to vector<16xi32>
    %xor3A_861 = arith.xori %iota3A, %xor3A_860 : vector<16xi32>
    %lt3A_862 = arith.constant 0 : i32
    %lt3A_863 = vector.broadcast %lt3A_862 : i32 to vector<16xi32>
    %lt3A_864 = arith.cmpi slt, %xor3A_861, %lt3A_863 : vector<16xi32>
    %add3A_865 = arith.constant 16 : i32
    %add3A_866 = vector.broadcast %add3A_865 : i32 to vector<16xi32>
    %add3A_867 = arith.addi %xor3A_861, %add3A_866 : vector<16xi32>
    %select_n3A_868 = arith.select %lt3A_864, %add3A_867, %xor3A_861 : vector<16xi1>, vector<16xi32>
    %broadcast_in_dim3A_869 = vector.shape_cast %select_n3A_868 : vector<16xi32> to vector<16x1xi32>
    %gather3A_870 = vector.shape_cast %broadcast_in_dim3A_869 : vector<16x1xi32> to vector<16xi32>
    %gather3A_871 = tpu.dynamic_gather %add3A_858[%gather3A_870] in [0] : vector<16xf32>, vector<16xi32> -> vector<16xf32>
    %add3A_872 = arith.addf %add3A_858, %gather3A_871 : vector<16xf32>
    %xor3A_873 = arith.constant 2 : i32
    %xor3A_874 = vector.broadcast %xor3A_873 : i32 to vector<16xi32>
    %xor3A_875 = arith.xori %iota3A, %xor3A_874 : vector<16xi32>
    %lt3A_876 = arith.constant 0 : i32
    %lt3A_877 = vector.broadcast %lt3A_876 : i32 to vector<16xi32>
    %lt3A_878 = arith.cmpi slt, %xor3A_875, %lt3A_877 : vector<16xi32>
    %add3A_879 = arith.constant 16 : i32
    %add3A_880 = vector.broadcast %add3A_879 : i32 to vector<16xi32>
    %add3A_881 = arith.addi %xor3A_875, %add3A_880 : vector<16xi32>
    %select_n3A_882 = arith.select %lt3A_878, %add3A_881, %xor3A_875 : vector<16xi1>, vector<16xi32>
    %broadcast_in_dim3A_883 = vector.shape_cast %select_n3A_882 : vector<16xi32> to vector<16x1xi32>
    %gather3A_884 = vector.shape_cast %broadcast_in_dim3A_883 : vector<16x1xi32> to vector<16xi32>
    %gather3A_885 = tpu.dynamic_gather %add3A_872[%gather3A_884] in [0] : vector<16xf32>, vector<16xi32> -> vector<16xf32>
    %add3A_886 = arith.addf %add3A_872, %gather3A_885 : vector<16xf32>
    %xor3A_887 = arith.constant 1 : i32
    %xor3A_888 = vector.broadcast %xor3A_887 : i32 to vector<16xi32>
    %xor3A_889 = arith.xori %iota3A, %xor3A_888 : vector<16xi32>
    %lt3A_890 = arith.constant 0 : i32
    %lt3A_891 = vector.broadcast %lt3A_890 : i32 to vector<16xi32>
    %lt3A_892 = arith.cmpi slt, %xor3A_889, %lt3A_891 : vector<16xi32>
    %add3A_893 = arith.constant 16 : i32
    %add3A_894 = vector.broadcast %add3A_893 : i32 to vector<16xi32>
    %add3A_895 = arith.addi %xor3A_889, %add3A_894 : vector<16xi32>
    %select_n3A_896 = arith.select %lt3A_892, %add3A_895, %xor3A_889 : vector<16xi1>, vector<16xi32>
    %broadcast_in_dim3A_897 = vector.shape_cast %select_n3A_896 : vector<16xi32> to vector<16x1xi32>
    %gather3A_898 = vector.shape_cast %broadcast_in_dim3A_897 : vector<16x1xi32> to vector<16xi32>
    %gather3A_899 = tpu.dynamic_gather %add3A_886[%gather3A_898] in [0] : vector<16xf32>, vector<16xi32> -> vector<16xf32>
    %add3A_900 = arith.addf %add3A_886, %gather3A_899 : vector<16xf32>
    %eq3A_901 = arith.constant 2 : i32
    %eq3A_902 = vector.broadcast %eq3A_901 : i32 to vector<16xi32>
    %eq3A_903 = arith.cmpi eq, %iota3A, %eq3A_902 : vector<16xi32>
    %select_n3A_904 = arith.select %eq3A_903, %add3A_900, %select_n3A_650 : vector<16xi1>, vector<16xf32>
    %eq3A_905 = arith.constant 2 : i32
    %eq3A_906 = vector.broadcast %eq3A_905 : i32 to vector<16xi32>
    %eq3A_907 = arith.cmpi eq, %iota3A, %eq3A_906 : vector<16xi32>
    %select_n3A_908 = arith.select %eq3A_907, %min3A_813, %select_n3A_654 : vector<16xi1>, vector<16xi32>
    %add3A_909 = arith.addf %add3A_655, %add3A_900 : vector<16xf32>
    %jit3A_910 = arith.constant -3.000000e+38 : f32
    %broadcast_in_dim3A_911 = vector.broadcast %jit3A_910 : f32 to vector<16xf32>
    %select_n3A_912 = arith.select %eq3A_817, %broadcast_in_dim3A_911, %select_n3A_658 : vector<16xi1>, vector<16xf32>
    %jit3A_913 = arith.constant -3.000000e+38 : f32
    %broadcast_in_dim3A_914 = vector.broadcast %jit3A_913 : f32 to vector<16xf32>
    %select_n3A_915 = arith.select %eq3A_821, %broadcast_in_dim3A_914, %select_n3A_661 : vector<16xi1>, vector<16xf32>
    %jit3A_916 = arith.constant -3.000000e+38 : f32
    %broadcast_in_dim3A_917 = vector.broadcast %jit3A_916 : f32 to vector<16xf32>
    %select_n3A_918 = arith.select %eq3A_825, %broadcast_in_dim3A_917, %select_n3A_664 : vector<16xi1>, vector<16xf32>
    %jit3A_919 = arith.constant -3.000000e+38 : f32
    %broadcast_in_dim3A_920 = vector.broadcast %jit3A_919 : f32 to vector<16xf32>
    %select_n3A_921 = arith.select %eq3A_829, %broadcast_in_dim3A_920, %select_n3A_667 : vector<16xi1>, vector<16xf32>
    %max3A_922 = arith.maximumf %select_n3A_912, %select_n3A_915 : vector<16xf32>
    %max3A_923 = arith.maximumf %select_n3A_918, %select_n3A_921 : vector<16xf32>
    %max3A_924 = arith.maximumf %max3A_922, %max3A_923 : vector<16xf32>
    %xor3A_925 = arith.constant 8 : i32
    %xor3A_926 = vector.broadcast %xor3A_925 : i32 to vector<16xi32>
    %xor3A_927 = arith.xori %iota3A, %xor3A_926 : vector<16xi32>
    %lt3A_928 = arith.constant 0 : i32
    %lt3A_929 = vector.broadcast %lt3A_928 : i32 to vector<16xi32>
    %lt3A_930 = arith.cmpi slt, %xor3A_927, %lt3A_929 : vector<16xi32>
    %add3A_931 = arith.constant 16 : i32
    %add3A_932 = vector.broadcast %add3A_931 : i32 to vector<16xi32>
    %add3A_933 = arith.addi %xor3A_927, %add3A_932 : vector<16xi32>
    %select_n3A_934 = arith.select %lt3A_930, %add3A_933, %xor3A_927 : vector<16xi1>, vector<16xi32>
    %broadcast_in_dim3A_935 = vector.shape_cast %select_n3A_934 : vector<16xi32> to vector<16x1xi32>
    %gather3A_936 = vector.shape_cast %broadcast_in_dim3A_935 : vector<16x1xi32> to vector<16xi32>
    %gather3A_937 = tpu.dynamic_gather %max3A_924[%gather3A_936] in [0] : vector<16xf32>, vector<16xi32> -> vector<16xf32>
    %max3A_938 = arith.maximumf %max3A_924, %gather3A_937 : vector<16xf32>
    %xor3A_939 = arith.constant 4 : i32
    %xor3A_940 = vector.broadcast %xor3A_939 : i32 to vector<16xi32>
    %xor3A_941 = arith.xori %iota3A, %xor3A_940 : vector<16xi32>
    %lt3A_942 = arith.constant 0 : i32
    %lt3A_943 = vector.broadcast %lt3A_942 : i32 to vector<16xi32>
    %lt3A_944 = arith.cmpi slt, %xor3A_941, %lt3A_943 : vector<16xi32>
    %add3A_945 = arith.constant 16 : i32
    %add3A_946 = vector.broadcast %add3A_945 : i32 to vector<16xi32>
    %add3A_947 = arith.addi %xor3A_941, %add3A_946 : vector<16xi32>
    %select_n3A_948 = arith.select %lt3A_944, %add3A_947, %xor3A_941 : vector<16xi1>, vector<16xi32>
    %broadcast_in_dim3A_949 = vector.shape_cast %select_n3A_948 : vector<16xi32> to vector<16x1xi32>
    %gather3A_950 = vector.shape_cast %broadcast_in_dim3A_949 : vector<16x1xi32> to vector<16xi32>
    %gather3A_951 = tpu.dynamic_gather %max3A_938[%gather3A_950] in [0] : vector<16xf32>, vector<16xi32> -> vector<16xf32>
    %max3A_952 = arith.maximumf %max3A_938, %gather3A_951 : vector<16xf32>
    %xor3A_953 = arith.constant 2 : i32
    %xor3A_954 = vector.broadcast %xor3A_953 : i32 to vector<16xi32>
    %xor3A_955 = arith.xori %iota3A, %xor3A_954 : vector<16xi32>
    %lt3A_956 = arith.constant 0 : i32
    %lt3A_957 = vector.broadcast %lt3A_956 : i32 to vector<16xi32>
    %lt3A_958 = arith.cmpi slt, %xor3A_955, %lt3A_957 : vector<16xi32>
    %add3A_959 = arith.constant 16 : i32
    %add3A_960 = vector.broadcast %add3A_959 : i32 to vector<16xi32>
    %add3A_961 = arith.addi %xor3A_955, %add3A_960 : vector<16xi32>
    %select_n3A_962 = arith.select %lt3A_958, %add3A_961, %xor3A_955 : vector<16xi1>, vector<16xi32>
    %broadcast_in_dim3A_963 = vector.shape_cast %select_n3A_962 : vector<16xi32> to vector<16x1xi32>
    %gather3A_964 = vector.shape_cast %broadcast_in_dim3A_963 : vector<16x1xi32> to vector<16xi32>
    %gather3A_965 = tpu.dynamic_gather %max3A_952[%gather3A_964] in [0] : vector<16xf32>, vector<16xi32> -> vector<16xf32>
    %max3A_966 = arith.maximumf %max3A_952, %gather3A_965 : vector<16xf32>
    %xor3A_967 = arith.constant 1 : i32
    %xor3A_968 = vector.broadcast %xor3A_967 : i32 to vector<16xi32>
    %xor3A_969 = arith.xori %iota3A, %xor3A_968 : vector<16xi32>
    %lt3A_970 = arith.constant 0 : i32
    %lt3A_971 = vector.broadcast %lt3A_970 : i32 to vector<16xi32>
    %lt3A_972 = arith.cmpi slt, %xor3A_969, %lt3A_971 : vector<16xi32>
    %add3A_973 = arith.constant 16 : i32
    %add3A_974 = vector.broadcast %add3A_973 : i32 to vector<16xi32>
    %add3A_975 = arith.addi %xor3A_969, %add3A_974 : vector<16xi32>
    %select_n3A_976 = arith.select %lt3A_972, %add3A_975, %xor3A_969 : vector<16xi1>, vector<16xi32>
    %broadcast_in_dim3A_977 = vector.shape_cast %select_n3A_976 : vector<16xi32> to vector<16x1xi32>
    %gather3A_978 = vector.shape_cast %broadcast_in_dim3A_977 : vector<16x1xi32> to vector<16xi32>
    %gather3A_979 = tpu.dynamic_gather %max3A_966[%gather3A_978] in [0] : vector<16xf32>, vector<16xi32> -> vector<16xf32>
    %max3A_980 = arith.maximumf %max3A_966, %gather3A_979 : vector<16xf32>
    %eq3A_981 = arith.cmpf oeq, %select_n3A_912, %max3A_980 : vector<16xf32>
    %add3A_982 = arith.constant 0 : i32
    %add3A_983 = vector.broadcast %add3A_982 : i32 to vector<16xi32>
    %add3A_984 = arith.addi %iota3A, %add3A_983 : vector<16xi32>
    %jit3A_985 = arith.constant 64 : i32
    %broadcast_in_dim3A_986 = vector.broadcast %jit3A_985 : i32 to vector<16xi32>
    %select_n3A_987 = arith.select %eq3A_981, %add3A_984, %broadcast_in_dim3A_986 : vector<16xi1>, vector<16xi32>
    %eq3A_988 = arith.cmpf oeq, %select_n3A_915, %max3A_980 : vector<16xf32>
    %add3A_989 = arith.constant 16 : i32
    %add3A_990 = vector.broadcast %add3A_989 : i32 to vector<16xi32>
    %add3A_991 = arith.addi %iota3A, %add3A_990 : vector<16xi32>
    %jit3A_992 = arith.constant 64 : i32
    %broadcast_in_dim3A_993 = vector.broadcast %jit3A_992 : i32 to vector<16xi32>
    %select_n3A_994 = arith.select %eq3A_988, %add3A_991, %broadcast_in_dim3A_993 : vector<16xi1>, vector<16xi32>
    %eq3A_995 = arith.cmpf oeq, %select_n3A_918, %max3A_980 : vector<16xf32>
    %add3A_996 = arith.constant 32 : i32
    %add3A_997 = vector.broadcast %add3A_996 : i32 to vector<16xi32>
    %add3A_998 = arith.addi %iota3A, %add3A_997 : vector<16xi32>
    %jit3A_999 = arith.constant 64 : i32
    %broadcast_in_dim3A_1000 = vector.broadcast %jit3A_999 : i32 to vector<16xi32>
    %select_n3A_1001 = arith.select %eq3A_995, %add3A_998, %broadcast_in_dim3A_1000 : vector<16xi1>, vector<16xi32>
    %eq3A_1002 = arith.cmpf oeq, %select_n3A_921, %max3A_980 : vector<16xf32>
    %add3A_1003 = arith.constant 48 : i32
    %add3A_1004 = vector.broadcast %add3A_1003 : i32 to vector<16xi32>
    %add3A_1005 = arith.addi %iota3A, %add3A_1004 : vector<16xi32>
    %jit3A_1006 = arith.constant 64 : i32
    %broadcast_in_dim3A_1007 = vector.broadcast %jit3A_1006 : i32 to vector<16xi32>
    %select_n3A_1008 = arith.select %eq3A_1002, %add3A_1005, %broadcast_in_dim3A_1007 : vector<16xi1>, vector<16xi32>
    %min3A_1009 = arith.minsi %select_n3A_987, %select_n3A_994 : vector<16xi32>
    %min3A_1010 = arith.minsi %select_n3A_1001, %select_n3A_1008 : vector<16xi32>
    %min3A_1011 = arith.minsi %min3A_1009, %min3A_1010 : vector<16xi32>
    %xor3A_1012 = arith.constant 8 : i32
    %xor3A_1013 = vector.broadcast %xor3A_1012 : i32 to vector<16xi32>
    %xor3A_1014 = arith.xori %iota3A, %xor3A_1013 : vector<16xi32>
    %lt3A_1015 = arith.constant 0 : i32
    %lt3A_1016 = vector.broadcast %lt3A_1015 : i32 to vector<16xi32>
    %lt3A_1017 = arith.cmpi slt, %xor3A_1014, %lt3A_1016 : vector<16xi32>
    %add3A_1018 = arith.constant 16 : i32
    %add3A_1019 = vector.broadcast %add3A_1018 : i32 to vector<16xi32>
    %add3A_1020 = arith.addi %xor3A_1014, %add3A_1019 : vector<16xi32>
    %select_n3A_1021 = arith.select %lt3A_1017, %add3A_1020, %xor3A_1014 : vector<16xi1>, vector<16xi32>
    %broadcast_in_dim3A_1022 = vector.shape_cast %select_n3A_1021 : vector<16xi32> to vector<16x1xi32>
    %gather3A_1023 = vector.shape_cast %broadcast_in_dim3A_1022 : vector<16x1xi32> to vector<16xi32>
    %gather3A_1024 = tpu.dynamic_gather %min3A_1011[%gather3A_1023] in [0] : vector<16xi32>, vector<16xi32> -> vector<16xi32>
    %min3A_1025 = arith.minsi %min3A_1011, %gather3A_1024 : vector<16xi32>
    %xor3A_1026 = arith.constant 4 : i32
    %xor3A_1027 = vector.broadcast %xor3A_1026 : i32 to vector<16xi32>
    %xor3A_1028 = arith.xori %iota3A, %xor3A_1027 : vector<16xi32>
    %lt3A_1029 = arith.constant 0 : i32
    %lt3A_1030 = vector.broadcast %lt3A_1029 : i32 to vector<16xi32>
    %lt3A_1031 = arith.cmpi slt, %xor3A_1028, %lt3A_1030 : vector<16xi32>
    %add3A_1032 = arith.constant 16 : i32
    %add3A_1033 = vector.broadcast %add3A_1032 : i32 to vector<16xi32>
    %add3A_1034 = arith.addi %xor3A_1028, %add3A_1033 : vector<16xi32>
    %select_n3A_1035 = arith.select %lt3A_1031, %add3A_1034, %xor3A_1028 : vector<16xi1>, vector<16xi32>
    %broadcast_in_dim3A_1036 = vector.shape_cast %select_n3A_1035 : vector<16xi32> to vector<16x1xi32>
    %gather3A_1037 = vector.shape_cast %broadcast_in_dim3A_1036 : vector<16x1xi32> to vector<16xi32>
    %gather3A_1038 = tpu.dynamic_gather %min3A_1025[%gather3A_1037] in [0] : vector<16xi32>, vector<16xi32> -> vector<16xi32>
    %min3A_1039 = arith.minsi %min3A_1025, %gather3A_1038 : vector<16xi32>
    %xor3A_1040 = arith.constant 2 : i32
    %xor3A_1041 = vector.broadcast %xor3A_1040 : i32 to vector<16xi32>
    %xor3A_1042 = arith.xori %iota3A, %xor3A_1041 : vector<16xi32>
    %lt3A_1043 = arith.constant 0 : i32
    %lt3A_1044 = vector.broadcast %lt3A_1043 : i32 to vector<16xi32>
    %lt3A_1045 = arith.cmpi slt, %xor3A_1042, %lt3A_1044 : vector<16xi32>
    %add3A_1046 = arith.constant 16 : i32
    %add3A_1047 = vector.broadcast %add3A_1046 : i32 to vector<16xi32>
    %add3A_1048 = arith.addi %xor3A_1042, %add3A_1047 : vector<16xi32>
    %select_n3A_1049 = arith.select %lt3A_1045, %add3A_1048, %xor3A_1042 : vector<16xi1>, vector<16xi32>
    %broadcast_in_dim3A_1050 = vector.shape_cast %select_n3A_1049 : vector<16xi32> to vector<16x1xi32>
    %gather3A_1051 = vector.shape_cast %broadcast_in_dim3A_1050 : vector<16x1xi32> to vector<16xi32>
    %gather3A_1052 = tpu.dynamic_gather %min3A_1039[%gather3A_1051] in [0] : vector<16xi32>, vector<16xi32> -> vector<16xi32>
    %min3A_1053 = arith.minsi %min3A_1039, %gather3A_1052 : vector<16xi32>
    %xor3A_1054 = arith.constant 1 : i32
    %xor3A_1055 = vector.broadcast %xor3A_1054 : i32 to vector<16xi32>
    %xor3A_1056 = arith.xori %iota3A, %xor3A_1055 : vector<16xi32>
    %lt3A_1057 = arith.constant 0 : i32
    %lt3A_1058 = vector.broadcast %lt3A_1057 : i32 to vector<16xi32>
    %lt3A_1059 = arith.cmpi slt, %xor3A_1056, %lt3A_1058 : vector<16xi32>
    %add3A_1060 = arith.constant 16 : i32
    %add3A_1061 = vector.broadcast %add3A_1060 : i32 to vector<16xi32>
    %add3A_1062 = arith.addi %xor3A_1056, %add3A_1061 : vector<16xi32>
    %select_n3A_1063 = arith.select %lt3A_1059, %add3A_1062, %xor3A_1056 : vector<16xi1>, vector<16xi32>
    %broadcast_in_dim3A_1064 = vector.shape_cast %select_n3A_1063 : vector<16xi32> to vector<16x1xi32>
    %gather3A_1065 = vector.shape_cast %broadcast_in_dim3A_1064 : vector<16x1xi32> to vector<16xi32>
    %gather3A_1066 = tpu.dynamic_gather %min3A_1053[%gather3A_1065] in [0] : vector<16xi32>, vector<16xi32> -> vector<16xi32>
    %min3A_1067 = arith.minsi %min3A_1053, %gather3A_1066 : vector<16xi32>
    %add3A_1068 = arith.constant 0 : i32
    %add3A_1069 = vector.broadcast %add3A_1068 : i32 to vector<16xi32>
    %add3A_1070 = arith.addi %iota3A, %add3A_1069 : vector<16xi32>
    %eq3A_1071 = arith.cmpi eq, %add3A_1070, %min3A_1067 : vector<16xi32>
    %add3A_1072 = arith.constant 16 : i32
    %add3A_1073 = vector.broadcast %add3A_1072 : i32 to vector<16xi32>
    %add3A_1074 = arith.addi %iota3A, %add3A_1073 : vector<16xi32>
    %eq3A_1075 = arith.cmpi eq, %add3A_1074, %min3A_1067 : vector<16xi32>
    %add3A_1076 = arith.constant 32 : i32
    %add3A_1077 = vector.broadcast %add3A_1076 : i32 to vector<16xi32>
    %add3A_1078 = arith.addi %iota3A, %add3A_1077 : vector<16xi32>
    %eq3A_1079 = arith.cmpi eq, %add3A_1078, %min3A_1067 : vector<16xi32>
    %add3A_1080 = arith.constant 48 : i32
    %add3A_1081 = vector.broadcast %add3A_1080 : i32 to vector<16xi32>
    %add3A_1082 = arith.addi %iota3A, %add3A_1081 : vector<16xi32>
    %eq3A_1083 = arith.cmpi eq, %add3A_1082, %min3A_1067 : vector<16xi32>
    %jit3A_1084 = arith.constant 0.000000e+00 : f32
    %broadcast_in_dim3A_1085 = vector.broadcast %jit3A_1084 : f32 to vector<16xf32>
    %select_n3A_1086 = arith.select %eq3A_1071, %min3A_133, %broadcast_in_dim3A_1085 : vector<16xi1>, vector<16xf32>
    %jit3A_1087 = arith.constant 0.000000e+00 : f32
    %broadcast_in_dim3A_1088 = vector.broadcast %jit3A_1087 : f32 to vector<16xf32>
    %select_n3A_1089 = arith.select %eq3A_1075, %min3A_140, %broadcast_in_dim3A_1088 : vector<16xi1>, vector<16xf32>
    %add3A_1090 = arith.addf %select_n3A_1086, %select_n3A_1089 : vector<16xf32>
    %jit3A_1091 = arith.constant 0.000000e+00 : f32
    %broadcast_in_dim3A_1092 = vector.broadcast %jit3A_1091 : f32 to vector<16xf32>
    %select_n3A_1093 = arith.select %eq3A_1079, %min3A_147, %broadcast_in_dim3A_1092 : vector<16xi1>, vector<16xf32>
    %add3A_1094 = arith.addf %add3A_1090, %select_n3A_1093 : vector<16xf32>
    %jit3A_1095 = arith.constant 0.000000e+00 : f32
    %broadcast_in_dim3A_1096 = vector.broadcast %jit3A_1095 : f32 to vector<16xf32>
    %select_n3A_1097 = arith.select %eq3A_1083, %min3A_154, %broadcast_in_dim3A_1096 : vector<16xi1>, vector<16xf32>
    %add3A_1098 = arith.addf %add3A_1094, %select_n3A_1097 : vector<16xf32>
    %xor3A_1099 = arith.constant 8 : i32
    %xor3A_1100 = vector.broadcast %xor3A_1099 : i32 to vector<16xi32>
    %xor3A_1101 = arith.xori %iota3A, %xor3A_1100 : vector<16xi32>
    %lt3A_1102 = arith.constant 0 : i32
    %lt3A_1103 = vector.broadcast %lt3A_1102 : i32 to vector<16xi32>
    %lt3A_1104 = arith.cmpi slt, %xor3A_1101, %lt3A_1103 : vector<16xi32>
    %add3A_1105 = arith.constant 16 : i32
    %add3A_1106 = vector.broadcast %add3A_1105 : i32 to vector<16xi32>
    %add3A_1107 = arith.addi %xor3A_1101, %add3A_1106 : vector<16xi32>
    %select_n3A_1108 = arith.select %lt3A_1104, %add3A_1107, %xor3A_1101 : vector<16xi1>, vector<16xi32>
    %broadcast_in_dim3A_1109 = vector.shape_cast %select_n3A_1108 : vector<16xi32> to vector<16x1xi32>
    %gather3A_1110 = vector.shape_cast %broadcast_in_dim3A_1109 : vector<16x1xi32> to vector<16xi32>
    %gather3A_1111 = tpu.dynamic_gather %add3A_1098[%gather3A_1110] in [0] : vector<16xf32>, vector<16xi32> -> vector<16xf32>
    %add3A_1112 = arith.addf %add3A_1098, %gather3A_1111 : vector<16xf32>
    %xor3A_1113 = arith.constant 4 : i32
    %xor3A_1114 = vector.broadcast %xor3A_1113 : i32 to vector<16xi32>
    %xor3A_1115 = arith.xori %iota3A, %xor3A_1114 : vector<16xi32>
    %lt3A_1116 = arith.constant 0 : i32
    %lt3A_1117 = vector.broadcast %lt3A_1116 : i32 to vector<16xi32>
    %lt3A_1118 = arith.cmpi slt, %xor3A_1115, %lt3A_1117 : vector<16xi32>
    %add3A_1119 = arith.constant 16 : i32
    %add3A_1120 = vector.broadcast %add3A_1119 : i32 to vector<16xi32>
    %add3A_1121 = arith.addi %xor3A_1115, %add3A_1120 : vector<16xi32>
    %select_n3A_1122 = arith.select %lt3A_1118, %add3A_1121, %xor3A_1115 : vector<16xi1>, vector<16xi32>
    %broadcast_in_dim3A_1123 = vector.shape_cast %select_n3A_1122 : vector<16xi32> to vector<16x1xi32>
    %gather3A_1124 = vector.shape_cast %broadcast_in_dim3A_1123 : vector<16x1xi32> to vector<16xi32>
    %gather3A_1125 = tpu.dynamic_gather %add3A_1112[%gather3A_1124] in [0] : vector<16xf32>, vector<16xi32> -> vector<16xf32>
    %add3A_1126 = arith.addf %add3A_1112, %gather3A_1125 : vector<16xf32>
    %xor3A_1127 = arith.constant 2 : i32
    %xor3A_1128 = vector.broadcast %xor3A_1127 : i32 to vector<16xi32>
    %xor3A_1129 = arith.xori %iota3A, %xor3A_1128 : vector<16xi32>
    %lt3A_1130 = arith.constant 0 : i32
    %lt3A_1131 = vector.broadcast %lt3A_1130 : i32 to vector<16xi32>
    %lt3A_1132 = arith.cmpi slt, %xor3A_1129, %lt3A_1131 : vector<16xi32>
    %add3A_1133 = arith.constant 16 : i32
    %add3A_1134 = vector.broadcast %add3A_1133 : i32 to vector<16xi32>
    %add3A_1135 = arith.addi %xor3A_1129, %add3A_1134 : vector<16xi32>
    %select_n3A_1136 = arith.select %lt3A_1132, %add3A_1135, %xor3A_1129 : vector<16xi1>, vector<16xi32>
    %broadcast_in_dim3A_1137 = vector.shape_cast %select_n3A_1136 : vector<16xi32> to vector<16x1xi32>
    %gather3A_1138 = vector.shape_cast %broadcast_in_dim3A_1137 : vector<16x1xi32> to vector<16xi32>
    %gather3A_1139 = tpu.dynamic_gather %add3A_1126[%gather3A_1138] in [0] : vector<16xf32>, vector<16xi32> -> vector<16xf32>
    %add3A_1140 = arith.addf %add3A_1126, %gather3A_1139 : vector<16xf32>
    %xor3A_1141 = arith.constant 1 : i32
    %xor3A_1142 = vector.broadcast %xor3A_1141 : i32 to vector<16xi32>
    %xor3A_1143 = arith.xori %iota3A, %xor3A_1142 : vector<16xi32>
    %lt3A_1144 = arith.constant 0 : i32
    %lt3A_1145 = vector.broadcast %lt3A_1144 : i32 to vector<16xi32>
    %lt3A_1146 = arith.cmpi slt, %xor3A_1143, %lt3A_1145 : vector<16xi32>
    %add3A_1147 = arith.constant 16 : i32
    %add3A_1148 = vector.broadcast %add3A_1147 : i32 to vector<16xi32>
    %add3A_1149 = arith.addi %xor3A_1143, %add3A_1148 : vector<16xi32>
    %select_n3A_1150 = arith.select %lt3A_1146, %add3A_1149, %xor3A_1143 : vector<16xi1>, vector<16xi32>
    %broadcast_in_dim3A_1151 = vector.shape_cast %select_n3A_1150 : vector<16xi32> to vector<16x1xi32>
    %gather3A_1152 = vector.shape_cast %broadcast_in_dim3A_1151 : vector<16x1xi32> to vector<16xi32>
    %gather3A_1153 = tpu.dynamic_gather %add3A_1140[%gather3A_1152] in [0] : vector<16xf32>, vector<16xi32> -> vector<16xf32>
    %add3A_1154 = arith.addf %add3A_1140, %gather3A_1153 : vector<16xf32>
    %eq3A_1155 = arith.constant 3 : i32
    %eq3A_1156 = vector.broadcast %eq3A_1155 : i32 to vector<16xi32>
    %eq3A_1157 = arith.cmpi eq, %iota3A, %eq3A_1156 : vector<16xi32>
    %select_n3A_1158 = arith.select %eq3A_1157, %add3A_1154, %select_n3A_904 : vector<16xi1>, vector<16xf32>
    %eq3A_1159 = arith.constant 3 : i32
    %eq3A_1160 = vector.broadcast %eq3A_1159 : i32 to vector<16xi32>
    %eq3A_1161 = arith.cmpi eq, %iota3A, %eq3A_1160 : vector<16xi32>
    %select_n3A_1162 = arith.select %eq3A_1161, %min3A_1067, %select_n3A_908 : vector<16xi1>, vector<16xi32>
    %add3A_1163 = arith.addf %add3A_909, %add3A_1154 : vector<16xf32>
    %jit3A_1164 = arith.constant -3.000000e+38 : f32
    %broadcast_in_dim3A_1165 = vector.broadcast %jit3A_1164 : f32 to vector<16xf32>
    %select_n3A_1166 = arith.select %eq3A_1071, %broadcast_in_dim3A_1165, %select_n3A_912 : vector<16xi1>, vector<16xf32>
    %jit3A_1167 = arith.constant -3.000000e+38 : f32
    %broadcast_in_dim3A_1168 = vector.broadcast %jit3A_1167 : f32 to vector<16xf32>
    %select_n3A_1169 = arith.select %eq3A_1075, %broadcast_in_dim3A_1168, %select_n3A_915 : vector<16xi1>, vector<16xf32>
    %jit3A_1170 = arith.constant -3.000000e+38 : f32
    %broadcast_in_dim3A_1171 = vector.broadcast %jit3A_1170 : f32 to vector<16xf32>
    %select_n3A_1172 = arith.select %eq3A_1079, %broadcast_in_dim3A_1171, %select_n3A_918 : vector<16xi1>, vector<16xf32>
    %jit3A_1173 = arith.constant -3.000000e+38 : f32
    %broadcast_in_dim3A_1174 = vector.broadcast %jit3A_1173 : f32 to vector<16xf32>
    %select_n3A_1175 = arith.select %eq3A_1083, %broadcast_in_dim3A_1174, %select_n3A_921 : vector<16xi1>, vector<16xf32>
    %max3A_1176 = arith.maximumf %select_n3A_1166, %select_n3A_1169 : vector<16xf32>
    %max3A_1177 = arith.maximumf %select_n3A_1172, %select_n3A_1175 : vector<16xf32>
    %max3A_1178 = arith.maximumf %max3A_1176, %max3A_1177 : vector<16xf32>
    %xor3A_1179 = arith.constant 8 : i32
    %xor3A_1180 = vector.broadcast %xor3A_1179 : i32 to vector<16xi32>
    %xor3A_1181 = arith.xori %iota3A, %xor3A_1180 : vector<16xi32>
    %lt3A_1182 = arith.constant 0 : i32
    %lt3A_1183 = vector.broadcast %lt3A_1182 : i32 to vector<16xi32>
    %lt3A_1184 = arith.cmpi slt, %xor3A_1181, %lt3A_1183 : vector<16xi32>
    %add3A_1185 = arith.constant 16 : i32
    %add3A_1186 = vector.broadcast %add3A_1185 : i32 to vector<16xi32>
    %add3A_1187 = arith.addi %xor3A_1181, %add3A_1186 : vector<16xi32>
    %select_n3A_1188 = arith.select %lt3A_1184, %add3A_1187, %xor3A_1181 : vector<16xi1>, vector<16xi32>
    %broadcast_in_dim3A_1189 = vector.shape_cast %select_n3A_1188 : vector<16xi32> to vector<16x1xi32>
    %gather3A_1190 = vector.shape_cast %broadcast_in_dim3A_1189 : vector<16x1xi32> to vector<16xi32>
    %gather3A_1191 = tpu.dynamic_gather %max3A_1178[%gather3A_1190] in [0] : vector<16xf32>, vector<16xi32> -> vector<16xf32>
    %max3A_1192 = arith.maximumf %max3A_1178, %gather3A_1191 : vector<16xf32>
    %xor3A_1193 = arith.constant 4 : i32
    %xor3A_1194 = vector.broadcast %xor3A_1193 : i32 to vector<16xi32>
    %xor3A_1195 = arith.xori %iota3A, %xor3A_1194 : vector<16xi32>
    %lt3A_1196 = arith.constant 0 : i32
    %lt3A_1197 = vector.broadcast %lt3A_1196 : i32 to vector<16xi32>
    %lt3A_1198 = arith.cmpi slt, %xor3A_1195, %lt3A_1197 : vector<16xi32>
    %add3A_1199 = arith.constant 16 : i32
    %add3A_1200 = vector.broadcast %add3A_1199 : i32 to vector<16xi32>
    %add3A_1201 = arith.addi %xor3A_1195, %add3A_1200 : vector<16xi32>
    %select_n3A_1202 = arith.select %lt3A_1198, %add3A_1201, %xor3A_1195 : vector<16xi1>, vector<16xi32>
    %broadcast_in_dim3A_1203 = vector.shape_cast %select_n3A_1202 : vector<16xi32> to vector<16x1xi32>
    %gather3A_1204 = vector.shape_cast %broadcast_in_dim3A_1203 : vector<16x1xi32> to vector<16xi32>
    %gather3A_1205 = tpu.dynamic_gather %max3A_1192[%gather3A_1204] in [0] : vector<16xf32>, vector<16xi32> -> vector<16xf32>
    %max3A_1206 = arith.maximumf %max3A_1192, %gather3A_1205 : vector<16xf32>
    %xor3A_1207 = arith.constant 2 : i32
    %xor3A_1208 = vector.broadcast %xor3A_1207 : i32 to vector<16xi32>
    %xor3A_1209 = arith.xori %iota3A, %xor3A_1208 : vector<16xi32>
    %lt3A_1210 = arith.constant 0 : i32
    %lt3A_1211 = vector.broadcast %lt3A_1210 : i32 to vector<16xi32>
    %lt3A_1212 = arith.cmpi slt, %xor3A_1209, %lt3A_1211 : vector<16xi32>
    %add3A_1213 = arith.constant 16 : i32
    %add3A_1214 = vector.broadcast %add3A_1213 : i32 to vector<16xi32>
    %add3A_1215 = arith.addi %xor3A_1209, %add3A_1214 : vector<16xi32>
    %select_n3A_1216 = arith.select %lt3A_1212, %add3A_1215, %xor3A_1209 : vector<16xi1>, vector<16xi32>
    %broadcast_in_dim3A_1217 = vector.shape_cast %select_n3A_1216 : vector<16xi32> to vector<16x1xi32>
    %gather3A_1218 = vector.shape_cast %broadcast_in_dim3A_1217 : vector<16x1xi32> to vector<16xi32>
    %gather3A_1219 = tpu.dynamic_gather %max3A_1206[%gather3A_1218] in [0] : vector<16xf32>, vector<16xi32> -> vector<16xf32>
    %max3A_1220 = arith.maximumf %max3A_1206, %gather3A_1219 : vector<16xf32>
    %xor3A_1221 = arith.constant 1 : i32
    %xor3A_1222 = vector.broadcast %xor3A_1221 : i32 to vector<16xi32>
    %xor3A_1223 = arith.xori %iota3A, %xor3A_1222 : vector<16xi32>
    %lt3A_1224 = arith.constant 0 : i32
    %lt3A_1225 = vector.broadcast %lt3A_1224 : i32 to vector<16xi32>
    %lt3A_1226 = arith.cmpi slt, %xor3A_1223, %lt3A_1225 : vector<16xi32>
    %add3A_1227 = arith.constant 16 : i32
    %add3A_1228 = vector.broadcast %add3A_1227 : i32 to vector<16xi32>
    %add3A_1229 = arith.addi %xor3A_1223, %add3A_1228 : vector<16xi32>
    %select_n3A_1230 = arith.select %lt3A_1226, %add3A_1229, %xor3A_1223 : vector<16xi1>, vector<16xi32>
    %broadcast_in_dim3A_1231 = vector.shape_cast %select_n3A_1230 : vector<16xi32> to vector<16x1xi32>
    %gather3A_1232 = vector.shape_cast %broadcast_in_dim3A_1231 : vector<16x1xi32> to vector<16xi32>
    %gather3A_1233 = tpu.dynamic_gather %max3A_1220[%gather3A_1232] in [0] : vector<16xf32>, vector<16xi32> -> vector<16xf32>
    %max3A_1234 = arith.maximumf %max3A_1220, %gather3A_1233 : vector<16xf32>
    %eq3A_1235 = arith.cmpf oeq, %select_n3A_1166, %max3A_1234 : vector<16xf32>
    %add3A_1236 = arith.constant 0 : i32
    %add3A_1237 = vector.broadcast %add3A_1236 : i32 to vector<16xi32>
    %add3A_1238 = arith.addi %iota3A, %add3A_1237 : vector<16xi32>
    %jit3A_1239 = arith.constant 64 : i32
    %broadcast_in_dim3A_1240 = vector.broadcast %jit3A_1239 : i32 to vector<16xi32>
    %select_n3A_1241 = arith.select %eq3A_1235, %add3A_1238, %broadcast_in_dim3A_1240 : vector<16xi1>, vector<16xi32>
    %eq3A_1242 = arith.cmpf oeq, %select_n3A_1169, %max3A_1234 : vector<16xf32>
    %add3A_1243 = arith.constant 16 : i32
    %add3A_1244 = vector.broadcast %add3A_1243 : i32 to vector<16xi32>
    %add3A_1245 = arith.addi %iota3A, %add3A_1244 : vector<16xi32>
    %jit3A_1246 = arith.constant 64 : i32
    %broadcast_in_dim3A_1247 = vector.broadcast %jit3A_1246 : i32 to vector<16xi32>
    %select_n3A_1248 = arith.select %eq3A_1242, %add3A_1245, %broadcast_in_dim3A_1247 : vector<16xi1>, vector<16xi32>
    %eq3A_1249 = arith.cmpf oeq, %select_n3A_1172, %max3A_1234 : vector<16xf32>
    %add3A_1250 = arith.constant 32 : i32
    %add3A_1251 = vector.broadcast %add3A_1250 : i32 to vector<16xi32>
    %add3A_1252 = arith.addi %iota3A, %add3A_1251 : vector<16xi32>
    %jit3A_1253 = arith.constant 64 : i32
    %broadcast_in_dim3A_1254 = vector.broadcast %jit3A_1253 : i32 to vector<16xi32>
    %select_n3A_1255 = arith.select %eq3A_1249, %add3A_1252, %broadcast_in_dim3A_1254 : vector<16xi1>, vector<16xi32>
    %eq3A_1256 = arith.cmpf oeq, %select_n3A_1175, %max3A_1234 : vector<16xf32>
    %add3A_1257 = arith.constant 48 : i32
    %add3A_1258 = vector.broadcast %add3A_1257 : i32 to vector<16xi32>
    %add3A_1259 = arith.addi %iota3A, %add3A_1258 : vector<16xi32>
    %jit3A_1260 = arith.constant 64 : i32
    %broadcast_in_dim3A_1261 = vector.broadcast %jit3A_1260 : i32 to vector<16xi32>
    %select_n3A_1262 = arith.select %eq3A_1256, %add3A_1259, %broadcast_in_dim3A_1261 : vector<16xi1>, vector<16xi32>
    %min3A_1263 = arith.minsi %select_n3A_1241, %select_n3A_1248 : vector<16xi32>
    %min3A_1264 = arith.minsi %select_n3A_1255, %select_n3A_1262 : vector<16xi32>
    %min3A_1265 = arith.minsi %min3A_1263, %min3A_1264 : vector<16xi32>
    %xor3A_1266 = arith.constant 8 : i32
    %xor3A_1267 = vector.broadcast %xor3A_1266 : i32 to vector<16xi32>
    %xor3A_1268 = arith.xori %iota3A, %xor3A_1267 : vector<16xi32>
    %lt3A_1269 = arith.constant 0 : i32
    %lt3A_1270 = vector.broadcast %lt3A_1269 : i32 to vector<16xi32>
    %lt3A_1271 = arith.cmpi slt, %xor3A_1268, %lt3A_1270 : vector<16xi32>
    %add3A_1272 = arith.constant 16 : i32
    %add3A_1273 = vector.broadcast %add3A_1272 : i32 to vector<16xi32>
    %add3A_1274 = arith.addi %xor3A_1268, %add3A_1273 : vector<16xi32>
    %select_n3A_1275 = arith.select %lt3A_1271, %add3A_1274, %xor3A_1268 : vector<16xi1>, vector<16xi32>
    %broadcast_in_dim3A_1276 = vector.shape_cast %select_n3A_1275 : vector<16xi32> to vector<16x1xi32>
    %gather3A_1277 = vector.shape_cast %broadcast_in_dim3A_1276 : vector<16x1xi32> to vector<16xi32>
    %gather3A_1278 = tpu.dynamic_gather %min3A_1265[%gather3A_1277] in [0] : vector<16xi32>, vector<16xi32> -> vector<16xi32>
    %min3A_1279 = arith.minsi %min3A_1265, %gather3A_1278 : vector<16xi32>
    %xor3A_1280 = arith.constant 4 : i32
    %xor3A_1281 = vector.broadcast %xor3A_1280 : i32 to vector<16xi32>
    %xor3A_1282 = arith.xori %iota3A, %xor3A_1281 : vector<16xi32>
    %lt3A_1283 = arith.constant 0 : i32
    %lt3A_1284 = vector.broadcast %lt3A_1283 : i32 to vector<16xi32>
    %lt3A_1285 = arith.cmpi slt, %xor3A_1282, %lt3A_1284 : vector<16xi32>
    %add3A_1286 = arith.constant 16 : i32
    %add3A_1287 = vector.broadcast %add3A_1286 : i32 to vector<16xi32>
    %add3A_1288 = arith.addi %xor3A_1282, %add3A_1287 : vector<16xi32>
    %select_n3A_1289 = arith.select %lt3A_1285, %add3A_1288, %xor3A_1282 : vector<16xi1>, vector<16xi32>
    %broadcast_in_dim3A_1290 = vector.shape_cast %select_n3A_1289 : vector<16xi32> to vector<16x1xi32>
    %gather3A_1291 = vector.shape_cast %broadcast_in_dim3A_1290 : vector<16x1xi32> to vector<16xi32>
    %gather3A_1292 = tpu.dynamic_gather %min3A_1279[%gather3A_1291] in [0] : vector<16xi32>, vector<16xi32> -> vector<16xi32>
    %min3A_1293 = arith.minsi %min3A_1279, %gather3A_1292 : vector<16xi32>
    %xor3A_1294 = arith.constant 2 : i32
    %xor3A_1295 = vector.broadcast %xor3A_1294 : i32 to vector<16xi32>
    %xor3A_1296 = arith.xori %iota3A, %xor3A_1295 : vector<16xi32>
    %lt3A_1297 = arith.constant 0 : i32
    %lt3A_1298 = vector.broadcast %lt3A_1297 : i32 to vector<16xi32>
    %lt3A_1299 = arith.cmpi slt, %xor3A_1296, %lt3A_1298 : vector<16xi32>
    %add3A_1300 = arith.constant 16 : i32
    %add3A_1301 = vector.broadcast %add3A_1300 : i32 to vector<16xi32>
    %add3A_1302 = arith.addi %xor3A_1296, %add3A_1301 : vector<16xi32>
    %select_n3A_1303 = arith.select %lt3A_1299, %add3A_1302, %xor3A_1296 : vector<16xi1>, vector<16xi32>
    %broadcast_in_dim3A_1304 = vector.shape_cast %select_n3A_1303 : vector<16xi32> to vector<16x1xi32>
    %gather3A_1305 = vector.shape_cast %broadcast_in_dim3A_1304 : vector<16x1xi32> to vector<16xi32>
    %gather3A_1306 = tpu.dynamic_gather %min3A_1293[%gather3A_1305] in [0] : vector<16xi32>, vector<16xi32> -> vector<16xi32>
    %min3A_1307 = arith.minsi %min3A_1293, %gather3A_1306 : vector<16xi32>
    %xor3A_1308 = arith.constant 1 : i32
    %xor3A_1309 = vector.broadcast %xor3A_1308 : i32 to vector<16xi32>
    %xor3A_1310 = arith.xori %iota3A, %xor3A_1309 : vector<16xi32>
    %lt3A_1311 = arith.constant 0 : i32
    %lt3A_1312 = vector.broadcast %lt3A_1311 : i32 to vector<16xi32>
    %lt3A_1313 = arith.cmpi slt, %xor3A_1310, %lt3A_1312 : vector<16xi32>
    %add3A_1314 = arith.constant 16 : i32
    %add3A_1315 = vector.broadcast %add3A_1314 : i32 to vector<16xi32>
    %add3A_1316 = arith.addi %xor3A_1310, %add3A_1315 : vector<16xi32>
    %select_n3A_1317 = arith.select %lt3A_1313, %add3A_1316, %xor3A_1310 : vector<16xi1>, vector<16xi32>
    %broadcast_in_dim3A_1318 = vector.shape_cast %select_n3A_1317 : vector<16xi32> to vector<16x1xi32>
    %gather3A_1319 = vector.shape_cast %broadcast_in_dim3A_1318 : vector<16x1xi32> to vector<16xi32>
    %gather3A_1320 = tpu.dynamic_gather %min3A_1307[%gather3A_1319] in [0] : vector<16xi32>, vector<16xi32> -> vector<16xi32>
    %min3A_1321 = arith.minsi %min3A_1307, %gather3A_1320 : vector<16xi32>
    %add3A_1322 = arith.constant 0 : i32
    %add3A_1323 = vector.broadcast %add3A_1322 : i32 to vector<16xi32>
    %add3A_1324 = arith.addi %iota3A, %add3A_1323 : vector<16xi32>
    %eq3A_1325 = arith.cmpi eq, %add3A_1324, %min3A_1321 : vector<16xi32>
    %add3A_1326 = arith.constant 16 : i32
    %add3A_1327 = vector.broadcast %add3A_1326 : i32 to vector<16xi32>
    %add3A_1328 = arith.addi %iota3A, %add3A_1327 : vector<16xi32>
    %eq3A_1329 = arith.cmpi eq, %add3A_1328, %min3A_1321 : vector<16xi32>
    %add3A_1330 = arith.constant 32 : i32
    %add3A_1331 = vector.broadcast %add3A_1330 : i32 to vector<16xi32>
    %add3A_1332 = arith.addi %iota3A, %add3A_1331 : vector<16xi32>
    %eq3A_1333 = arith.cmpi eq, %add3A_1332, %min3A_1321 : vector<16xi32>
    %add3A_1334 = arith.constant 48 : i32
    %add3A_1335 = vector.broadcast %add3A_1334 : i32 to vector<16xi32>
    %add3A_1336 = arith.addi %iota3A, %add3A_1335 : vector<16xi32>
    %eq3A_1337 = arith.cmpi eq, %add3A_1336, %min3A_1321 : vector<16xi32>
    %jit3A_1338 = arith.constant 0.000000e+00 : f32
    %broadcast_in_dim3A_1339 = vector.broadcast %jit3A_1338 : f32 to vector<16xf32>
    %select_n3A_1340 = arith.select %eq3A_1325, %min3A_133, %broadcast_in_dim3A_1339 : vector<16xi1>, vector<16xf32>
    %jit3A_1341 = arith.constant 0.000000e+00 : f32
    %broadcast_in_dim3A_1342 = vector.broadcast %jit3A_1341 : f32 to vector<16xf32>
    %select_n3A_1343 = arith.select %eq3A_1329, %min3A_140, %broadcast_in_dim3A_1342 : vector<16xi1>, vector<16xf32>
    %add3A_1344 = arith.addf %select_n3A_1340, %select_n3A_1343 : vector<16xf32>
    %jit3A_1345 = arith.constant 0.000000e+00 : f32
    %broadcast_in_dim3A_1346 = vector.broadcast %jit3A_1345 : f32 to vector<16xf32>
    %select_n3A_1347 = arith.select %eq3A_1333, %min3A_147, %broadcast_in_dim3A_1346 : vector<16xi1>, vector<16xf32>
    %add3A_1348 = arith.addf %add3A_1344, %select_n3A_1347 : vector<16xf32>
    %jit3A_1349 = arith.constant 0.000000e+00 : f32
    %broadcast_in_dim3A_1350 = vector.broadcast %jit3A_1349 : f32 to vector<16xf32>
    %select_n3A_1351 = arith.select %eq3A_1337, %min3A_154, %broadcast_in_dim3A_1350 : vector<16xi1>, vector<16xf32>
    %add3A_1352 = arith.addf %add3A_1348, %select_n3A_1351 : vector<16xf32>
    %xor3A_1353 = arith.constant 8 : i32
    %xor3A_1354 = vector.broadcast %xor3A_1353 : i32 to vector<16xi32>
    %xor3A_1355 = arith.xori %iota3A, %xor3A_1354 : vector<16xi32>
    %lt3A_1356 = arith.constant 0 : i32
    %lt3A_1357 = vector.broadcast %lt3A_1356 : i32 to vector<16xi32>
    %lt3A_1358 = arith.cmpi slt, %xor3A_1355, %lt3A_1357 : vector<16xi32>
    %add3A_1359 = arith.constant 16 : i32
    %add3A_1360 = vector.broadcast %add3A_1359 : i32 to vector<16xi32>
    %add3A_1361 = arith.addi %xor3A_1355, %add3A_1360 : vector<16xi32>
    %select_n3A_1362 = arith.select %lt3A_1358, %add3A_1361, %xor3A_1355 : vector<16xi1>, vector<16xi32>
    %broadcast_in_dim3A_1363 = vector.shape_cast %select_n3A_1362 : vector<16xi32> to vector<16x1xi32>
    %gather3A_1364 = vector.shape_cast %broadcast_in_dim3A_1363 : vector<16x1xi32> to vector<16xi32>
    %gather3A_1365 = tpu.dynamic_gather %add3A_1352[%gather3A_1364] in [0] : vector<16xf32>, vector<16xi32> -> vector<16xf32>
    %add3A_1366 = arith.addf %add3A_1352, %gather3A_1365 : vector<16xf32>
    %xor3A_1367 = arith.constant 4 : i32
    %xor3A_1368 = vector.broadcast %xor3A_1367 : i32 to vector<16xi32>
    %xor3A_1369 = arith.xori %iota3A, %xor3A_1368 : vector<16xi32>
    %lt3A_1370 = arith.constant 0 : i32
    %lt3A_1371 = vector.broadcast %lt3A_1370 : i32 to vector<16xi32>
    %lt3A_1372 = arith.cmpi slt, %xor3A_1369, %lt3A_1371 : vector<16xi32>
    %add3A_1373 = arith.constant 16 : i32
    %add3A_1374 = vector.broadcast %add3A_1373 : i32 to vector<16xi32>
    %add3A_1375 = arith.addi %xor3A_1369, %add3A_1374 : vector<16xi32>
    %select_n3A_1376 = arith.select %lt3A_1372, %add3A_1375, %xor3A_1369 : vector<16xi1>, vector<16xi32>
    %broadcast_in_dim3A_1377 = vector.shape_cast %select_n3A_1376 : vector<16xi32> to vector<16x1xi32>
    %gather3A_1378 = vector.shape_cast %broadcast_in_dim3A_1377 : vector<16x1xi32> to vector<16xi32>
    %gather3A_1379 = tpu.dynamic_gather %add3A_1366[%gather3A_1378] in [0] : vector<16xf32>, vector<16xi32> -> vector<16xf32>
    %add3A_1380 = arith.addf %add3A_1366, %gather3A_1379 : vector<16xf32>
    %xor3A_1381 = arith.constant 2 : i32
    %xor3A_1382 = vector.broadcast %xor3A_1381 : i32 to vector<16xi32>
    %xor3A_1383 = arith.xori %iota3A, %xor3A_1382 : vector<16xi32>
    %lt3A_1384 = arith.constant 0 : i32
    %lt3A_1385 = vector.broadcast %lt3A_1384 : i32 to vector<16xi32>
    %lt3A_1386 = arith.cmpi slt, %xor3A_1383, %lt3A_1385 : vector<16xi32>
    %add3A_1387 = arith.constant 16 : i32
    %add3A_1388 = vector.broadcast %add3A_1387 : i32 to vector<16xi32>
    %add3A_1389 = arith.addi %xor3A_1383, %add3A_1388 : vector<16xi32>
    %select_n3A_1390 = arith.select %lt3A_1386, %add3A_1389, %xor3A_1383 : vector<16xi1>, vector<16xi32>
    %broadcast_in_dim3A_1391 = vector.shape_cast %select_n3A_1390 : vector<16xi32> to vector<16x1xi32>
    %gather3A_1392 = vector.shape_cast %broadcast_in_dim3A_1391 : vector<16x1xi32> to vector<16xi32>
    %gather3A_1393 = tpu.dynamic_gather %add3A_1380[%gather3A_1392] in [0] : vector<16xf32>, vector<16xi32> -> vector<16xf32>
    %add3A_1394 = arith.addf %add3A_1380, %gather3A_1393 : vector<16xf32>
    %xor3A_1395 = arith.constant 1 : i32
    %xor3A_1396 = vector.broadcast %xor3A_1395 : i32 to vector<16xi32>
    %xor3A_1397 = arith.xori %iota3A, %xor3A_1396 : vector<16xi32>
    %lt3A_1398 = arith.constant 0 : i32
    %lt3A_1399 = vector.broadcast %lt3A_1398 : i32 to vector<16xi32>
    %lt3A_1400 = arith.cmpi slt, %xor3A_1397, %lt3A_1399 : vector<16xi32>
    %add3A_1401 = arith.constant 16 : i32
    %add3A_1402 = vector.broadcast %add3A_1401 : i32 to vector<16xi32>
    %add3A_1403 = arith.addi %xor3A_1397, %add3A_1402 : vector<16xi32>
    %select_n3A_1404 = arith.select %lt3A_1400, %add3A_1403, %xor3A_1397 : vector<16xi1>, vector<16xi32>
    %broadcast_in_dim3A_1405 = vector.shape_cast %select_n3A_1404 : vector<16xi32> to vector<16x1xi32>
    %gather3A_1406 = vector.shape_cast %broadcast_in_dim3A_1405 : vector<16x1xi32> to vector<16xi32>
    %gather3A_1407 = tpu.dynamic_gather %add3A_1394[%gather3A_1406] in [0] : vector<16xf32>, vector<16xi32> -> vector<16xf32>
    %add3A_1408 = arith.addf %add3A_1394, %gather3A_1407 : vector<16xf32>
    %eq3A_1409 = arith.constant 4 : i32
    %eq3A_1410 = vector.broadcast %eq3A_1409 : i32 to vector<16xi32>
    %eq3A_1411 = arith.cmpi eq, %iota3A, %eq3A_1410 : vector<16xi32>
    %select_n3A_1412 = arith.select %eq3A_1411, %add3A_1408, %select_n3A_1158 : vector<16xi1>, vector<16xf32>
    %eq3A_1413 = arith.constant 4 : i32
    %eq3A_1414 = vector.broadcast %eq3A_1413 : i32 to vector<16xi32>
    %eq3A_1415 = arith.cmpi eq, %iota3A, %eq3A_1414 : vector<16xi32>
    %select_n3A_1416 = arith.select %eq3A_1415, %min3A_1321, %select_n3A_1162 : vector<16xi1>, vector<16xi32>
    %add3A_1417 = arith.addf %add3A_1163, %add3A_1408 : vector<16xf32>
    %jit3A_1418 = arith.constant -3.000000e+38 : f32
    %broadcast_in_dim3A_1419 = vector.broadcast %jit3A_1418 : f32 to vector<16xf32>
    %select_n3A_1420 = arith.select %eq3A_1325, %broadcast_in_dim3A_1419, %select_n3A_1166 : vector<16xi1>, vector<16xf32>
    %jit3A_1421 = arith.constant -3.000000e+38 : f32
    %broadcast_in_dim3A_1422 = vector.broadcast %jit3A_1421 : f32 to vector<16xf32>
    %select_n3A_1423 = arith.select %eq3A_1329, %broadcast_in_dim3A_1422, %select_n3A_1169 : vector<16xi1>, vector<16xf32>
    %jit3A_1424 = arith.constant -3.000000e+38 : f32
    %broadcast_in_dim3A_1425 = vector.broadcast %jit3A_1424 : f32 to vector<16xf32>
    %select_n3A_1426 = arith.select %eq3A_1333, %broadcast_in_dim3A_1425, %select_n3A_1172 : vector<16xi1>, vector<16xf32>
    %jit3A_1427 = arith.constant -3.000000e+38 : f32
    %broadcast_in_dim3A_1428 = vector.broadcast %jit3A_1427 : f32 to vector<16xf32>
    %select_n3A_1429 = arith.select %eq3A_1337, %broadcast_in_dim3A_1428, %select_n3A_1175 : vector<16xi1>, vector<16xf32>
    %max3A_1430 = arith.maximumf %select_n3A_1420, %select_n3A_1423 : vector<16xf32>
    %max3A_1431 = arith.maximumf %select_n3A_1426, %select_n3A_1429 : vector<16xf32>
    %max3A_1432 = arith.maximumf %max3A_1430, %max3A_1431 : vector<16xf32>
    %xor3A_1433 = arith.constant 8 : i32
    %xor3A_1434 = vector.broadcast %xor3A_1433 : i32 to vector<16xi32>
    %xor3A_1435 = arith.xori %iota3A, %xor3A_1434 : vector<16xi32>
    %lt3A_1436 = arith.constant 0 : i32
    %lt3A_1437 = vector.broadcast %lt3A_1436 : i32 to vector<16xi32>
    %lt3A_1438 = arith.cmpi slt, %xor3A_1435, %lt3A_1437 : vector<16xi32>
    %add3A_1439 = arith.constant 16 : i32
    %add3A_1440 = vector.broadcast %add3A_1439 : i32 to vector<16xi32>
    %add3A_1441 = arith.addi %xor3A_1435, %add3A_1440 : vector<16xi32>
    %select_n3A_1442 = arith.select %lt3A_1438, %add3A_1441, %xor3A_1435 : vector<16xi1>, vector<16xi32>
    %broadcast_in_dim3A_1443 = vector.shape_cast %select_n3A_1442 : vector<16xi32> to vector<16x1xi32>
    %gather3A_1444 = vector.shape_cast %broadcast_in_dim3A_1443 : vector<16x1xi32> to vector<16xi32>
    %gather3A_1445 = tpu.dynamic_gather %max3A_1432[%gather3A_1444] in [0] : vector<16xf32>, vector<16xi32> -> vector<16xf32>
    %max3A_1446 = arith.maximumf %max3A_1432, %gather3A_1445 : vector<16xf32>
    %xor3A_1447 = arith.constant 4 : i32
    %xor3A_1448 = vector.broadcast %xor3A_1447 : i32 to vector<16xi32>
    %xor3A_1449 = arith.xori %iota3A, %xor3A_1448 : vector<16xi32>
    %lt3A_1450 = arith.constant 0 : i32
    %lt3A_1451 = vector.broadcast %lt3A_1450 : i32 to vector<16xi32>
    %lt3A_1452 = arith.cmpi slt, %xor3A_1449, %lt3A_1451 : vector<16xi32>
    %add3A_1453 = arith.constant 16 : i32
    %add3A_1454 = vector.broadcast %add3A_1453 : i32 to vector<16xi32>
    %add3A_1455 = arith.addi %xor3A_1449, %add3A_1454 : vector<16xi32>
    %select_n3A_1456 = arith.select %lt3A_1452, %add3A_1455, %xor3A_1449 : vector<16xi1>, vector<16xi32>
    %broadcast_in_dim3A_1457 = vector.shape_cast %select_n3A_1456 : vector<16xi32> to vector<16x1xi32>
    %gather3A_1458 = vector.shape_cast %broadcast_in_dim3A_1457 : vector<16x1xi32> to vector<16xi32>
    %gather3A_1459 = tpu.dynamic_gather %max3A_1446[%gather3A_1458] in [0] : vector<16xf32>, vector<16xi32> -> vector<16xf32>
    %max3A_1460 = arith.maximumf %max3A_1446, %gather3A_1459 : vector<16xf32>
    %xor3A_1461 = arith.constant 2 : i32
    %xor3A_1462 = vector.broadcast %xor3A_1461 : i32 to vector<16xi32>
    %xor3A_1463 = arith.xori %iota3A, %xor3A_1462 : vector<16xi32>
    %lt3A_1464 = arith.constant 0 : i32
    %lt3A_1465 = vector.broadcast %lt3A_1464 : i32 to vector<16xi32>
    %lt3A_1466 = arith.cmpi slt, %xor3A_1463, %lt3A_1465 : vector<16xi32>
    %add3A_1467 = arith.constant 16 : i32
    %add3A_1468 = vector.broadcast %add3A_1467 : i32 to vector<16xi32>
    %add3A_1469 = arith.addi %xor3A_1463, %add3A_1468 : vector<16xi32>
    %select_n3A_1470 = arith.select %lt3A_1466, %add3A_1469, %xor3A_1463 : vector<16xi1>, vector<16xi32>
    %broadcast_in_dim3A_1471 = vector.shape_cast %select_n3A_1470 : vector<16xi32> to vector<16x1xi32>
    %gather3A_1472 = vector.shape_cast %broadcast_in_dim3A_1471 : vector<16x1xi32> to vector<16xi32>
    %gather3A_1473 = tpu.dynamic_gather %max3A_1460[%gather3A_1472] in [0] : vector<16xf32>, vector<16xi32> -> vector<16xf32>
    %max3A_1474 = arith.maximumf %max3A_1460, %gather3A_1473 : vector<16xf32>
    %xor3A_1475 = arith.constant 1 : i32
    %xor3A_1476 = vector.broadcast %xor3A_1475 : i32 to vector<16xi32>
    %xor3A_1477 = arith.xori %iota3A, %xor3A_1476 : vector<16xi32>
    %lt3A_1478 = arith.constant 0 : i32
    %lt3A_1479 = vector.broadcast %lt3A_1478 : i32 to vector<16xi32>
    %lt3A_1480 = arith.cmpi slt, %xor3A_1477, %lt3A_1479 : vector<16xi32>
    %add3A_1481 = arith.constant 16 : i32
    %add3A_1482 = vector.broadcast %add3A_1481 : i32 to vector<16xi32>
    %add3A_1483 = arith.addi %xor3A_1477, %add3A_1482 : vector<16xi32>
    %select_n3A_1484 = arith.select %lt3A_1480, %add3A_1483, %xor3A_1477 : vector<16xi1>, vector<16xi32>
    %broadcast_in_dim3A_1485 = vector.shape_cast %select_n3A_1484 : vector<16xi32> to vector<16x1xi32>
    %gather3A_1486 = vector.shape_cast %broadcast_in_dim3A_1485 : vector<16x1xi32> to vector<16xi32>
    %gather3A_1487 = tpu.dynamic_gather %max3A_1474[%gather3A_1486] in [0] : vector<16xf32>, vector<16xi32> -> vector<16xf32>
    %max3A_1488 = arith.maximumf %max3A_1474, %gather3A_1487 : vector<16xf32>
    %eq3A_1489 = arith.cmpf oeq, %select_n3A_1420, %max3A_1488 : vector<16xf32>
    %add3A_1490 = arith.constant 0 : i32
    %add3A_1491 = vector.broadcast %add3A_1490 : i32 to vector<16xi32>
    %add3A_1492 = arith.addi %iota3A, %add3A_1491 : vector<16xi32>
    %jit3A_1493 = arith.constant 64 : i32
    %broadcast_in_dim3A_1494 = vector.broadcast %jit3A_1493 : i32 to vector<16xi32>
    %select_n3A_1495 = arith.select %eq3A_1489, %add3A_1492, %broadcast_in_dim3A_1494 : vector<16xi1>, vector<16xi32>
    %eq3A_1496 = arith.cmpf oeq, %select_n3A_1423, %max3A_1488 : vector<16xf32>
    %add3A_1497 = arith.constant 16 : i32
    %add3A_1498 = vector.broadcast %add3A_1497 : i32 to vector<16xi32>
    %add3A_1499 = arith.addi %iota3A, %add3A_1498 : vector<16xi32>
    %jit3A_1500 = arith.constant 64 : i32
    %broadcast_in_dim3A_1501 = vector.broadcast %jit3A_1500 : i32 to vector<16xi32>
    %select_n3A_1502 = arith.select %eq3A_1496, %add3A_1499, %broadcast_in_dim3A_1501 : vector<16xi1>, vector<16xi32>
    %eq3A_1503 = arith.cmpf oeq, %select_n3A_1426, %max3A_1488 : vector<16xf32>
    %add3A_1504 = arith.constant 32 : i32
    %add3A_1505 = vector.broadcast %add3A_1504 : i32 to vector<16xi32>
    %add3A_1506 = arith.addi %iota3A, %add3A_1505 : vector<16xi32>
    %jit3A_1507 = arith.constant 64 : i32
    %broadcast_in_dim3A_1508 = vector.broadcast %jit3A_1507 : i32 to vector<16xi32>
    %select_n3A_1509 = arith.select %eq3A_1503, %add3A_1506, %broadcast_in_dim3A_1508 : vector<16xi1>, vector<16xi32>
    %eq3A_1510 = arith.cmpf oeq, %select_n3A_1429, %max3A_1488 : vector<16xf32>
    %add3A_1511 = arith.constant 48 : i32
    %add3A_1512 = vector.broadcast %add3A_1511 : i32 to vector<16xi32>
    %add3A_1513 = arith.addi %iota3A, %add3A_1512 : vector<16xi32>
    %jit3A_1514 = arith.constant 64 : i32
    %broadcast_in_dim3A_1515 = vector.broadcast %jit3A_1514 : i32 to vector<16xi32>
    %select_n3A_1516 = arith.select %eq3A_1510, %add3A_1513, %broadcast_in_dim3A_1515 : vector<16xi1>, vector<16xi32>
    %min3A_1517 = arith.minsi %select_n3A_1495, %select_n3A_1502 : vector<16xi32>
    %min3A_1518 = arith.minsi %select_n3A_1509, %select_n3A_1516 : vector<16xi32>
    %min3A_1519 = arith.minsi %min3A_1517, %min3A_1518 : vector<16xi32>
    %xor3A_1520 = arith.constant 8 : i32
    %xor3A_1521 = vector.broadcast %xor3A_1520 : i32 to vector<16xi32>
    %xor3A_1522 = arith.xori %iota3A, %xor3A_1521 : vector<16xi32>
    %lt3A_1523 = arith.constant 0 : i32
    %lt3A_1524 = vector.broadcast %lt3A_1523 : i32 to vector<16xi32>
    %lt3A_1525 = arith.cmpi slt, %xor3A_1522, %lt3A_1524 : vector<16xi32>
    %add3A_1526 = arith.constant 16 : i32
    %add3A_1527 = vector.broadcast %add3A_1526 : i32 to vector<16xi32>
    %add3A_1528 = arith.addi %xor3A_1522, %add3A_1527 : vector<16xi32>
    %select_n3A_1529 = arith.select %lt3A_1525, %add3A_1528, %xor3A_1522 : vector<16xi1>, vector<16xi32>
    %broadcast_in_dim3A_1530 = vector.shape_cast %select_n3A_1529 : vector<16xi32> to vector<16x1xi32>
    %gather3A_1531 = vector.shape_cast %broadcast_in_dim3A_1530 : vector<16x1xi32> to vector<16xi32>
    %gather3A_1532 = tpu.dynamic_gather %min3A_1519[%gather3A_1531] in [0] : vector<16xi32>, vector<16xi32> -> vector<16xi32>
    %min3A_1533 = arith.minsi %min3A_1519, %gather3A_1532 : vector<16xi32>
    %xor3A_1534 = arith.constant 4 : i32
    %xor3A_1535 = vector.broadcast %xor3A_1534 : i32 to vector<16xi32>
    %xor3A_1536 = arith.xori %iota3A, %xor3A_1535 : vector<16xi32>
    %lt3A_1537 = arith.constant 0 : i32
    %lt3A_1538 = vector.broadcast %lt3A_1537 : i32 to vector<16xi32>
    %lt3A_1539 = arith.cmpi slt, %xor3A_1536, %lt3A_1538 : vector<16xi32>
    %add3A_1540 = arith.constant 16 : i32
    %add3A_1541 = vector.broadcast %add3A_1540 : i32 to vector<16xi32>
    %add3A_1542 = arith.addi %xor3A_1536, %add3A_1541 : vector<16xi32>
    %select_n3A_1543 = arith.select %lt3A_1539, %add3A_1542, %xor3A_1536 : vector<16xi1>, vector<16xi32>
    %broadcast_in_dim3A_1544 = vector.shape_cast %select_n3A_1543 : vector<16xi32> to vector<16x1xi32>
    %gather3A_1545 = vector.shape_cast %broadcast_in_dim3A_1544 : vector<16x1xi32> to vector<16xi32>
    %gather3A_1546 = tpu.dynamic_gather %min3A_1533[%gather3A_1545] in [0] : vector<16xi32>, vector<16xi32> -> vector<16xi32>
    %min3A_1547 = arith.minsi %min3A_1533, %gather3A_1546 : vector<16xi32>
    %xor3A_1548 = arith.constant 2 : i32
    %xor3A_1549 = vector.broadcast %xor3A_1548 : i32 to vector<16xi32>
    %xor3A_1550 = arith.xori %iota3A, %xor3A_1549 : vector<16xi32>
    %lt3A_1551 = arith.constant 0 : i32
    %lt3A_1552 = vector.broadcast %lt3A_1551 : i32 to vector<16xi32>
    %lt3A_1553 = arith.cmpi slt, %xor3A_1550, %lt3A_1552 : vector<16xi32>
    %add3A_1554 = arith.constant 16 : i32
    %add3A_1555 = vector.broadcast %add3A_1554 : i32 to vector<16xi32>
    %add3A_1556 = arith.addi %xor3A_1550, %add3A_1555 : vector<16xi32>
    %select_n3A_1557 = arith.select %lt3A_1553, %add3A_1556, %xor3A_1550 : vector<16xi1>, vector<16xi32>
    %broadcast_in_dim3A_1558 = vector.shape_cast %select_n3A_1557 : vector<16xi32> to vector<16x1xi32>
    %gather3A_1559 = vector.shape_cast %broadcast_in_dim3A_1558 : vector<16x1xi32> to vector<16xi32>
    %gather3A_1560 = tpu.dynamic_gather %min3A_1547[%gather3A_1559] in [0] : vector<16xi32>, vector<16xi32> -> vector<16xi32>
    %min3A_1561 = arith.minsi %min3A_1547, %gather3A_1560 : vector<16xi32>
    %xor3A_1562 = arith.constant 1 : i32
    %xor3A_1563 = vector.broadcast %xor3A_1562 : i32 to vector<16xi32>
    %xor3A_1564 = arith.xori %iota3A, %xor3A_1563 : vector<16xi32>
    %lt3A_1565 = arith.constant 0 : i32
    %lt3A_1566 = vector.broadcast %lt3A_1565 : i32 to vector<16xi32>
    %lt3A_1567 = arith.cmpi slt, %xor3A_1564, %lt3A_1566 : vector<16xi32>
    %add3A_1568 = arith.constant 16 : i32
    %add3A_1569 = vector.broadcast %add3A_1568 : i32 to vector<16xi32>
    %add3A_1570 = arith.addi %xor3A_1564, %add3A_1569 : vector<16xi32>
    %select_n3A_1571 = arith.select %lt3A_1567, %add3A_1570, %xor3A_1564 : vector<16xi1>, vector<16xi32>
    %broadcast_in_dim3A_1572 = vector.shape_cast %select_n3A_1571 : vector<16xi32> to vector<16x1xi32>
    %gather3A_1573 = vector.shape_cast %broadcast_in_dim3A_1572 : vector<16x1xi32> to vector<16xi32>
    %gather3A_1574 = tpu.dynamic_gather %min3A_1561[%gather3A_1573] in [0] : vector<16xi32>, vector<16xi32> -> vector<16xi32>
    %min3A_1575 = arith.minsi %min3A_1561, %gather3A_1574 : vector<16xi32>
    %add3A_1576 = arith.constant 0 : i32
    %add3A_1577 = vector.broadcast %add3A_1576 : i32 to vector<16xi32>
    %add3A_1578 = arith.addi %iota3A, %add3A_1577 : vector<16xi32>
    %eq3A_1579 = arith.cmpi eq, %add3A_1578, %min3A_1575 : vector<16xi32>
    %add3A_1580 = arith.constant 16 : i32
    %add3A_1581 = vector.broadcast %add3A_1580 : i32 to vector<16xi32>
    %add3A_1582 = arith.addi %iota3A, %add3A_1581 : vector<16xi32>
    %eq3A_1583 = arith.cmpi eq, %add3A_1582, %min3A_1575 : vector<16xi32>
    %add3A_1584 = arith.constant 32 : i32
    %add3A_1585 = vector.broadcast %add3A_1584 : i32 to vector<16xi32>
    %add3A_1586 = arith.addi %iota3A, %add3A_1585 : vector<16xi32>
    %eq3A_1587 = arith.cmpi eq, %add3A_1586, %min3A_1575 : vector<16xi32>
    %add3A_1588 = arith.constant 48 : i32
    %add3A_1589 = vector.broadcast %add3A_1588 : i32 to vector<16xi32>
    %add3A_1590 = arith.addi %iota3A, %add3A_1589 : vector<16xi32>
    %eq3A_1591 = arith.cmpi eq, %add3A_1590, %min3A_1575 : vector<16xi32>
    %jit3A_1592 = arith.constant 0.000000e+00 : f32
    %broadcast_in_dim3A_1593 = vector.broadcast %jit3A_1592 : f32 to vector<16xf32>
    %select_n3A_1594 = arith.select %eq3A_1579, %min3A_133, %broadcast_in_dim3A_1593 : vector<16xi1>, vector<16xf32>
    %jit3A_1595 = arith.constant 0.000000e+00 : f32
    %broadcast_in_dim3A_1596 = vector.broadcast %jit3A_1595 : f32 to vector<16xf32>
    %select_n3A_1597 = arith.select %eq3A_1583, %min3A_140, %broadcast_in_dim3A_1596 : vector<16xi1>, vector<16xf32>
    %add3A_1598 = arith.addf %select_n3A_1594, %select_n3A_1597 : vector<16xf32>
    %jit3A_1599 = arith.constant 0.000000e+00 : f32
    %broadcast_in_dim3A_1600 = vector.broadcast %jit3A_1599 : f32 to vector<16xf32>
    %select_n3A_1601 = arith.select %eq3A_1587, %min3A_147, %broadcast_in_dim3A_1600 : vector<16xi1>, vector<16xf32>
    %add3A_1602 = arith.addf %add3A_1598, %select_n3A_1601 : vector<16xf32>
    %jit3A_1603 = arith.constant 0.000000e+00 : f32
    %broadcast_in_dim3A_1604 = vector.broadcast %jit3A_1603 : f32 to vector<16xf32>
    %select_n3A_1605 = arith.select %eq3A_1591, %min3A_154, %broadcast_in_dim3A_1604 : vector<16xi1>, vector<16xf32>
    %add3A_1606 = arith.addf %add3A_1602, %select_n3A_1605 : vector<16xf32>
    %xor3A_1607 = arith.constant 8 : i32
    %xor3A_1608 = vector.broadcast %xor3A_1607 : i32 to vector<16xi32>
    %xor3A_1609 = arith.xori %iota3A, %xor3A_1608 : vector<16xi32>
    %lt3A_1610 = arith.constant 0 : i32
    %lt3A_1611 = vector.broadcast %lt3A_1610 : i32 to vector<16xi32>
    %lt3A_1612 = arith.cmpi slt, %xor3A_1609, %lt3A_1611 : vector<16xi32>
    %add3A_1613 = arith.constant 16 : i32
    %add3A_1614 = vector.broadcast %add3A_1613 : i32 to vector<16xi32>
    %add3A_1615 = arith.addi %xor3A_1609, %add3A_1614 : vector<16xi32>
    %select_n3A_1616 = arith.select %lt3A_1612, %add3A_1615, %xor3A_1609 : vector<16xi1>, vector<16xi32>
    %broadcast_in_dim3A_1617 = vector.shape_cast %select_n3A_1616 : vector<16xi32> to vector<16x1xi32>
    %gather3A_1618 = vector.shape_cast %broadcast_in_dim3A_1617 : vector<16x1xi32> to vector<16xi32>
    %gather3A_1619 = tpu.dynamic_gather %add3A_1606[%gather3A_1618] in [0] : vector<16xf32>, vector<16xi32> -> vector<16xf32>
    %add3A_1620 = arith.addf %add3A_1606, %gather3A_1619 : vector<16xf32>
    %xor3A_1621 = arith.constant 4 : i32
    %xor3A_1622 = vector.broadcast %xor3A_1621 : i32 to vector<16xi32>
    %xor3A_1623 = arith.xori %iota3A, %xor3A_1622 : vector<16xi32>
    %lt3A_1624 = arith.constant 0 : i32
    %lt3A_1625 = vector.broadcast %lt3A_1624 : i32 to vector<16xi32>
    %lt3A_1626 = arith.cmpi slt, %xor3A_1623, %lt3A_1625 : vector<16xi32>
    %add3A_1627 = arith.constant 16 : i32
    %add3A_1628 = vector.broadcast %add3A_1627 : i32 to vector<16xi32>
    %add3A_1629 = arith.addi %xor3A_1623, %add3A_1628 : vector<16xi32>
    %select_n3A_1630 = arith.select %lt3A_1626, %add3A_1629, %xor3A_1623 : vector<16xi1>, vector<16xi32>
    %broadcast_in_dim3A_1631 = vector.shape_cast %select_n3A_1630 : vector<16xi32> to vector<16x1xi32>
    %gather3A_1632 = vector.shape_cast %broadcast_in_dim3A_1631 : vector<16x1xi32> to vector<16xi32>
    %gather3A_1633 = tpu.dynamic_gather %add3A_1620[%gather3A_1632] in [0] : vector<16xf32>, vector<16xi32> -> vector<16xf32>
    %add3A_1634 = arith.addf %add3A_1620, %gather3A_1633 : vector<16xf32>
    %xor3A_1635 = arith.constant 2 : i32
    %xor3A_1636 = vector.broadcast %xor3A_1635 : i32 to vector<16xi32>
    %xor3A_1637 = arith.xori %iota3A, %xor3A_1636 : vector<16xi32>
    %lt3A_1638 = arith.constant 0 : i32
    %lt3A_1639 = vector.broadcast %lt3A_1638 : i32 to vector<16xi32>
    %lt3A_1640 = arith.cmpi slt, %xor3A_1637, %lt3A_1639 : vector<16xi32>
    %add3A_1641 = arith.constant 16 : i32
    %add3A_1642 = vector.broadcast %add3A_1641 : i32 to vector<16xi32>
    %add3A_1643 = arith.addi %xor3A_1637, %add3A_1642 : vector<16xi32>
    %select_n3A_1644 = arith.select %lt3A_1640, %add3A_1643, %xor3A_1637 : vector<16xi1>, vector<16xi32>
    %broadcast_in_dim3A_1645 = vector.shape_cast %select_n3A_1644 : vector<16xi32> to vector<16x1xi32>
    %gather3A_1646 = vector.shape_cast %broadcast_in_dim3A_1645 : vector<16x1xi32> to vector<16xi32>
    %gather3A_1647 = tpu.dynamic_gather %add3A_1634[%gather3A_1646] in [0] : vector<16xf32>, vector<16xi32> -> vector<16xf32>
    %add3A_1648 = arith.addf %add3A_1634, %gather3A_1647 : vector<16xf32>
    %xor3A_1649 = arith.constant 1 : i32
    %xor3A_1650 = vector.broadcast %xor3A_1649 : i32 to vector<16xi32>
    %xor3A_1651 = arith.xori %iota3A, %xor3A_1650 : vector<16xi32>
    %lt3A_1652 = arith.constant 0 : i32
    %lt3A_1653 = vector.broadcast %lt3A_1652 : i32 to vector<16xi32>
    %lt3A_1654 = arith.cmpi slt, %xor3A_1651, %lt3A_1653 : vector<16xi32>
    %add3A_1655 = arith.constant 16 : i32
    %add3A_1656 = vector.broadcast %add3A_1655 : i32 to vector<16xi32>
    %add3A_1657 = arith.addi %xor3A_1651, %add3A_1656 : vector<16xi32>
    %select_n3A_1658 = arith.select %lt3A_1654, %add3A_1657, %xor3A_1651 : vector<16xi1>, vector<16xi32>
    %broadcast_in_dim3A_1659 = vector.shape_cast %select_n3A_1658 : vector<16xi32> to vector<16x1xi32>
    %gather3A_1660 = vector.shape_cast %broadcast_in_dim3A_1659 : vector<16x1xi32> to vector<16xi32>
    %gather3A_1661 = tpu.dynamic_gather %add3A_1648[%gather3A_1660] in [0] : vector<16xf32>, vector<16xi32> -> vector<16xf32>
    %add3A_1662 = arith.addf %add3A_1648, %gather3A_1661 : vector<16xf32>
    %eq3A_1663 = arith.constant 5 : i32
    %eq3A_1664 = vector.broadcast %eq3A_1663 : i32 to vector<16xi32>
    %eq3A_1665 = arith.cmpi eq, %iota3A, %eq3A_1664 : vector<16xi32>
    %select_n3A_1666 = arith.select %eq3A_1665, %add3A_1662, %select_n3A_1412 : vector<16xi1>, vector<16xf32>
    %eq3A_1667 = arith.constant 5 : i32
    %eq3A_1668 = vector.broadcast %eq3A_1667 : i32 to vector<16xi32>
    %eq3A_1669 = arith.cmpi eq, %iota3A, %eq3A_1668 : vector<16xi32>
    %select_n3A_1670 = arith.select %eq3A_1669, %min3A_1575, %select_n3A_1416 : vector<16xi1>, vector<16xi32>
    %add3A_1671 = arith.addf %add3A_1417, %add3A_1662 : vector<16xf32>
    %jit3A_1672 = arith.constant -3.000000e+38 : f32
    %broadcast_in_dim3A_1673 = vector.broadcast %jit3A_1672 : f32 to vector<16xf32>
    %select_n3A_1674 = arith.select %eq3A_1579, %broadcast_in_dim3A_1673, %select_n3A_1420 : vector<16xi1>, vector<16xf32>
    %jit3A_1675 = arith.constant -3.000000e+38 : f32
    %broadcast_in_dim3A_1676 = vector.broadcast %jit3A_1675 : f32 to vector<16xf32>
    %select_n3A_1677 = arith.select %eq3A_1583, %broadcast_in_dim3A_1676, %select_n3A_1423 : vector<16xi1>, vector<16xf32>
    %jit3A_1678 = arith.constant -3.000000e+38 : f32
    %broadcast_in_dim3A_1679 = vector.broadcast %jit3A_1678 : f32 to vector<16xf32>
    %select_n3A_1680 = arith.select %eq3A_1587, %broadcast_in_dim3A_1679, %select_n3A_1426 : vector<16xi1>, vector<16xf32>
    %jit3A_1681 = arith.constant -3.000000e+38 : f32
    %broadcast_in_dim3A_1682 = vector.broadcast %jit3A_1681 : f32 to vector<16xf32>
    %select_n3A_1683 = arith.select %eq3A_1591, %broadcast_in_dim3A_1682, %select_n3A_1429 : vector<16xi1>, vector<16xf32>
    %max3A_1684 = arith.maximumf %select_n3A_1674, %select_n3A_1677 : vector<16xf32>
    %max3A_1685 = arith.maximumf %select_n3A_1680, %select_n3A_1683 : vector<16xf32>
    %max3A_1686 = arith.maximumf %max3A_1684, %max3A_1685 : vector<16xf32>
    %xor3A_1687 = arith.constant 8 : i32
    %xor3A_1688 = vector.broadcast %xor3A_1687 : i32 to vector<16xi32>
    %xor3A_1689 = arith.xori %iota3A, %xor3A_1688 : vector<16xi32>
    %lt3A_1690 = arith.constant 0 : i32
    %lt3A_1691 = vector.broadcast %lt3A_1690 : i32 to vector<16xi32>
    %lt3A_1692 = arith.cmpi slt, %xor3A_1689, %lt3A_1691 : vector<16xi32>
    %add3A_1693 = arith.constant 16 : i32
    %add3A_1694 = vector.broadcast %add3A_1693 : i32 to vector<16xi32>
    %add3A_1695 = arith.addi %xor3A_1689, %add3A_1694 : vector<16xi32>
    %select_n3A_1696 = arith.select %lt3A_1692, %add3A_1695, %xor3A_1689 : vector<16xi1>, vector<16xi32>
    %broadcast_in_dim3A_1697 = vector.shape_cast %select_n3A_1696 : vector<16xi32> to vector<16x1xi32>
    %gather3A_1698 = vector.shape_cast %broadcast_in_dim3A_1697 : vector<16x1xi32> to vector<16xi32>
    %gather3A_1699 = tpu.dynamic_gather %max3A_1686[%gather3A_1698] in [0] : vector<16xf32>, vector<16xi32> -> vector<16xf32>
    %max3A_1700 = arith.maximumf %max3A_1686, %gather3A_1699 : vector<16xf32>
    %xor3A_1701 = arith.constant 4 : i32
    %xor3A_1702 = vector.broadcast %xor3A_1701 : i32 to vector<16xi32>
    %xor3A_1703 = arith.xori %iota3A, %xor3A_1702 : vector<16xi32>
    %lt3A_1704 = arith.constant 0 : i32
    %lt3A_1705 = vector.broadcast %lt3A_1704 : i32 to vector<16xi32>
    %lt3A_1706 = arith.cmpi slt, %xor3A_1703, %lt3A_1705 : vector<16xi32>
    %add3A_1707 = arith.constant 16 : i32
    %add3A_1708 = vector.broadcast %add3A_1707 : i32 to vector<16xi32>
    %add3A_1709 = arith.addi %xor3A_1703, %add3A_1708 : vector<16xi32>
    %select_n3A_1710 = arith.select %lt3A_1706, %add3A_1709, %xor3A_1703 : vector<16xi1>, vector<16xi32>
    %broadcast_in_dim3A_1711 = vector.shape_cast %select_n3A_1710 : vector<16xi32> to vector<16x1xi32>
    %gather3A_1712 = vector.shape_cast %broadcast_in_dim3A_1711 : vector<16x1xi32> to vector<16xi32>
    %gather3A_1713 = tpu.dynamic_gather %max3A_1700[%gather3A_1712] in [0] : vector<16xf32>, vector<16xi32> -> vector<16xf32>
    %max3A_1714 = arith.maximumf %max3A_1700, %gather3A_1713 : vector<16xf32>
    %xor3A_1715 = arith.constant 2 : i32
    %xor3A_1716 = vector.broadcast %xor3A_1715 : i32 to vector<16xi32>
    %xor3A_1717 = arith.xori %iota3A, %xor3A_1716 : vector<16xi32>
    %lt3A_1718 = arith.constant 0 : i32
    %lt3A_1719 = vector.broadcast %lt3A_1718 : i32 to vector<16xi32>
    %lt3A_1720 = arith.cmpi slt, %xor3A_1717, %lt3A_1719 : vector<16xi32>
    %add3A_1721 = arith.constant 16 : i32
    %add3A_1722 = vector.broadcast %add3A_1721 : i32 to vector<16xi32>
    %add3A_1723 = arith.addi %xor3A_1717, %add3A_1722 : vector<16xi32>
    %select_n3A_1724 = arith.select %lt3A_1720, %add3A_1723, %xor3A_1717 : vector<16xi1>, vector<16xi32>
    %broadcast_in_dim3A_1725 = vector.shape_cast %select_n3A_1724 : vector<16xi32> to vector<16x1xi32>
    %gather3A_1726 = vector.shape_cast %broadcast_in_dim3A_1725 : vector<16x1xi32> to vector<16xi32>
    %gather3A_1727 = tpu.dynamic_gather %max3A_1714[%gather3A_1726] in [0] : vector<16xf32>, vector<16xi32> -> vector<16xf32>
    %max3A_1728 = arith.maximumf %max3A_1714, %gather3A_1727 : vector<16xf32>
    %xor3A_1729 = arith.constant 1 : i32
    %xor3A_1730 = vector.broadcast %xor3A_1729 : i32 to vector<16xi32>
    %xor3A_1731 = arith.xori %iota3A, %xor3A_1730 : vector<16xi32>
    %lt3A_1732 = arith.constant 0 : i32
    %lt3A_1733 = vector.broadcast %lt3A_1732 : i32 to vector<16xi32>
    %lt3A_1734 = arith.cmpi slt, %xor3A_1731, %lt3A_1733 : vector<16xi32>
    %add3A_1735 = arith.constant 16 : i32
    %add3A_1736 = vector.broadcast %add3A_1735 : i32 to vector<16xi32>
    %add3A_1737 = arith.addi %xor3A_1731, %add3A_1736 : vector<16xi32>
    %select_n3A_1738 = arith.select %lt3A_1734, %add3A_1737, %xor3A_1731 : vector<16xi1>, vector<16xi32>
    %broadcast_in_dim3A_1739 = vector.shape_cast %select_n3A_1738 : vector<16xi32> to vector<16x1xi32>
    %gather3A_1740 = vector.shape_cast %broadcast_in_dim3A_1739 : vector<16x1xi32> to vector<16xi32>
    %gather3A_1741 = tpu.dynamic_gather %max3A_1728[%gather3A_1740] in [0] : vector<16xf32>, vector<16xi32> -> vector<16xf32>
    %max3A_1742 = arith.maximumf %max3A_1728, %gather3A_1741 : vector<16xf32>
    %eq3A_1743 = arith.cmpf oeq, %select_n3A_1674, %max3A_1742 : vector<16xf32>
    %add3A_1744 = arith.constant 0 : i32
    %add3A_1745 = vector.broadcast %add3A_1744 : i32 to vector<16xi32>
    %add3A_1746 = arith.addi %iota3A, %add3A_1745 : vector<16xi32>
    %jit3A_1747 = arith.constant 64 : i32
    %broadcast_in_dim3A_1748 = vector.broadcast %jit3A_1747 : i32 to vector<16xi32>
    %select_n3A_1749 = arith.select %eq3A_1743, %add3A_1746, %broadcast_in_dim3A_1748 : vector<16xi1>, vector<16xi32>
    %eq3A_1750 = arith.cmpf oeq, %select_n3A_1677, %max3A_1742 : vector<16xf32>
    %add3A_1751 = arith.constant 16 : i32
    %add3A_1752 = vector.broadcast %add3A_1751 : i32 to vector<16xi32>
    %add3A_1753 = arith.addi %iota3A, %add3A_1752 : vector<16xi32>
    %jit3A_1754 = arith.constant 64 : i32
    %broadcast_in_dim3A_1755 = vector.broadcast %jit3A_1754 : i32 to vector<16xi32>
    %select_n3A_1756 = arith.select %eq3A_1750, %add3A_1753, %broadcast_in_dim3A_1755 : vector<16xi1>, vector<16xi32>
    %eq3A_1757 = arith.cmpf oeq, %select_n3A_1680, %max3A_1742 : vector<16xf32>
    %add3A_1758 = arith.constant 32 : i32
    %add3A_1759 = vector.broadcast %add3A_1758 : i32 to vector<16xi32>
    %add3A_1760 = arith.addi %iota3A, %add3A_1759 : vector<16xi32>
    %jit3A_1761 = arith.constant 64 : i32
    %broadcast_in_dim3A_1762 = vector.broadcast %jit3A_1761 : i32 to vector<16xi32>
    %select_n3A_1763 = arith.select %eq3A_1757, %add3A_1760, %broadcast_in_dim3A_1762 : vector<16xi1>, vector<16xi32>
    %eq3A_1764 = arith.cmpf oeq, %select_n3A_1683, %max3A_1742 : vector<16xf32>
    %add3A_1765 = arith.constant 48 : i32
    %add3A_1766 = vector.broadcast %add3A_1765 : i32 to vector<16xi32>
    %add3A_1767 = arith.addi %iota3A, %add3A_1766 : vector<16xi32>
    %jit3A_1768 = arith.constant 64 : i32
    %broadcast_in_dim3A_1769 = vector.broadcast %jit3A_1768 : i32 to vector<16xi32>
    %select_n3A_1770 = arith.select %eq3A_1764, %add3A_1767, %broadcast_in_dim3A_1769 : vector<16xi1>, vector<16xi32>
    %min3A_1771 = arith.minsi %select_n3A_1749, %select_n3A_1756 : vector<16xi32>
    %min3A_1772 = arith.minsi %select_n3A_1763, %select_n3A_1770 : vector<16xi32>
    %min3A_1773 = arith.minsi %min3A_1771, %min3A_1772 : vector<16xi32>
    %xor3A_1774 = arith.constant 8 : i32
    %xor3A_1775 = vector.broadcast %xor3A_1774 : i32 to vector<16xi32>
    %xor3A_1776 = arith.xori %iota3A, %xor3A_1775 : vector<16xi32>
    %lt3A_1777 = arith.constant 0 : i32
    %lt3A_1778 = vector.broadcast %lt3A_1777 : i32 to vector<16xi32>
    %lt3A_1779 = arith.cmpi slt, %xor3A_1776, %lt3A_1778 : vector<16xi32>
    %add3A_1780 = arith.constant 16 : i32
    %add3A_1781 = vector.broadcast %add3A_1780 : i32 to vector<16xi32>
    %add3A_1782 = arith.addi %xor3A_1776, %add3A_1781 : vector<16xi32>
    %select_n3A_1783 = arith.select %lt3A_1779, %add3A_1782, %xor3A_1776 : vector<16xi1>, vector<16xi32>
    %broadcast_in_dim3A_1784 = vector.shape_cast %select_n3A_1783 : vector<16xi32> to vector<16x1xi32>
    %gather3A_1785 = vector.shape_cast %broadcast_in_dim3A_1784 : vector<16x1xi32> to vector<16xi32>
    %gather3A_1786 = tpu.dynamic_gather %min3A_1773[%gather3A_1785] in [0] : vector<16xi32>, vector<16xi32> -> vector<16xi32>
    %min3A_1787 = arith.minsi %min3A_1773, %gather3A_1786 : vector<16xi32>
    %xor3A_1788 = arith.constant 4 : i32
    %xor3A_1789 = vector.broadcast %xor3A_1788 : i32 to vector<16xi32>
    %xor3A_1790 = arith.xori %iota3A, %xor3A_1789 : vector<16xi32>
    %lt3A_1791 = arith.constant 0 : i32
    %lt3A_1792 = vector.broadcast %lt3A_1791 : i32 to vector<16xi32>
    %lt3A_1793 = arith.cmpi slt, %xor3A_1790, %lt3A_1792 : vector<16xi32>
    %add3A_1794 = arith.constant 16 : i32
    %add3A_1795 = vector.broadcast %add3A_1794 : i32 to vector<16xi32>
    %add3A_1796 = arith.addi %xor3A_1790, %add3A_1795 : vector<16xi32>
    %select_n3A_1797 = arith.select %lt3A_1793, %add3A_1796, %xor3A_1790 : vector<16xi1>, vector<16xi32>
    %broadcast_in_dim3A_1798 = vector.shape_cast %select_n3A_1797 : vector<16xi32> to vector<16x1xi32>
    %gather3A_1799 = vector.shape_cast %broadcast_in_dim3A_1798 : vector<16x1xi32> to vector<16xi32>
    %gather3A_1800 = tpu.dynamic_gather %min3A_1787[%gather3A_1799] in [0] : vector<16xi32>, vector<16xi32> -> vector<16xi32>
    %min3A_1801 = arith.minsi %min3A_1787, %gather3A_1800 : vector<16xi32>
    %xor3A_1802 = arith.constant 2 : i32
    %xor3A_1803 = vector.broadcast %xor3A_1802 : i32 to vector<16xi32>
    %xor3A_1804 = arith.xori %iota3A, %xor3A_1803 : vector<16xi32>
    %lt3A_1805 = arith.constant 0 : i32
    %lt3A_1806 = vector.broadcast %lt3A_1805 : i32 to vector<16xi32>
    %lt3A_1807 = arith.cmpi slt, %xor3A_1804, %lt3A_1806 : vector<16xi32>
    %add3A_1808 = arith.constant 16 : i32
    %add3A_1809 = vector.broadcast %add3A_1808 : i32 to vector<16xi32>
    %add3A_1810 = arith.addi %xor3A_1804, %add3A_1809 : vector<16xi32>
    %select_n3A_1811 = arith.select %lt3A_1807, %add3A_1810, %xor3A_1804 : vector<16xi1>, vector<16xi32>
    %broadcast_in_dim3A_1812 = vector.shape_cast %select_n3A_1811 : vector<16xi32> to vector<16x1xi32>
    %gather3A_1813 = vector.shape_cast %broadcast_in_dim3A_1812 : vector<16x1xi32> to vector<16xi32>
    %gather3A_1814 = tpu.dynamic_gather %min3A_1801[%gather3A_1813] in [0] : vector<16xi32>, vector<16xi32> -> vector<16xi32>
    %min3A_1815 = arith.minsi %min3A_1801, %gather3A_1814 : vector<16xi32>
    %xor3A_1816 = arith.constant 1 : i32
    %xor3A_1817 = vector.broadcast %xor3A_1816 : i32 to vector<16xi32>
    %xor3A_1818 = arith.xori %iota3A, %xor3A_1817 : vector<16xi32>
    %lt3A_1819 = arith.constant 0 : i32
    %lt3A_1820 = vector.broadcast %lt3A_1819 : i32 to vector<16xi32>
    %lt3A_1821 = arith.cmpi slt, %xor3A_1818, %lt3A_1820 : vector<16xi32>
    %add3A_1822 = arith.constant 16 : i32
    %add3A_1823 = vector.broadcast %add3A_1822 : i32 to vector<16xi32>
    %add3A_1824 = arith.addi %xor3A_1818, %add3A_1823 : vector<16xi32>
    %select_n3A_1825 = arith.select %lt3A_1821, %add3A_1824, %xor3A_1818 : vector<16xi1>, vector<16xi32>
    %broadcast_in_dim3A_1826 = vector.shape_cast %select_n3A_1825 : vector<16xi32> to vector<16x1xi32>
    %gather3A_1827 = vector.shape_cast %broadcast_in_dim3A_1826 : vector<16x1xi32> to vector<16xi32>
    %gather3A_1828 = tpu.dynamic_gather %min3A_1815[%gather3A_1827] in [0] : vector<16xi32>, vector<16xi32> -> vector<16xi32>
    %min3A_1829 = arith.minsi %min3A_1815, %gather3A_1828 : vector<16xi32>
    %add3A_1830 = arith.constant 0 : i32
    %add3A_1831 = vector.broadcast %add3A_1830 : i32 to vector<16xi32>
    %add3A_1832 = arith.addi %iota3A, %add3A_1831 : vector<16xi32>
    %eq3A_1833 = arith.cmpi eq, %add3A_1832, %min3A_1829 : vector<16xi32>
    %add3A_1834 = arith.constant 16 : i32
    %add3A_1835 = vector.broadcast %add3A_1834 : i32 to vector<16xi32>
    %add3A_1836 = arith.addi %iota3A, %add3A_1835 : vector<16xi32>
    %eq3A_1837 = arith.cmpi eq, %add3A_1836, %min3A_1829 : vector<16xi32>
    %add3A_1838 = arith.constant 32 : i32
    %add3A_1839 = vector.broadcast %add3A_1838 : i32 to vector<16xi32>
    %add3A_1840 = arith.addi %iota3A, %add3A_1839 : vector<16xi32>
    %eq3A_1841 = arith.cmpi eq, %add3A_1840, %min3A_1829 : vector<16xi32>
    %add3A_1842 = arith.constant 48 : i32
    %add3A_1843 = vector.broadcast %add3A_1842 : i32 to vector<16xi32>
    %add3A_1844 = arith.addi %iota3A, %add3A_1843 : vector<16xi32>
    %eq3A_1845 = arith.cmpi eq, %add3A_1844, %min3A_1829 : vector<16xi32>
    %jit3A_1846 = arith.constant 0.000000e+00 : f32
    %broadcast_in_dim3A_1847 = vector.broadcast %jit3A_1846 : f32 to vector<16xf32>
    %select_n3A_1848 = arith.select %eq3A_1833, %min3A_133, %broadcast_in_dim3A_1847 : vector<16xi1>, vector<16xf32>
    %jit3A_1849 = arith.constant 0.000000e+00 : f32
    %broadcast_in_dim3A_1850 = vector.broadcast %jit3A_1849 : f32 to vector<16xf32>
    %select_n3A_1851 = arith.select %eq3A_1837, %min3A_140, %broadcast_in_dim3A_1850 : vector<16xi1>, vector<16xf32>
    %add3A_1852 = arith.addf %select_n3A_1848, %select_n3A_1851 : vector<16xf32>
    %jit3A_1853 = arith.constant 0.000000e+00 : f32
    %broadcast_in_dim3A_1854 = vector.broadcast %jit3A_1853 : f32 to vector<16xf32>
    %select_n3A_1855 = arith.select %eq3A_1841, %min3A_147, %broadcast_in_dim3A_1854 : vector<16xi1>, vector<16xf32>
    %add3A_1856 = arith.addf %add3A_1852, %select_n3A_1855 : vector<16xf32>
    %jit3A_1857 = arith.constant 0.000000e+00 : f32
    %broadcast_in_dim3A_1858 = vector.broadcast %jit3A_1857 : f32 to vector<16xf32>
    %select_n3A_1859 = arith.select %eq3A_1845, %min3A_154, %broadcast_in_dim3A_1858 : vector<16xi1>, vector<16xf32>
    %add3A_1860 = arith.addf %add3A_1856, %select_n3A_1859 : vector<16xf32>
    %xor3A_1861 = arith.constant 8 : i32
    %xor3A_1862 = vector.broadcast %xor3A_1861 : i32 to vector<16xi32>
    %xor3A_1863 = arith.xori %iota3A, %xor3A_1862 : vector<16xi32>
    %lt3A_1864 = arith.constant 0 : i32
    %lt3A_1865 = vector.broadcast %lt3A_1864 : i32 to vector<16xi32>
    %lt3A_1866 = arith.cmpi slt, %xor3A_1863, %lt3A_1865 : vector<16xi32>
    %add3A_1867 = arith.constant 16 : i32
    %add3A_1868 = vector.broadcast %add3A_1867 : i32 to vector<16xi32>
    %add3A_1869 = arith.addi %xor3A_1863, %add3A_1868 : vector<16xi32>
    %select_n3A_1870 = arith.select %lt3A_1866, %add3A_1869, %xor3A_1863 : vector<16xi1>, vector<16xi32>
    %broadcast_in_dim3A_1871 = vector.shape_cast %select_n3A_1870 : vector<16xi32> to vector<16x1xi32>
    %gather3A_1872 = vector.shape_cast %broadcast_in_dim3A_1871 : vector<16x1xi32> to vector<16xi32>
    %gather3A_1873 = tpu.dynamic_gather %add3A_1860[%gather3A_1872] in [0] : vector<16xf32>, vector<16xi32> -> vector<16xf32>
    %add3A_1874 = arith.addf %add3A_1860, %gather3A_1873 : vector<16xf32>
    %xor3A_1875 = arith.constant 4 : i32
    %xor3A_1876 = vector.broadcast %xor3A_1875 : i32 to vector<16xi32>
    %xor3A_1877 = arith.xori %iota3A, %xor3A_1876 : vector<16xi32>
    %lt3A_1878 = arith.constant 0 : i32
    %lt3A_1879 = vector.broadcast %lt3A_1878 : i32 to vector<16xi32>
    %lt3A_1880 = arith.cmpi slt, %xor3A_1877, %lt3A_1879 : vector<16xi32>
    %add3A_1881 = arith.constant 16 : i32
    %add3A_1882 = vector.broadcast %add3A_1881 : i32 to vector<16xi32>
    %add3A_1883 = arith.addi %xor3A_1877, %add3A_1882 : vector<16xi32>
    %select_n3A_1884 = arith.select %lt3A_1880, %add3A_1883, %xor3A_1877 : vector<16xi1>, vector<16xi32>
    %broadcast_in_dim3A_1885 = vector.shape_cast %select_n3A_1884 : vector<16xi32> to vector<16x1xi32>
    %gather3A_1886 = vector.shape_cast %broadcast_in_dim3A_1885 : vector<16x1xi32> to vector<16xi32>
    %gather3A_1887 = tpu.dynamic_gather %add3A_1874[%gather3A_1886] in [0] : vector<16xf32>, vector<16xi32> -> vector<16xf32>
    %add3A_1888 = arith.addf %add3A_1874, %gather3A_1887 : vector<16xf32>
    %xor3A_1889 = arith.constant 2 : i32
    %xor3A_1890 = vector.broadcast %xor3A_1889 : i32 to vector<16xi32>
    %xor3A_1891 = arith.xori %iota3A, %xor3A_1890 : vector<16xi32>
    %lt3A_1892 = arith.constant 0 : i32
    %lt3A_1893 = vector.broadcast %lt3A_1892 : i32 to vector<16xi32>
    %lt3A_1894 = arith.cmpi slt, %xor3A_1891, %lt3A_1893 : vector<16xi32>
    %add3A_1895 = arith.constant 16 : i32
    %add3A_1896 = vector.broadcast %add3A_1895 : i32 to vector<16xi32>
    %add3A_1897 = arith.addi %xor3A_1891, %add3A_1896 : vector<16xi32>
    %select_n3A_1898 = arith.select %lt3A_1894, %add3A_1897, %xor3A_1891 : vector<16xi1>, vector<16xi32>
    %broadcast_in_dim3A_1899 = vector.shape_cast %select_n3A_1898 : vector<16xi32> to vector<16x1xi32>
    %gather3A_1900 = vector.shape_cast %broadcast_in_dim3A_1899 : vector<16x1xi32> to vector<16xi32>
    %gather3A_1901 = tpu.dynamic_gather %add3A_1888[%gather3A_1900] in [0] : vector<16xf32>, vector<16xi32> -> vector<16xf32>
    %add3A_1902 = arith.addf %add3A_1888, %gather3A_1901 : vector<16xf32>
    %xor3A_1903 = arith.constant 1 : i32
    %xor3A_1904 = vector.broadcast %xor3A_1903 : i32 to vector<16xi32>
    %xor3A_1905 = arith.xori %iota3A, %xor3A_1904 : vector<16xi32>
    %lt3A_1906 = arith.constant 0 : i32
    %lt3A_1907 = vector.broadcast %lt3A_1906 : i32 to vector<16xi32>
    %lt3A_1908 = arith.cmpi slt, %xor3A_1905, %lt3A_1907 : vector<16xi32>
    %add3A_1909 = arith.constant 16 : i32
    %add3A_1910 = vector.broadcast %add3A_1909 : i32 to vector<16xi32>
    %add3A_1911 = arith.addi %xor3A_1905, %add3A_1910 : vector<16xi32>
    %select_n3A_1912 = arith.select %lt3A_1908, %add3A_1911, %xor3A_1905 : vector<16xi1>, vector<16xi32>
    %broadcast_in_dim3A_1913 = vector.shape_cast %select_n3A_1912 : vector<16xi32> to vector<16x1xi32>
    %gather3A_1914 = vector.shape_cast %broadcast_in_dim3A_1913 : vector<16x1xi32> to vector<16xi32>
    %gather3A_1915 = tpu.dynamic_gather %add3A_1902[%gather3A_1914] in [0] : vector<16xf32>, vector<16xi32> -> vector<16xf32>
    %add3A_1916 = arith.addf %add3A_1902, %gather3A_1915 : vector<16xf32>
    %eq3A_1917 = arith.constant 6 : i32
    %eq3A_1918 = vector.broadcast %eq3A_1917 : i32 to vector<16xi32>
    %eq3A_1919 = arith.cmpi eq, %iota3A, %eq3A_1918 : vector<16xi32>
    %select_n3A_1920 = arith.select %eq3A_1919, %add3A_1916, %select_n3A_1666 : vector<16xi1>, vector<16xf32>
    %eq3A_1921 = arith.constant 6 : i32
    %eq3A_1922 = vector.broadcast %eq3A_1921 : i32 to vector<16xi32>
    %eq3A_1923 = arith.cmpi eq, %iota3A, %eq3A_1922 : vector<16xi32>
    %select_n3A_1924 = arith.select %eq3A_1923, %min3A_1829, %select_n3A_1670 : vector<16xi1>, vector<16xi32>
    %add3A_1925 = arith.addf %add3A_1671, %add3A_1916 : vector<16xf32>
    %jit3A_1926 = arith.constant -3.000000e+38 : f32
    %broadcast_in_dim3A_1927 = vector.broadcast %jit3A_1926 : f32 to vector<16xf32>
    %select_n3A_1928 = arith.select %eq3A_1833, %broadcast_in_dim3A_1927, %select_n3A_1674 : vector<16xi1>, vector<16xf32>
    %jit3A_1929 = arith.constant -3.000000e+38 : f32
    %broadcast_in_dim3A_1930 = vector.broadcast %jit3A_1929 : f32 to vector<16xf32>
    %select_n3A_1931 = arith.select %eq3A_1837, %broadcast_in_dim3A_1930, %select_n3A_1677 : vector<16xi1>, vector<16xf32>
    %jit3A_1932 = arith.constant -3.000000e+38 : f32
    %broadcast_in_dim3A_1933 = vector.broadcast %jit3A_1932 : f32 to vector<16xf32>
    %select_n3A_1934 = arith.select %eq3A_1841, %broadcast_in_dim3A_1933, %select_n3A_1680 : vector<16xi1>, vector<16xf32>
    %jit3A_1935 = arith.constant -3.000000e+38 : f32
    %broadcast_in_dim3A_1936 = vector.broadcast %jit3A_1935 : f32 to vector<16xf32>
    %select_n3A_1937 = arith.select %eq3A_1845, %broadcast_in_dim3A_1936, %select_n3A_1683 : vector<16xi1>, vector<16xf32>
    %max3A_1938 = arith.maximumf %select_n3A_1928, %select_n3A_1931 : vector<16xf32>
    %max3A_1939 = arith.maximumf %select_n3A_1934, %select_n3A_1937 : vector<16xf32>
    %max3A_1940 = arith.maximumf %max3A_1938, %max3A_1939 : vector<16xf32>
    %xor3A_1941 = arith.constant 8 : i32
    %xor3A_1942 = vector.broadcast %xor3A_1941 : i32 to vector<16xi32>
    %xor3A_1943 = arith.xori %iota3A, %xor3A_1942 : vector<16xi32>
    %lt3A_1944 = arith.constant 0 : i32
    %lt3A_1945 = vector.broadcast %lt3A_1944 : i32 to vector<16xi32>
    %lt3A_1946 = arith.cmpi slt, %xor3A_1943, %lt3A_1945 : vector<16xi32>
    %add3A_1947 = arith.constant 16 : i32
    %add3A_1948 = vector.broadcast %add3A_1947 : i32 to vector<16xi32>
    %add3A_1949 = arith.addi %xor3A_1943, %add3A_1948 : vector<16xi32>
    %select_n3A_1950 = arith.select %lt3A_1946, %add3A_1949, %xor3A_1943 : vector<16xi1>, vector<16xi32>
    %broadcast_in_dim3A_1951 = vector.shape_cast %select_n3A_1950 : vector<16xi32> to vector<16x1xi32>
    %gather3A_1952 = vector.shape_cast %broadcast_in_dim3A_1951 : vector<16x1xi32> to vector<16xi32>
    %gather3A_1953 = tpu.dynamic_gather %max3A_1940[%gather3A_1952] in [0] : vector<16xf32>, vector<16xi32> -> vector<16xf32>
    %max3A_1954 = arith.maximumf %max3A_1940, %gather3A_1953 : vector<16xf32>
    %xor3A_1955 = arith.constant 4 : i32
    %xor3A_1956 = vector.broadcast %xor3A_1955 : i32 to vector<16xi32>
    %xor3A_1957 = arith.xori %iota3A, %xor3A_1956 : vector<16xi32>
    %lt3A_1958 = arith.constant 0 : i32
    %lt3A_1959 = vector.broadcast %lt3A_1958 : i32 to vector<16xi32>
    %lt3A_1960 = arith.cmpi slt, %xor3A_1957, %lt3A_1959 : vector<16xi32>
    %add3A_1961 = arith.constant 16 : i32
    %add3A_1962 = vector.broadcast %add3A_1961 : i32 to vector<16xi32>
    %add3A_1963 = arith.addi %xor3A_1957, %add3A_1962 : vector<16xi32>
    %select_n3A_1964 = arith.select %lt3A_1960, %add3A_1963, %xor3A_1957 : vector<16xi1>, vector<16xi32>
    %broadcast_in_dim3A_1965 = vector.shape_cast %select_n3A_1964 : vector<16xi32> to vector<16x1xi32>
    %gather3A_1966 = vector.shape_cast %broadcast_in_dim3A_1965 : vector<16x1xi32> to vector<16xi32>
    %gather3A_1967 = tpu.dynamic_gather %max3A_1954[%gather3A_1966] in [0] : vector<16xf32>, vector<16xi32> -> vector<16xf32>
    %max3A_1968 = arith.maximumf %max3A_1954, %gather3A_1967 : vector<16xf32>
    %xor3A_1969 = arith.constant 2 : i32
    %xor3A_1970 = vector.broadcast %xor3A_1969 : i32 to vector<16xi32>
    %xor3A_1971 = arith.xori %iota3A, %xor3A_1970 : vector<16xi32>
    %lt3A_1972 = arith.constant 0 : i32
    %lt3A_1973 = vector.broadcast %lt3A_1972 : i32 to vector<16xi32>
    %lt3A_1974 = arith.cmpi slt, %xor3A_1971, %lt3A_1973 : vector<16xi32>
    %add3A_1975 = arith.constant 16 : i32
    %add3A_1976 = vector.broadcast %add3A_1975 : i32 to vector<16xi32>
    %add3A_1977 = arith.addi %xor3A_1971, %add3A_1976 : vector<16xi32>
    %select_n3A_1978 = arith.select %lt3A_1974, %add3A_1977, %xor3A_1971 : vector<16xi1>, vector<16xi32>
    %broadcast_in_dim3A_1979 = vector.shape_cast %select_n3A_1978 : vector<16xi32> to vector<16x1xi32>
    %gather3A_1980 = vector.shape_cast %broadcast_in_dim3A_1979 : vector<16x1xi32> to vector<16xi32>
    %gather3A_1981 = tpu.dynamic_gather %max3A_1968[%gather3A_1980] in [0] : vector<16xf32>, vector<16xi32> -> vector<16xf32>
    %max3A_1982 = arith.maximumf %max3A_1968, %gather3A_1981 : vector<16xf32>
    %xor3A_1983 = arith.constant 1 : i32
    %xor3A_1984 = vector.broadcast %xor3A_1983 : i32 to vector<16xi32>
    %xor3A_1985 = arith.xori %iota3A, %xor3A_1984 : vector<16xi32>
    %lt3A_1986 = arith.constant 0 : i32
    %lt3A_1987 = vector.broadcast %lt3A_1986 : i32 to vector<16xi32>
    %lt3A_1988 = arith.cmpi slt, %xor3A_1985, %lt3A_1987 : vector<16xi32>
    %add3A_1989 = arith.constant 16 : i32
    %add3A_1990 = vector.broadcast %add3A_1989 : i32 to vector<16xi32>
    %add3A_1991 = arith.addi %xor3A_1985, %add3A_1990 : vector<16xi32>
    %select_n3A_1992 = arith.select %lt3A_1988, %add3A_1991, %xor3A_1985 : vector<16xi1>, vector<16xi32>
    %broadcast_in_dim3A_1993 = vector.shape_cast %select_n3A_1992 : vector<16xi32> to vector<16x1xi32>
    %gather3A_1994 = vector.shape_cast %broadcast_in_dim3A_1993 : vector<16x1xi32> to vector<16xi32>
    %gather3A_1995 = tpu.dynamic_gather %max3A_1982[%gather3A_1994] in [0] : vector<16xf32>, vector<16xi32> -> vector<16xf32>
    %max3A_1996 = arith.maximumf %max3A_1982, %gather3A_1995 : vector<16xf32>
    %eq3A_1997 = arith.cmpf oeq, %select_n3A_1928, %max3A_1996 : vector<16xf32>
    %add3A_1998 = arith.constant 0 : i32
    %add3A_1999 = vector.broadcast %add3A_1998 : i32 to vector<16xi32>
    %add3A_2000 = arith.addi %iota3A, %add3A_1999 : vector<16xi32>
    %jit3A_2001 = arith.constant 64 : i32
    %broadcast_in_dim3A_2002 = vector.broadcast %jit3A_2001 : i32 to vector<16xi32>
    %select_n3A_2003 = arith.select %eq3A_1997, %add3A_2000, %broadcast_in_dim3A_2002 : vector<16xi1>, vector<16xi32>
    %eq3A_2004 = arith.cmpf oeq, %select_n3A_1931, %max3A_1996 : vector<16xf32>
    %add3A_2005 = arith.constant 16 : i32
    %add3A_2006 = vector.broadcast %add3A_2005 : i32 to vector<16xi32>
    %add3A_2007 = arith.addi %iota3A, %add3A_2006 : vector<16xi32>
    %jit3A_2008 = arith.constant 64 : i32
    %broadcast_in_dim3A_2009 = vector.broadcast %jit3A_2008 : i32 to vector<16xi32>
    %select_n3A_2010 = arith.select %eq3A_2004, %add3A_2007, %broadcast_in_dim3A_2009 : vector<16xi1>, vector<16xi32>
    %eq3A_2011 = arith.cmpf oeq, %select_n3A_1934, %max3A_1996 : vector<16xf32>
    %add3A_2012 = arith.constant 32 : i32
    %add3A_2013 = vector.broadcast %add3A_2012 : i32 to vector<16xi32>
    %add3A_2014 = arith.addi %iota3A, %add3A_2013 : vector<16xi32>
    %jit3A_2015 = arith.constant 64 : i32
    %broadcast_in_dim3A_2016 = vector.broadcast %jit3A_2015 : i32 to vector<16xi32>
    %select_n3A_2017 = arith.select %eq3A_2011, %add3A_2014, %broadcast_in_dim3A_2016 : vector<16xi1>, vector<16xi32>
    %eq3A_2018 = arith.cmpf oeq, %select_n3A_1937, %max3A_1996 : vector<16xf32>
    %add3A_2019 = arith.constant 48 : i32
    %add3A_2020 = vector.broadcast %add3A_2019 : i32 to vector<16xi32>
    %add3A_2021 = arith.addi %iota3A, %add3A_2020 : vector<16xi32>
    %jit3A_2022 = arith.constant 64 : i32
    %broadcast_in_dim3A_2023 = vector.broadcast %jit3A_2022 : i32 to vector<16xi32>
    %select_n3A_2024 = arith.select %eq3A_2018, %add3A_2021, %broadcast_in_dim3A_2023 : vector<16xi1>, vector<16xi32>
    %min3A_2025 = arith.minsi %select_n3A_2003, %select_n3A_2010 : vector<16xi32>
    %min3A_2026 = arith.minsi %select_n3A_2017, %select_n3A_2024 : vector<16xi32>
    %min3A_2027 = arith.minsi %min3A_2025, %min3A_2026 : vector<16xi32>
    %xor3A_2028 = arith.constant 8 : i32
    %xor3A_2029 = vector.broadcast %xor3A_2028 : i32 to vector<16xi32>
    %xor3A_2030 = arith.xori %iota3A, %xor3A_2029 : vector<16xi32>
    %lt3A_2031 = arith.constant 0 : i32
    %lt3A_2032 = vector.broadcast %lt3A_2031 : i32 to vector<16xi32>
    %lt3A_2033 = arith.cmpi slt, %xor3A_2030, %lt3A_2032 : vector<16xi32>
    %add3A_2034 = arith.constant 16 : i32
    %add3A_2035 = vector.broadcast %add3A_2034 : i32 to vector<16xi32>
    %add3A_2036 = arith.addi %xor3A_2030, %add3A_2035 : vector<16xi32>
    %select_n3A_2037 = arith.select %lt3A_2033, %add3A_2036, %xor3A_2030 : vector<16xi1>, vector<16xi32>
    %broadcast_in_dim3A_2038 = vector.shape_cast %select_n3A_2037 : vector<16xi32> to vector<16x1xi32>
    %gather3A_2039 = vector.shape_cast %broadcast_in_dim3A_2038 : vector<16x1xi32> to vector<16xi32>
    %gather3A_2040 = tpu.dynamic_gather %min3A_2027[%gather3A_2039] in [0] : vector<16xi32>, vector<16xi32> -> vector<16xi32>
    %min3A_2041 = arith.minsi %min3A_2027, %gather3A_2040 : vector<16xi32>
    %xor3A_2042 = arith.constant 4 : i32
    %xor3A_2043 = vector.broadcast %xor3A_2042 : i32 to vector<16xi32>
    %xor3A_2044 = arith.xori %iota3A, %xor3A_2043 : vector<16xi32>
    %lt3A_2045 = arith.constant 0 : i32
    %lt3A_2046 = vector.broadcast %lt3A_2045 : i32 to vector<16xi32>
    %lt3A_2047 = arith.cmpi slt, %xor3A_2044, %lt3A_2046 : vector<16xi32>
    %add3A_2048 = arith.constant 16 : i32
    %add3A_2049 = vector.broadcast %add3A_2048 : i32 to vector<16xi32>
    %add3A_2050 = arith.addi %xor3A_2044, %add3A_2049 : vector<16xi32>
    %select_n3A_2051 = arith.select %lt3A_2047, %add3A_2050, %xor3A_2044 : vector<16xi1>, vector<16xi32>
    %broadcast_in_dim3A_2052 = vector.shape_cast %select_n3A_2051 : vector<16xi32> to vector<16x1xi32>
    %gather3A_2053 = vector.shape_cast %broadcast_in_dim3A_2052 : vector<16x1xi32> to vector<16xi32>
    %gather3A_2054 = tpu.dynamic_gather %min3A_2041[%gather3A_2053] in [0] : vector<16xi32>, vector<16xi32> -> vector<16xi32>
    %min3A_2055 = arith.minsi %min3A_2041, %gather3A_2054 : vector<16xi32>
    %xor3A_2056 = arith.constant 2 : i32
    %xor3A_2057 = vector.broadcast %xor3A_2056 : i32 to vector<16xi32>
    %xor3A_2058 = arith.xori %iota3A, %xor3A_2057 : vector<16xi32>
    %lt3A_2059 = arith.constant 0 : i32
    %lt3A_2060 = vector.broadcast %lt3A_2059 : i32 to vector<16xi32>
    %lt3A_2061 = arith.cmpi slt, %xor3A_2058, %lt3A_2060 : vector<16xi32>
    %add3A_2062 = arith.constant 16 : i32
    %add3A_2063 = vector.broadcast %add3A_2062 : i32 to vector<16xi32>
    %add3A_2064 = arith.addi %xor3A_2058, %add3A_2063 : vector<16xi32>
    %select_n3A_2065 = arith.select %lt3A_2061, %add3A_2064, %xor3A_2058 : vector<16xi1>, vector<16xi32>
    %broadcast_in_dim3A_2066 = vector.shape_cast %select_n3A_2065 : vector<16xi32> to vector<16x1xi32>
    %gather3A_2067 = vector.shape_cast %broadcast_in_dim3A_2066 : vector<16x1xi32> to vector<16xi32>
    %gather3A_2068 = tpu.dynamic_gather %min3A_2055[%gather3A_2067] in [0] : vector<16xi32>, vector<16xi32> -> vector<16xi32>
    %min3A_2069 = arith.minsi %min3A_2055, %gather3A_2068 : vector<16xi32>
    %xor3A_2070 = arith.constant 1 : i32
    %xor3A_2071 = vector.broadcast %xor3A_2070 : i32 to vector<16xi32>
    %xor3A_2072 = arith.xori %iota3A, %xor3A_2071 : vector<16xi32>
    %lt3A_2073 = arith.constant 0 : i32
    %lt3A_2074 = vector.broadcast %lt3A_2073 : i32 to vector<16xi32>
    %lt3A_2075 = arith.cmpi slt, %xor3A_2072, %lt3A_2074 : vector<16xi32>
    %add3A_2076 = arith.constant 16 : i32
    %add3A_2077 = vector.broadcast %add3A_2076 : i32 to vector<16xi32>
    %add3A_2078 = arith.addi %xor3A_2072, %add3A_2077 : vector<16xi32>
    %select_n3A_2079 = arith.select %lt3A_2075, %add3A_2078, %xor3A_2072 : vector<16xi1>, vector<16xi32>
    %broadcast_in_dim3A_2080 = vector.shape_cast %select_n3A_2079 : vector<16xi32> to vector<16x1xi32>
    %gather3A_2081 = vector.shape_cast %broadcast_in_dim3A_2080 : vector<16x1xi32> to vector<16xi32>
    %gather3A_2082 = tpu.dynamic_gather %min3A_2069[%gather3A_2081] in [0] : vector<16xi32>, vector<16xi32> -> vector<16xi32>
    %min3A_2083 = arith.minsi %min3A_2069, %gather3A_2082 : vector<16xi32>
    %add3A_2084 = arith.constant 0 : i32
    %add3A_2085 = vector.broadcast %add3A_2084 : i32 to vector<16xi32>
    %add3A_2086 = arith.addi %iota3A, %add3A_2085 : vector<16xi32>
    %eq3A_2087 = arith.cmpi eq, %add3A_2086, %min3A_2083 : vector<16xi32>
    %add3A_2088 = arith.constant 16 : i32
    %add3A_2089 = vector.broadcast %add3A_2088 : i32 to vector<16xi32>
    %add3A_2090 = arith.addi %iota3A, %add3A_2089 : vector<16xi32>
    %eq3A_2091 = arith.cmpi eq, %add3A_2090, %min3A_2083 : vector<16xi32>
    %add3A_2092 = arith.constant 32 : i32
    %add3A_2093 = vector.broadcast %add3A_2092 : i32 to vector<16xi32>
    %add3A_2094 = arith.addi %iota3A, %add3A_2093 : vector<16xi32>
    %eq3A_2095 = arith.cmpi eq, %add3A_2094, %min3A_2083 : vector<16xi32>
    %add3A_2096 = arith.constant 48 : i32
    %add3A_2097 = vector.broadcast %add3A_2096 : i32 to vector<16xi32>
    %add3A_2098 = arith.addi %iota3A, %add3A_2097 : vector<16xi32>
    %eq3A_2099 = arith.cmpi eq, %add3A_2098, %min3A_2083 : vector<16xi32>
    %jit3A_2100 = arith.constant 0.000000e+00 : f32
    %broadcast_in_dim3A_2101 = vector.broadcast %jit3A_2100 : f32 to vector<16xf32>
    %select_n3A_2102 = arith.select %eq3A_2087, %min3A_133, %broadcast_in_dim3A_2101 : vector<16xi1>, vector<16xf32>
    %jit3A_2103 = arith.constant 0.000000e+00 : f32
    %broadcast_in_dim3A_2104 = vector.broadcast %jit3A_2103 : f32 to vector<16xf32>
    %select_n3A_2105 = arith.select %eq3A_2091, %min3A_140, %broadcast_in_dim3A_2104 : vector<16xi1>, vector<16xf32>
    %add3A_2106 = arith.addf %select_n3A_2102, %select_n3A_2105 : vector<16xf32>
    %jit3A_2107 = arith.constant 0.000000e+00 : f32
    %broadcast_in_dim3A_2108 = vector.broadcast %jit3A_2107 : f32 to vector<16xf32>
    %select_n3A_2109 = arith.select %eq3A_2095, %min3A_147, %broadcast_in_dim3A_2108 : vector<16xi1>, vector<16xf32>
    %add3A_2110 = arith.addf %add3A_2106, %select_n3A_2109 : vector<16xf32>
    %jit3A_2111 = arith.constant 0.000000e+00 : f32
    %broadcast_in_dim3A_2112 = vector.broadcast %jit3A_2111 : f32 to vector<16xf32>
    %select_n3A_2113 = arith.select %eq3A_2099, %min3A_154, %broadcast_in_dim3A_2112 : vector<16xi1>, vector<16xf32>
    %add3A_2114 = arith.addf %add3A_2110, %select_n3A_2113 : vector<16xf32>
    %xor3A_2115 = arith.constant 8 : i32
    %xor3A_2116 = vector.broadcast %xor3A_2115 : i32 to vector<16xi32>
    %xor3A_2117 = arith.xori %iota3A, %xor3A_2116 : vector<16xi32>
    %lt3A_2118 = arith.constant 0 : i32
    %lt3A_2119 = vector.broadcast %lt3A_2118 : i32 to vector<16xi32>
    %lt3A_2120 = arith.cmpi slt, %xor3A_2117, %lt3A_2119 : vector<16xi32>
    %add3A_2121 = arith.constant 16 : i32
    %add3A_2122 = vector.broadcast %add3A_2121 : i32 to vector<16xi32>
    %add3A_2123 = arith.addi %xor3A_2117, %add3A_2122 : vector<16xi32>
    %select_n3A_2124 = arith.select %lt3A_2120, %add3A_2123, %xor3A_2117 : vector<16xi1>, vector<16xi32>
    %broadcast_in_dim3A_2125 = vector.shape_cast %select_n3A_2124 : vector<16xi32> to vector<16x1xi32>
    %gather3A_2126 = vector.shape_cast %broadcast_in_dim3A_2125 : vector<16x1xi32> to vector<16xi32>
    %gather3A_2127 = tpu.dynamic_gather %add3A_2114[%gather3A_2126] in [0] : vector<16xf32>, vector<16xi32> -> vector<16xf32>
    %add3A_2128 = arith.addf %add3A_2114, %gather3A_2127 : vector<16xf32>
    %xor3A_2129 = arith.constant 4 : i32
    %xor3A_2130 = vector.broadcast %xor3A_2129 : i32 to vector<16xi32>
    %xor3A_2131 = arith.xori %iota3A, %xor3A_2130 : vector<16xi32>
    %lt3A_2132 = arith.constant 0 : i32
    %lt3A_2133 = vector.broadcast %lt3A_2132 : i32 to vector<16xi32>
    %lt3A_2134 = arith.cmpi slt, %xor3A_2131, %lt3A_2133 : vector<16xi32>
    %add3A_2135 = arith.constant 16 : i32
    %add3A_2136 = vector.broadcast %add3A_2135 : i32 to vector<16xi32>
    %add3A_2137 = arith.addi %xor3A_2131, %add3A_2136 : vector<16xi32>
    %select_n3A_2138 = arith.select %lt3A_2134, %add3A_2137, %xor3A_2131 : vector<16xi1>, vector<16xi32>
    %broadcast_in_dim3A_2139 = vector.shape_cast %select_n3A_2138 : vector<16xi32> to vector<16x1xi32>
    %gather3A_2140 = vector.shape_cast %broadcast_in_dim3A_2139 : vector<16x1xi32> to vector<16xi32>
    %gather3A_2141 = tpu.dynamic_gather %add3A_2128[%gather3A_2140] in [0] : vector<16xf32>, vector<16xi32> -> vector<16xf32>
    %add3A_2142 = arith.addf %add3A_2128, %gather3A_2141 : vector<16xf32>
    %xor3A_2143 = arith.constant 2 : i32
    %xor3A_2144 = vector.broadcast %xor3A_2143 : i32 to vector<16xi32>
    %xor3A_2145 = arith.xori %iota3A, %xor3A_2144 : vector<16xi32>
    %lt3A_2146 = arith.constant 0 : i32
    %lt3A_2147 = vector.broadcast %lt3A_2146 : i32 to vector<16xi32>
    %lt3A_2148 = arith.cmpi slt, %xor3A_2145, %lt3A_2147 : vector<16xi32>
    %add3A_2149 = arith.constant 16 : i32
    %add3A_2150 = vector.broadcast %add3A_2149 : i32 to vector<16xi32>
    %add3A_2151 = arith.addi %xor3A_2145, %add3A_2150 : vector<16xi32>
    %select_n3A_2152 = arith.select %lt3A_2148, %add3A_2151, %xor3A_2145 : vector<16xi1>, vector<16xi32>
    %broadcast_in_dim3A_2153 = vector.shape_cast %select_n3A_2152 : vector<16xi32> to vector<16x1xi32>
    %gather3A_2154 = vector.shape_cast %broadcast_in_dim3A_2153 : vector<16x1xi32> to vector<16xi32>
    %gather3A_2155 = tpu.dynamic_gather %add3A_2142[%gather3A_2154] in [0] : vector<16xf32>, vector<16xi32> -> vector<16xf32>
    %add3A_2156 = arith.addf %add3A_2142, %gather3A_2155 : vector<16xf32>
    %xor3A_2157 = arith.constant 1 : i32
    %xor3A_2158 = vector.broadcast %xor3A_2157 : i32 to vector<16xi32>
    %xor3A_2159 = arith.xori %iota3A, %xor3A_2158 : vector<16xi32>
    %lt3A_2160 = arith.constant 0 : i32
    %lt3A_2161 = vector.broadcast %lt3A_2160 : i32 to vector<16xi32>
    %lt3A_2162 = arith.cmpi slt, %xor3A_2159, %lt3A_2161 : vector<16xi32>
    %add3A_2163 = arith.constant 16 : i32
    %add3A_2164 = vector.broadcast %add3A_2163 : i32 to vector<16xi32>
    %add3A_2165 = arith.addi %xor3A_2159, %add3A_2164 : vector<16xi32>
    %select_n3A_2166 = arith.select %lt3A_2162, %add3A_2165, %xor3A_2159 : vector<16xi1>, vector<16xi32>
    %broadcast_in_dim3A_2167 = vector.shape_cast %select_n3A_2166 : vector<16xi32> to vector<16x1xi32>
    %gather3A_2168 = vector.shape_cast %broadcast_in_dim3A_2167 : vector<16x1xi32> to vector<16xi32>
    %gather3A_2169 = tpu.dynamic_gather %add3A_2156[%gather3A_2168] in [0] : vector<16xf32>, vector<16xi32> -> vector<16xf32>
    %add3A_2170 = arith.addf %add3A_2156, %gather3A_2169 : vector<16xf32>
    %eq3A_2171 = arith.constant 7 : i32
    %eq3A_2172 = vector.broadcast %eq3A_2171 : i32 to vector<16xi32>
    %eq3A_2173 = arith.cmpi eq, %iota3A, %eq3A_2172 : vector<16xi32>
    %select_n3A_2174 = arith.select %eq3A_2173, %add3A_2170, %select_n3A_1920 : vector<16xi1>, vector<16xf32>
    %eq3A_2175 = arith.constant 7 : i32
    %eq3A_2176 = vector.broadcast %eq3A_2175 : i32 to vector<16xi32>
    %eq3A_2177 = arith.cmpi eq, %iota3A, %eq3A_2176 : vector<16xi32>
    %select_n3A_2178 = arith.select %eq3A_2177, %min3A_2083, %select_n3A_1924 : vector<16xi1>, vector<16xi32>
    %add3A_2179 = arith.addf %add3A_1925, %add3A_2170 : vector<16xf32>
    %jit3A_2180 = arith.constant -3.000000e+38 : f32
    %broadcast_in_dim3A_2181 = vector.broadcast %jit3A_2180 : f32 to vector<16xf32>
    %select_n3A_2182 = arith.select %eq3A_2087, %broadcast_in_dim3A_2181, %select_n3A_1928 : vector<16xi1>, vector<16xf32>
    %jit3A_2183 = arith.constant -3.000000e+38 : f32
    %broadcast_in_dim3A_2184 = vector.broadcast %jit3A_2183 : f32 to vector<16xf32>
    %select_n3A_2185 = arith.select %eq3A_2091, %broadcast_in_dim3A_2184, %select_n3A_1931 : vector<16xi1>, vector<16xf32>
    %jit3A_2186 = arith.constant -3.000000e+38 : f32
    %broadcast_in_dim3A_2187 = vector.broadcast %jit3A_2186 : f32 to vector<16xf32>
    %select_n3A_2188 = arith.select %eq3A_2095, %broadcast_in_dim3A_2187, %select_n3A_1934 : vector<16xi1>, vector<16xf32>
    %jit3A_2189 = arith.constant -3.000000e+38 : f32
    %broadcast_in_dim3A_2190 = vector.broadcast %jit3A_2189 : f32 to vector<16xf32>
    %select_n3A_2191 = arith.select %eq3A_2099, %broadcast_in_dim3A_2190, %select_n3A_1937 : vector<16xi1>, vector<16xf32>
    %add3A_2192 = arith.constant 9.99999993E-9 : f32
    %add3A_2193 = vector.broadcast %add3A_2192 : f32 to vector<16xf32>
    %add3A_2194 = arith.addf %add3A_2179, %add3A_2193 : vector<16xf32>
    %div3A_2195 = arith.divf %select_n3A_2174, %add3A_2194 : vector<16xf32>
    %swap3A = arith.constant 0 : index
    %swap3A_2196 = tpu.vector_load %arg6[%swap3A] {strides = array<i32>} : memref<16xf32, #tpu.memory_space<vmem>>, vector<16xf32>,
    %swap3A_2197 = vector.shape_cast %swap3A_2196 : vector<16xf32> to vector<16xf32>
    %swap3A_2198 = vector.shape_cast %div3A_2195 : vector<16xf32> to vector<16xf32>
    tpu.vector_store %arg6[%swap3A], %swap3A_2198 {strides = array<i32>} : memref<16xf32, #tpu.memory_space<vmem>>, vector<16xf32>,
    %swap3A_2199 = arith.constant 0 : index
    %swap3A_2200 = tpu.vector_load %arg7[%swap3A_2199] {strides = array<i32>} : memref<16xi32, #tpu.memory_space<vmem>>, vector<16xi32>,
    %swap3A_2201 = vector.shape_cast %swap3A_2200 : vector<16xi32> to vector<16xi32>
    %swap3A_2202 = vector.shape_cast %select_n3A_2178 : vector<16xi32> to vector<16xi32>
    tpu.vector_store %arg7[%swap3A_2199], %swap3A_2202 {strides = array<i32>} : memref<16xi32, #tpu.memory_space<vmem>>, vector<16xi32>,
    "tpu.region"() ({
      %run_scoped3A = tpu.sem_alloc : memref<!tpu.dma_semaphore, #tpu.memory_space<semaphore_mem>>
      %dma_start3A = arith.constant 0 : i32
      %dma_start3A_2203 = tpu.memref_slice %arg3[%add3A, %dma_start3A] : memref<32x16xf32, #tpu.memory_space<hbm>> -> memref<1x16xf32, #tpu.memory_space<hbm>>
      %dma_start3A_2204 = tpu.memref_squeeze %dma_start3A_2203 : memref<1x16xf32, #tpu.memory_space<hbm>> -> memref<16xf32, #tpu.memory_space<hbm>>
      %dma_start3A_2205 = arith.constant 0 : i32
      %dma_start3A_2206 = tpu.memref_slice %arg3[%add3A, %dma_start3A_2205] : memref<32x16xf32, #tpu.memory_space<hbm>> -> memref<1x16xf32, #tpu.memory_space<hbm>>
      %dma_start3A_2207 = tpu.memref_squeeze %dma_start3A_2206 : memref<1x16xf32, #tpu.memory_space<hbm>> -> memref<16xf32, #tpu.memory_space<hbm>>
      tpu.enqueue_dma source(%arg6 : memref<16xf32, #tpu.memory_space<vmem>>) target(%dma_start3A_2207 : memref<16xf32, #tpu.memory_space<hbm>>) target_semaphore(%run_scoped3A : memref<!tpu.dma_semaphore, #tpu.memory_space<semaphore_mem>>)
      %dma_wait3A = arith.constant 0 : i32
      %dma_wait3A_2208 = tpu.memref_slice %arg3[%add3A, %dma_wait3A] : memref<32x16xf32, #tpu.memory_space<hbm>> -> memref<1x16xf32, #tpu.memory_space<hbm>>
      %dma_wait3A_2209 = tpu.memref_squeeze %dma_wait3A_2208 : memref<1x16xf32, #tpu.memory_space<hbm>> -> memref<16xf32, #tpu.memory_space<hbm>>
      %dma_wait3A_2210 = arith.constant 0 : i32
      %dma_wait3A_2211 = tpu.memref_slice %arg3[%add3A, %dma_wait3A_2210] : memref<32x16xf32, #tpu.memory_space<hbm>> -> memref<1x16xf32, #tpu.memory_space<hbm>>
      %dma_wait3A_2212 = tpu.memref_squeeze %dma_wait3A_2211 : memref<1x16xf32, #tpu.memory_space<hbm>> -> memref<16xf32, #tpu.memory_space<hbm>>
      tpu.wait_dma2 semaphore(%run_scoped3A : memref<!tpu.dma_semaphore, #tpu.memory_space<semaphore_mem>>) src(%arg6 : memref<16xf32, #tpu.memory_space<vmem>>) dst(%dma_wait3A_2212 : memref<16xf32, #tpu.memory_space<hbm>>)
      tpu.yield
    }) : () -> ()
    "tpu.region"() ({
      %run_scoped3A = tpu.sem_alloc : memref<!tpu.dma_semaphore, #tpu.memory_space<semaphore_mem>>
      %dma_start3A = arith.constant 0 : i32
      %dma_start3A_2203 = tpu.memref_slice %arg4[%add3A, %dma_start3A] : memref<32x16xi32, #tpu.memory_space<hbm>> -> memref<1x16xi32, #tpu.memory_space<hbm>>
      %dma_start3A_2204 = tpu.memref_squeeze %dma_start3A_2203 : memref<1x16xi32, #tpu.memory_space<hbm>> -> memref<16xi32, #tpu.memory_space<hbm>>
      %dma_start3A_2205 = arith.constant 0 : i32
      %dma_start3A_2206 = tpu.memref_slice %arg4[%add3A, %dma_start3A_2205] : memref<32x16xi32, #tpu.memory_space<hbm>> -> memref<1x16xi32, #tpu.memory_space<hbm>>
      %dma_start3A_2207 = tpu.memref_squeeze %dma_start3A_2206 : memref<1x16xi32, #tpu.memory_space<hbm>> -> memref<16xi32, #tpu.memory_space<hbm>>
      tpu.enqueue_dma source(%arg7 : memref<16xi32, #tpu.memory_space<vmem>>) target(%dma_start3A_2207 : memref<16xi32, #tpu.memory_space<hbm>>) target_semaphore(%run_scoped3A : memref<!tpu.dma_semaphore, #tpu.memory_space<semaphore_mem>>)
      %dma_wait3A = arith.constant 0 : i32
      %dma_wait3A_2208 = tpu.memref_slice %arg4[%add3A, %dma_wait3A] : memref<32x16xi32, #tpu.memory_space<hbm>> -> memref<1x16xi32, #tpu.memory_space<hbm>>
      %dma_wait3A_2209 = tpu.memref_squeeze %dma_wait3A_2208 : memref<1x16xi32, #tpu.memory_space<hbm>> -> memref<16xi32, #tpu.memory_space<hbm>>
      %dma_wait3A_2210 = arith.constant 0 : i32
      %dma_wait3A_2211 = tpu.memref_slice %arg4[%add3A, %dma_wait3A_2210] : memref<32x16xi32, #tpu.memory_space<hbm>> -> memref<1x16xi32, #tpu.memory_space<hbm>>
      %dma_wait3A_2212 = tpu.memref_squeeze %dma_wait3A_2211 : memref<1x16xi32, #tpu.memory_space<hbm>> -> memref<16xi32, #tpu.memory_space<hbm>>
      tpu.wait_dma2 semaphore(%run_scoped3A : memref<!tpu.dma_semaphore, #tpu.memory_space<semaphore_mem>>) src(%arg7 : memref<16xi32, #tpu.memory_space<vmem>>) dst(%dma_wait3A_2212 : memref<16xi32, #tpu.memory_space<hbm>>)
      tpu.yield
    }) : () -> ()
    return
  }
}

module attributes {stable_mosaic.version = 14 : i64} {
  func.func @_tc_logits_body(%arg0: i32, %arg1: memref<1x384x4096xf32, #tpu.memory_space<vmem>>, %arg2: memref<64x384xf32, #tpu.memory_space<vmem>>, %arg3: memref<1x64xf32, #tpu.memory_space<vmem>>, %arg4: memref<1x64xf32, #tpu.memory_space<vmem>>, %arg5: memref<32x64xf32, #tpu.memory_space<vmem>>, %arg6: memref<32x384x128xf32, #tpu.memory_space<vmem>>) attributes {dimension_semantics = [#tpu.dimension_semantics<arbitrary>], iteration_bounds = array<i64: 32>, scalar_prefetch = 0 : i64, scratch_operands = 1 : i64, tpu.core_type = #tpu.core_type<tc>, window_params = [{transform_indices = @transform_0, window_bounds = array<i64: 1, 384, 4096>}, {pipeline_mode = #tpu.pipeline_mode<synchronous>, transform_indices = @transform_1, window_bounds = array<i64: 64, 384>}, {pipeline_mode = #tpu.pipeline_mode<synchronous>, transform_indices = @transform_2, window_bounds = array<i64: 1, 64>}, {pipeline_mode = #tpu.pipeline_mode<synchronous>, transform_indices = @transform_3, window_bounds = array<i64: 1, 64>}, {pipeline_mode = #tpu.pipeline_mode<synchronous>, transform_indices = @transform_4, window_bounds = array<i64: 32, 64>}]} {
    %get3A = arith.constant 0 : index
    %get3A_0 = arith.constant 0 : index
    %get3A_1 = arith.constant 0 : index
    %get3A_2 = vector.load %arg1[%get3A, %get3A_0, %get3A_1] : memref<1x384x4096xf32, #tpu.memory_space<vmem>>, vector<1x384x4096xf32>
    %get3A_3 = vector.shape_cast %get3A_2 : vector<1x384x4096xf32> to vector<384x4096xf32>
    %slice3A = vector.extract_strided_slice %get3A_3 {offsets = [0, 0], sizes = [384, 128], strides = [1, 1]} : vector<384x4096xf32> to vector<384x128xf32>
    %slice3A_4 = vector.extract_strided_slice %get3A_3 {offsets = [0, 128], sizes = [384, 128], strides = [1, 1]} : vector<384x4096xf32> to vector<384x128xf32>
    %add3A = arith.addf %slice3A, %slice3A_4 : vector<384x128xf32>
    %slice3A_5 = vector.extract_strided_slice %get3A_3 {offsets = [0, 256], sizes = [384, 128], strides = [1, 1]} : vector<384x4096xf32> to vector<384x128xf32>
    %add3A_6 = arith.addf %add3A, %slice3A_5 : vector<384x128xf32>
    %slice3A_7 = vector.extract_strided_slice %get3A_3 {offsets = [0, 384], sizes = [384, 128], strides = [1, 1]} : vector<384x4096xf32> to vector<384x128xf32>
    %add3A_8 = arith.addf %add3A_6, %slice3A_7 : vector<384x128xf32>
    %slice3A_9 = vector.extract_strided_slice %get3A_3 {offsets = [0, 512], sizes = [384, 128], strides = [1, 1]} : vector<384x4096xf32> to vector<384x128xf32>
    %add3A_10 = arith.addf %add3A_8, %slice3A_9 : vector<384x128xf32>
    %slice3A_11 = vector.extract_strided_slice %get3A_3 {offsets = [0, 640], sizes = [384, 128], strides = [1, 1]} : vector<384x4096xf32> to vector<384x128xf32>
    %add3A_12 = arith.addf %add3A_10, %slice3A_11 : vector<384x128xf32>
    %slice3A_13 = vector.extract_strided_slice %get3A_3 {offsets = [0, 768], sizes = [384, 128], strides = [1, 1]} : vector<384x4096xf32> to vector<384x128xf32>
    %add3A_14 = arith.addf %add3A_12, %slice3A_13 : vector<384x128xf32>
    %slice3A_15 = vector.extract_strided_slice %get3A_3 {offsets = [0, 896], sizes = [384, 128], strides = [1, 1]} : vector<384x4096xf32> to vector<384x128xf32>
    %add3A_16 = arith.addf %add3A_14, %slice3A_15 : vector<384x128xf32>
    %slice3A_17 = vector.extract_strided_slice %get3A_3 {offsets = [0, 1024], sizes = [384, 128], strides = [1, 1]} : vector<384x4096xf32> to vector<384x128xf32>
    %add3A_18 = arith.addf %add3A_16, %slice3A_17 : vector<384x128xf32>
    %slice3A_19 = vector.extract_strided_slice %get3A_3 {offsets = [0, 1152], sizes = [384, 128], strides = [1, 1]} : vector<384x4096xf32> to vector<384x128xf32>
    %add3A_20 = arith.addf %add3A_18, %slice3A_19 : vector<384x128xf32>
    %slice3A_21 = vector.extract_strided_slice %get3A_3 {offsets = [0, 1280], sizes = [384, 128], strides = [1, 1]} : vector<384x4096xf32> to vector<384x128xf32>
    %add3A_22 = arith.addf %add3A_20, %slice3A_21 : vector<384x128xf32>
    %slice3A_23 = vector.extract_strided_slice %get3A_3 {offsets = [0, 1408], sizes = [384, 128], strides = [1, 1]} : vector<384x4096xf32> to vector<384x128xf32>
    %add3A_24 = arith.addf %add3A_22, %slice3A_23 : vector<384x128xf32>
    %slice3A_25 = vector.extract_strided_slice %get3A_3 {offsets = [0, 1536], sizes = [384, 128], strides = [1, 1]} : vector<384x4096xf32> to vector<384x128xf32>
    %add3A_26 = arith.addf %add3A_24, %slice3A_25 : vector<384x128xf32>
    %slice3A_27 = vector.extract_strided_slice %get3A_3 {offsets = [0, 1664], sizes = [384, 128], strides = [1, 1]} : vector<384x4096xf32> to vector<384x128xf32>
    %add3A_28 = arith.addf %add3A_26, %slice3A_27 : vector<384x128xf32>
    %slice3A_29 = vector.extract_strided_slice %get3A_3 {offsets = [0, 1792], sizes = [384, 128], strides = [1, 1]} : vector<384x4096xf32> to vector<384x128xf32>
    %add3A_30 = arith.addf %add3A_28, %slice3A_29 : vector<384x128xf32>
    %slice3A_31 = vector.extract_strided_slice %get3A_3 {offsets = [0, 1920], sizes = [384, 128], strides = [1, 1]} : vector<384x4096xf32> to vector<384x128xf32>
    %add3A_32 = arith.addf %add3A_30, %slice3A_31 : vector<384x128xf32>
    %slice3A_33 = vector.extract_strided_slice %get3A_3 {offsets = [0, 2048], sizes = [384, 128], strides = [1, 1]} : vector<384x4096xf32> to vector<384x128xf32>
    %add3A_34 = arith.addf %add3A_32, %slice3A_33 : vector<384x128xf32>
    %slice3A_35 = vector.extract_strided_slice %get3A_3 {offsets = [0, 2176], sizes = [384, 128], strides = [1, 1]} : vector<384x4096xf32> to vector<384x128xf32>
    %add3A_36 = arith.addf %add3A_34, %slice3A_35 : vector<384x128xf32>
    %slice3A_37 = vector.extract_strided_slice %get3A_3 {offsets = [0, 2304], sizes = [384, 128], strides = [1, 1]} : vector<384x4096xf32> to vector<384x128xf32>
    %add3A_38 = arith.addf %add3A_36, %slice3A_37 : vector<384x128xf32>
    %slice3A_39 = vector.extract_strided_slice %get3A_3 {offsets = [0, 2432], sizes = [384, 128], strides = [1, 1]} : vector<384x4096xf32> to vector<384x128xf32>
    %add3A_40 = arith.addf %add3A_38, %slice3A_39 : vector<384x128xf32>
    %slice3A_41 = vector.extract_strided_slice %get3A_3 {offsets = [0, 2560], sizes = [384, 128], strides = [1, 1]} : vector<384x4096xf32> to vector<384x128xf32>
    %add3A_42 = arith.addf %add3A_40, %slice3A_41 : vector<384x128xf32>
    %slice3A_43 = vector.extract_strided_slice %get3A_3 {offsets = [0, 2688], sizes = [384, 128], strides = [1, 1]} : vector<384x4096xf32> to vector<384x128xf32>
    %add3A_44 = arith.addf %add3A_42, %slice3A_43 : vector<384x128xf32>
    %slice3A_45 = vector.extract_strided_slice %get3A_3 {offsets = [0, 2816], sizes = [384, 128], strides = [1, 1]} : vector<384x4096xf32> to vector<384x128xf32>
    %add3A_46 = arith.addf %add3A_44, %slice3A_45 : vector<384x128xf32>
    %slice3A_47 = vector.extract_strided_slice %get3A_3 {offsets = [0, 2944], sizes = [384, 128], strides = [1, 1]} : vector<384x4096xf32> to vector<384x128xf32>
    %add3A_48 = arith.addf %add3A_46, %slice3A_47 : vector<384x128xf32>
    %slice3A_49 = vector.extract_strided_slice %get3A_3 {offsets = [0, 3072], sizes = [384, 128], strides = [1, 1]} : vector<384x4096xf32> to vector<384x128xf32>
    %add3A_50 = arith.addf %add3A_48, %slice3A_49 : vector<384x128xf32>
    %slice3A_51 = vector.extract_strided_slice %get3A_3 {offsets = [0, 3200], sizes = [384, 128], strides = [1, 1]} : vector<384x4096xf32> to vector<384x128xf32>
    %add3A_52 = arith.addf %add3A_50, %slice3A_51 : vector<384x128xf32>
    %slice3A_53 = vector.extract_strided_slice %get3A_3 {offsets = [0, 3328], sizes = [384, 128], strides = [1, 1]} : vector<384x4096xf32> to vector<384x128xf32>
    %add3A_54 = arith.addf %add3A_52, %slice3A_53 : vector<384x128xf32>
    %slice3A_55 = vector.extract_strided_slice %get3A_3 {offsets = [0, 3456], sizes = [384, 128], strides = [1, 1]} : vector<384x4096xf32> to vector<384x128xf32>
    %add3A_56 = arith.addf %add3A_54, %slice3A_55 : vector<384x128xf32>
    %slice3A_57 = vector.extract_strided_slice %get3A_3 {offsets = [0, 3584], sizes = [384, 128], strides = [1, 1]} : vector<384x4096xf32> to vector<384x128xf32>
    %add3A_58 = arith.addf %add3A_56, %slice3A_57 : vector<384x128xf32>
    %slice3A_59 = vector.extract_strided_slice %get3A_3 {offsets = [0, 3712], sizes = [384, 128], strides = [1, 1]} : vector<384x4096xf32> to vector<384x128xf32>
    %add3A_60 = arith.addf %add3A_58, %slice3A_59 : vector<384x128xf32>
    %slice3A_61 = vector.extract_strided_slice %get3A_3 {offsets = [0, 3840], sizes = [384, 128], strides = [1, 1]} : vector<384x4096xf32> to vector<384x128xf32>
    %add3A_62 = arith.addf %add3A_60, %slice3A_61 : vector<384x128xf32>
    %slice3A_63 = vector.extract_strided_slice %get3A_3 {offsets = [0, 3968], sizes = [384, 128], strides = [1, 1]} : vector<384x4096xf32> to vector<384x128xf32>
    %add3A_64 = arith.addf %add3A_62, %slice3A_63 : vector<384x128xf32>
    %swap3A = arith.index_cast %arg0 : i32 to index
    %swap3A_65 = arith.constant 0 : index
    %swap3A_66 = arith.constant 0 : index
    %swap3A_67 = vector.load %arg6[%swap3A, %swap3A_65, %swap3A_66] : memref<32x384x128xf32, #tpu.memory_space<vmem>>, vector<1x384x128xf32>
    %swap3A_68 = vector.shape_cast %swap3A_67 : vector<1x384x128xf32> to vector<384x128xf32>
    %swap3A_69 = vector.shape_cast %add3A_64 : vector<384x128xf32> to vector<1x384x128xf32>
    tpu.vector_store %arg6[%swap3A, %swap3A_65, %swap3A_66], %swap3A_69 {strides = array<i32>} : memref<32x384x128xf32, #tpu.memory_space<vmem>>, vector<1x384x128xf32>,
    %eq3A = arith.constant 31 : i32
    %eq3A_70 = arith.cmpi eq, %arg0, %eq3A : i32
    %convert_element_type3A = arith.extui %eq3A_70 : i1 to i32
    %cond3A = arith.constant 0 : i32
    %cond3A_71 = arith.cmpi ne, %convert_element_type3A, %cond3A : i32
    scf.if %cond3A_71 {
      %get3A_72 = arith.constant 0 : index
      %get3A_73 = arith.constant 0 : index
      %get3A_74 = arith.constant 0 : index
      %get3A_75 = vector.load %arg6[%get3A_72, %get3A_73, %get3A_74] : memref<32x384x128xf32, #tpu.memory_space<vmem>>, vector<32x384x128xf32>
      %reduce_sum3A = arith.constant dense<0.000000e+00> : vector<32x384xf32>
      %reduce_sum3A_76 = vector.multi_reduction <add>, %get3A_75, %reduce_sum3A [2] : vector<32x384x128xf32> to vector<32x384xf32>
      %mul3A = arith.constant 2.44140625E-4 : f32
      %mul3A_77 = vector.broadcast %mul3A : f32 to vector<32x384xf32>
      %mul3A_78 = arith.mulf %reduce_sum3A_76, %mul3A_77 : vector<32x384xf32>
      %get3A_79 = arith.constant 0 : index
      %get3A_80 = arith.constant 0 : index
      %get3A_81 = vector.load %arg2[%get3A_79, %get3A_80] : memref<64x384xf32, #tpu.memory_space<vmem>>, vector<64x384xf32>
      %dot_general3A = arith.constant dense<0.000000e+00> : vector<32x64xf32>
      %dot_general3A_82 = tpu.matmul %mul3A_78, %get3A_81, %dot_general3A {dimension_numbers = #tpu.dot_dimension_numbers<[1], [1], [0], [0], [0, 0, 1, 0], [], []>, transpose_lhs_hint = false} : vector<32x384xf32>, vector<64x384xf32>, vector<32x64xf32> -> vector<32x64xf32>
      %get3A_83 = arith.constant 0 : index
      %get3A_84 = arith.constant 0 : index
      %get3A_85 = vector.load %arg3[%get3A_83, %get3A_84] : memref<1x64xf32, #tpu.memory_space<vmem>>, vector<1x64xf32>
      %add3A_86 = vector.broadcast %get3A_85 : vector<1x64xf32> to vector<32x64xf32>
      %add3A_87 = arith.addf %dot_general3A_82, %add3A_86 : vector<32x64xf32>
      %jit3A = arith.constant -1.000000e+01 : f32
      %jit3A_88 = arith.constant 1.000000e+01 : f32
      %max3A = vector.broadcast %jit3A : f32 to vector<32x64xf32>
      %max3A_89 = arith.maximumf %max3A, %add3A_87 : vector<32x64xf32>
      %min3A = vector.broadcast %jit3A_88 : f32 to vector<32x64xf32>
      %min3A_90 = arith.minimumf %min3A, %max3A_89 : vector<32x64xf32>
      %get3A_91 = arith.constant 0 : index
      %get3A_92 = arith.constant 0 : index
      %get3A_93 = vector.load %arg4[%get3A_91, %get3A_92] : memref<1x64xf32, #tpu.memory_space<vmem>>, vector<1x64xf32>
      %add3A_94 = vector.broadcast %get3A_93 : vector<1x64xf32> to vector<32x64xf32>
      %add3A_95 = arith.addf %min3A_90, %add3A_94 : vector<32x64xf32>
      %swap3A_96 = arith.constant 0 : index
      %swap3A_97 = arith.constant 0 : index
      %swap3A_98 = vector.load %arg5[%swap3A_96, %swap3A_97] : memref<32x64xf32, #tpu.memory_space<vmem>>, vector<32x64xf32>
      tpu.vector_store %arg5[%swap3A_96, %swap3A_97], %add3A_95 {strides = array<i32>} : memref<32x64xf32, #tpu.memory_space<vmem>>, vector<32x64xf32>,
    } else {
    }
    return
  }
  func.func @transform_0(%arg0: i32) -> (i32, i32, i32) {
    %c0_i32 = arith.constant 0 : i32
    %c0_i32_0 = arith.constant 0 : i32
    %c0_i32_1 = arith.constant 0 : i32
    return %arg0, %c0_i32, %c0_i32_0 : i32, i32, i32
  }
  func.func @transform_1(%arg0: i32) -> (i32, i32) {
    %c0_i32 = arith.constant 0 : i32
    %c0_i32_0 = arith.constant 0 : i32
    %c0_i32_1 = arith.constant 0 : i32
    return %c0_i32, %c0_i32_0 : i32, i32
  }
  func.func @transform_2(%arg0: i32) -> (i32, i32) {
    %c0_i32 = arith.constant 0 : i32
    %c0_i32_0 = arith.constant 0 : i32
    %c0_i32_1 = arith.constant 0 : i32
    return %c0_i32, %c0_i32_0 : i32, i32
  }
  func.func @transform_3(%arg0: i32) -> (i32, i32) {
    %c0_i32 = arith.constant 0 : i32
    %c0_i32_0 = arith.constant 0 : i32
    %c0_i32_1 = arith.constant 0 : i32
    return %c0_i32, %c0_i32_0 : i32, i32
  }
  func.func @transform_4(%arg0: i32) -> (i32, i32) {
    %c0_i32 = arith.constant 0 : i32
    %c0_i32_0 = arith.constant 0 : i32
    %c0_i32_1 = arith.constant 0 : i32
    return %c0_i32, %c0_i32_0 : i32, i32
  }
}

</mosaic_0001>

<sc_bundles>
// kernel: kernel.4.cloned.1.call-start
scs
__scs_entry_jumppad:
0x0: {  	(pc) =	sbr.rel $0x88, $3  }
0x1: {  	(tag) =	ssettag $0x0;
	lr =	simm.s32 $0x1  }
0x2: {  	[smem:$0x3F9D] =	sst lr;
	_ =	strace $0xD0000000  }
0x3: {  	_ = 	snop  }
0x4: {  	_ = 	snop  }
0x5: {  	_ = 	snop  }
0x6: {  	_ = 	snop  }
0x7: {  	_ = 	snop  }
__scs_overlays_trampoline_lowered:
0x8: {  	[smem:$0x3FAC] =	sst s0  }
0x9: {  	[smem:$0x3FAD] =	sst s1  }
0xa: {  	[smem:$0x3FAE] =	sst s2  }
0xb: {  	[smem:$0x3FAF] =	sst s3  }
0xc: {  	[smem:$0x3FB0] =	sst s4  }
0xd: {  	[smem:$0x3FB1] =	sst s5  }
0xe: {  	[smem:$0x3FB2] =	sst s6  }
0xf: {  	[smem:$0x3FB3] =	sst s7  }
0x10: {  	[smem:$0x3FB4] =	sst s8  }
0x11: {  	[smem:$0x3FB5] =	sst s9;
	s0 =	simm.s32 @!p0 $0x0  }
0x12: {  	s1 =	sld [smem:$0x3F9B];
	s0 =	simm.s32 @p0 $0x1  }
0x13: {  	[smem:$0x3FB6] =	sst s0;
	s0 =	simm.s32 @!p1 $0x0  }
0x14: {  	s2 =	sld [smem:$0x3F9A];
	s0 =	simm.s32 @p1 $0x1  }
0x15: {  	[smem:$0x3FB7] =	sst s0;
	s0 =	simm.s32 @!p2 $0x0  }
0x16: {  	s3 =	sld [smem:$0x3FDB];
	s0 =	simm.s32 @p2 $0x1  }
0x17: {  	s4 =	simm.s32 $0x1BF5;
	[smem:$0x3FB9] =	sst s0  }
0x18: {  	s0 =	sld [smem:$0x3F9C];
	_ =	swait.ge [sflag:s4], $0x0  }
0x19: {  	s7 =	sld [smem:$0x3F9D]  }
0x1a: {  	s8 =	sadd.s32 $0xFFFFE003, lr  }
0x1b: {  	s9 =	sadd.s32 $0xFFFFFEF7, lr;
	s5 =	simm.s32 $0xFFFFFFFF;
	p2 =	slt.u32 s8, $0xFFFFF086  }
0x1c: {  	p1 =	slt.u32 s9, $0xF7A;
	s5 =	simm.s32 @!p2 $0x0  }
0x1d: {  	s5 =	simm.s32 @p1 $0x1;
	p0 =	seq.s32 s7, s2  }
0x1e: {  	s7 =	smul.u32 @!p0 $0xF7A, s2;
	p2 =	seq.s32 @!p0 s5, $0x0  }
0x1f: {  	s9 =	smul.u32 $0xF7A, s1;
	s8 =	simm.s32 @!p0 $0x1BF5;
	p2 =	por !p2, p0  }
0x20: {  	[sflag:s8] =	ssyncset.s32 @!p0 $0xFFFFF086;
	s6 =	sadd.s32 @!p0 s3, s7;
	s7 =	simm.s32 @!p0 $0x108  }
0x21: {  	s3 =	sadd.s32 s3, s9;
	s6 =	sadd.s32 @!p0 $0x88, s6;
	s7 =	simm.s32 @p2 $0x1082  }
0x22: {  	[simem:s7], [sflag:s8] =	dma.local @!p0 [hbm:s6], $0xF7A  }
0x23: {  	s9 =	sor.u32 $0xD0000000, s2;
	s6 =	simm.s32 $0x108;
	_ =	swait.ge @!p0 [sflag:s8], $0x0  }
0x24: {  	s3 =	sadd.s32 $0x88, s3;
	s6 =	simm.s32 @!p1 $0x1082;
	[sflag:s4] =	ssyncset.s32 $0xFFFFF086  }
0x25: {  	[simem:s6], [sflag:s4] =	dma.local [hbm:s3], $0xF7A  }
0x26: {  	[smem:$0x3F9D] =	sst s1;
	(tag) =	ssettag s2;
	_ =	strace s9  }
0x27: {  	s1 =	sld [smem:$0x3FAD]  }
0x28: {  	s2 =	sld [smem:$0x3FAE]  }
0x29: {  	s4 =	sld [smem:$0x3FB0]  }
0x2a: {  	p0 =	seq.s32 s5, $0x0;
	s5 =	sld [smem:$0x3FB1]  }
0x2b: {  	s6 =	sld [smem:$0x3FB2]  }
0x2c: {  	s7 =	sld [smem:$0x3FB3]  }
0x2d: {  	s3 =	simm.s32 $0x108;
	s8 =	sld [smem:$0x3FB4]  }
0x2e: {  	s3 =	simm.s32 @!p0 $0x1082;
	s9 =	sld [smem:$0x3FB5]  }
0x2f: {  	lr =	sadd.s32 s0, s3;
	s0 =	sld [smem:$0x3FAC]  }
0x30: {  	s3 =	sld [smem:$0x3FAF]  }
0x31: {  	[smem:$0x3FB8] =	sst s10  }
0x32: {  	s10 =	sld [smem:$0x3FB6];
	_ =	sdelay $0x3  }
0x33: {  	p0 =	seq.s32 s10, $0x1;
	s10 =	sld [smem:$0x3FB8];
	_ =	sdelay $0x3  }
0x34: {  	[smem:$0x3FB8] =	sst s10  }
0x35: {  	s10 =	sld [smem:$0x3FB7];
	_ =	sdelay $0x3  }
0x36: {  	p1 =	seq.s32 s10, $0x1;
	s10 =	sld [smem:$0x3FB8];
	_ =	sdelay $0x3  }
0x37: {  	[smem:$0x3FB8] =	sst s10  }
0x38: {  	s10 =	sld [smem:$0x3FB9]  }
0x39: {  	_ = 	snop;
	(pc) =	sbr.ind lr, $3  }
0x3a: {  	_ = 	snop  }
0x3b: {  	_ = 	snop  }
0x3c: {  	p2 =	seq.s32 s10, $0x1;
	s10 =	sld [smem:$0x3FB8]  }
0x3d: {  	_ =	shalt  }
0x3e: {  	_ =	shalt  }
0x3f: {  	_ =	shalt  }
0x40: {  	_ =	shalt  }
0x41: {  	_ =	shalt  }
0x42: {  	_ =	shalt  }
0x43: {  	_ =	shalt  }
0x44: {  	_ =	shalt  }
0x45: {  	_ =	shalt  }
0x46: {  	_ =	shalt  }
0x47: {  	_ =	shalt  }
0x48: {  	_ =	shalt  }
0x49: {  	_ =	shalt  }
0x4a: {  	_ =	shalt  }
0x4b: {  	_ =	shalt  }
0x4c: {  	_ =	shalt  }
0x4d: {  	_ =	shalt  }
0x4e: {  	_ =	shalt  }
0x4f: {  	_ =	shalt  }
0x50: {  	_ =	shalt  }
0x51: {  	_ =	shalt  }
0x52: {  	_ =	shalt  }
0x53: {  	_ =	shalt  }
0x54: {  	_ =	shalt  }
0x55: {  	_ =	shalt  }
0x56: {  	_ =	shalt  }
0x57: {  	_ =	shalt  }
0x58: {  	_ =	shalt  }
0x59: {  	_ =	shalt  }
0x5a: {  	_ =	shalt  }
0x5b: {  	_ =	shalt  }
0x5c: {  	_ =	shalt  }
0x5d: {  	_ =	shalt  }
0x5e: {  	_ =	shalt  }
0x5f: {  	_ =	shalt  }
0x60: {  	_ =	shalt  }
0x61: {  	_ =	shalt  }
0x62: {  	_ =	shalt  }
0x63: {  	_ =	shalt  }
0x64: {  	_ =	shalt  }
0x65: {  	_ =	shalt  }
0x66: {  	_ =	shalt  }
0x67: {  	_ =	shalt  }
0x68: {  	_ =	shalt  }
0x69: {  	_ =	shalt  }
0x6a: {  	_ =	shalt  }
0x6b: {  	_ =	shalt  }
0x6c: {  	_ =	shalt  }
0x6d: {  	_ =	shalt  }
0x6e: {  	_ =	shalt  }
0x6f: {  	_ =	shalt  }
0x70: {  	_ =	shalt  }
0x71: {  	_ =	shalt  }
0x72: {  	_ =	shalt  }
0x73: {  	_ =	shalt  }
0x74: {  	_ =	shalt  }
0x75: {  	_ =	shalt  }
0x76: {  	_ =	shalt  }
0x77: {  	_ =	shalt  }
0x78: {  	_ =	shalt  }
0x79: {  	_ =	shalt  }
0x7a: {  	_ =	shalt  }
0x7b: {  	_ =	shalt  }
0x7c: {  	_ =	shalt  }
0x7d: {  	_ =	shalt  }
0x7e: {  	_ =	shalt  }
0x7f: {  	_ =	shalt  }
0x80: {  	_ =	shalt  }
0x81: {  	_ =	shalt  }
0x82: {  	_ =	shalt  }
0x83: {  	_ =	shalt  }
0x84: {  	_ =	shalt  }
0x85: {  	_ =	shalt  }
0x86: {  	_ =	shalt  }
0x87: {  	_ =	shalt  }
.Lfunc_end0:
.L_simem_size_0:
called_computation_lowered:
.L_overlay_start_0:
0x88: {  	s2 =	sld [smem:$0x3FD9]  }
0x89: {  	s3 =	sld [smem:$0x3FFE];
	_ =	sdelay $0x1  }
0x8a: {  	s1 =	srdreg.scid  }
0x8b: {  	s0 =	sand.u32 $0x1, s1  }
0x8c: {  	s16 =	sshll.u32 s0, $0xA;
	s2 =	sadd.s32 s3, s2  }
0x8d: {  	s2 =	sadd.s32 s2, s16  }
0x8e: {  	[smem:$0x3FC4] =	sst s2  }
0x8f: {  	_ = 	snop  }
0x90: {  	(tm) =	ssettm $0x1  }
0x91: {  	s17 =	sld [smem:$0x3FFB];
	_ =	sdelay $0x3  }
0x92: {  	_ =	strace s17  }
0x93: {  	s2 =	sld [smem:$0x3FFC];
	_ =	sdelay $0x3  }
0x94: {  	_ =	strace s2  }
0x95: {  	s2 =	sld [smem:$0x3FFD];
	_ =	sdelay $0x3  }
0x96: {  	_ =	strace s2  }
0x97: {  	_ =	strace $0x8FFFFFFF  }
0x98: {  	s18 =	sld [smem:$0x3FDB];
	_ =	sdelay $0x1  }
0x99: {  	s19 =	simm.s32 $_scs_section_size  }
0x9a: {  	s4 =	simm.s32 $_size__tile_overlayer_lowered;
	s5 =	simm.s32 $_tile_overlayer_lowered  }
0x9b: {  	s22 =	simm.s32 $0x1BFF;
	s21 =	sshll.u32 s5, $0x1;
	s2 =	sadd.s32 s19, s18  }
0x9c: {  	s6 =	simm.s32 $0x0;
	s20 =	sshll.u32 s4, $0x1;
	s4 =	sadd.s32 s21, s2  }
0x9d: {  	[timem:s6], [sflag:s22] =	dma.local [hbm:s4], s20  }
0x9e: {  	_ =	swait.ge [sflag:s22], s20  }
0x9f: {  	s3 =	ssub.s32 $0x0, s20;
	[sflag:s22] =	ssyncset.done $0x0  }
0xa0: {  	[sflag:s22] =	ssyncadd.s32 s3;
	_ =	sdelay $0x1  }
0xa1: {  	s23 =	simm.s32 $0x1B8B  }
0xa2: {  	_ =	swait.ge [sflag:s23], $0x1  }
0xa3: {  	[sflag:s23] =	ssyncset.done $0x0  }
0xa4: {  	s25 =	simm.s32 $0x1B8E;
	s24 =	sld [smem:$0x3FFE];
	[sflag:s23] =	ssyncadd.s32 $0xFFFFFFFF  }
0xa5: {  	s26 =	simm.s32 $execute0_lowered;
	[smem:$0x3FD2] =	sst s25  }
0xa6: {  	s4 =	sshll.u32 s26, $0x1;
	_ =	strace $0x80000046;
	[dreg:$0x1] =	wrdreg $0xFFFFFFFF  }
0xa7: {  	s28 =	simm.s32 $_size_execute0_lowered;
	s2 =	sadd.s32 s2, s4;
	[dreg:$0x0] =	wrdreg $0x0  }
0xa8: {  	s4 =	sshll.u32 s28, $0x1;
	[dreg:$0x2] =	wrdreg s2  }
0xa9: {  	[dreg:$0x3] =	wrdreg s4  }
0xaa: {  	[dreg:$0x4] =	wrdreg $0xC0  }
0xab: {  	_ =	task [dreg:s6], $0x5FFFF  }
0xac: {  	[dreg:$0x1] =	wrdreg $0xFFFFFFFF  }
0xad: {  	[dreg:$0x0] =	wrdreg $0x60  }
0xae: {  	[dreg:$0x2] =	wrdreg s24  }
0xaf: {  	[dreg:$0x3] =	wrdreg $0x9  }
0xb0: {  	_ =	task.clear_ibuf [dreg:s6], $0x4FFFF;
	_ =	strace $0x90000046  }
0xb1: {  	s29 =	simm.s32 $0x9;
	_ =	strace $0x80000048  }
0xb2: {  	_ =	swait.ge [sflag:s29], $0x1  }
0xb3: {  	[sflag:s29] =	ssyncadd.s32 $0xFFFFFFFF  }
0xb4: {  	_ =	strace $0x90000048  }
0xb5: {  	_ =	sfence  }
0xb6: {  	s30 =	sld [smem:$0x0];
	_ =	sdelay $0x2  }
0xb7: {  	s31 =	sshll.u32 s1, $0xD;
	s1 =	sshrl.u32 s1, $0x2  }
0xb8: {  	s3 =	sand.u32 $0x4000, s31;
	s1 =	sadd.s32 s1, s30  }
0xb9: {  	s0 =	sor.u32 s3, s0;
	s1 =	sshll.u32 s1, $0x11  }
0xba: {  	s0 =	sor.u32 s1, s0  }
0xbb: {  	s0 =	sadd.s32 $0x8F2B, s0  }
0xbc: {  	[sflag:s0] =	ssyncadd.remote.s32 $0x1  }
0xbd: {  	_ =	sfence.sel $0xFFFF  }
0xbe: {  	[dreg:$0x0] =	wrdreg $0xFFFFFFFF;
	(pc) =	sbr.abs _section_cstart, $3  }
0xbf: {  	[dreg:$0x1] =	wrdreg $0xFFFFFFFF  }
0xc0: {  	_ =	task.clear_ibuf [dreg:s6], $0x2FFFF;
	_ =	strace $0x9FFFFFFF  }
0xc1: {  	(tm) =	ssettm $0x7FFFFFFF  }
tec
execute0_lowered:
.L_overlay_start_1:
0x0: {  	(tag) =	ssettag $0x1  }
0x1: {  	v0 =	vimm.s32 $0xFEDCBA98;
	v1 =	vimm.s32 $0x76543210;
	v2 =	vimm.s32 $0xBA98FEDC  }
0x2: {  	v3 =	vimm.s32 $0x32107654;
	v4 =	vimm.s32 $0xDCFE98BA;
	v5 =	vimm.s32 $0x54761032  }
0x3: {  	v6 =	vimm.s32 $0xEFCDAB89;
	v7 =	vimm.s32 $0x67452301;
	vm0 =	vmmov $0x1  }
0x4: {  	v0 =	vunpack.c.l.s4.s8 v0;
	v1 =	vunpack.c.l.s4.s8 v1;
	v2 =	vunpack.c.l.s4.s8 v2  }
0x5: {  	v3 =	vunpack.c.l.s4.s8 v3;
	v4 =	vunpack.c.l.s4.s8 v4;
	v5 =	vunpack.c.l.s4.s8 v5  }
0x6: {  	s1 =	srdreg.scid;
	v6 =	vunpack.c.l.s4.s8 v6;
	v7 =	vunpack.c.l.s4.s8 v7;
	v0 =	vunpack.c.0.s8.s32 v0  }
0x7: {  	s3 =	rddreg [dreg:$0x0];
	s0 =	stileid.u32;
	s2 =	simm.s32 $0x0;
	v2 =	vunpack.c.0.s8.s32 v2;
	v3 =	vunpack.c.0.s8.s32 v3;
	v4 =	vunpack.c.0.s8.s32 v4  }
0x8: {  	s7 =	simm.s32 $0x1;
	s8 =	simm.s32 $0x80;
	s4 =	sand.u32 $0x1, s1;
	v5 =	vunpack.c.0.s8.s32 v5;
	v6 =	vunpack.c.0.s8.s32 v6;
	v7 =	vunpack.c.0.s8.s32 v7  }
0x9: {  	v8 =	vimm.s32 $0x0;
	s9 =	simm.s32 $0x100;
	s5 =	sshll.u32 s0, $0x5;
	s6 =	sshll.u32 s4, $0x4;
	v1 =	vunpack.c.0.s8.s32 v1;
	v2 =	vcombine.low v3, v2  }
0xa: {  	s1 =	rddreg [dreg:$0x1];
	s4 =	ssub.s32 $0x2, s4;
	s5 =	sor.u32 s6, s5;
	v0 =	vand.u32 $0xF, v0;
	v3 =	vcombine.low v5, v4;
	v4 =	vcombine.low v7, v6  }
0xb: {  	[smem:$0x7FF] =	sst s2;
	v8 =	vsel vm0, $0xFFFFFFFF, v8;
	s30 =	sshrl.u32 s4, $0x1;
	s5 =	sadd.s32 s5, s3;
	v0 =	vcombine.low v0, v1;
	v1 =	vand.u32 $0xF, v2  }
0xc: {  	_ =	strace $0x80000047;
	s31 =	ssub.s32 s4, s30;
	s3 =	sadd.s32 $0x1000, s5;
	v2 =	vand.u32 $0xF, v3;
	v3 =	vlaneseq.u32;
	v4 =	vand.u32 $0xF, v4  }
0xd: {  	[tilespmem:$0x1FFF0] =	vst v8;
	s4 =	sadd.s32 $0x1200, s5;
	s5 =	sadd.s32 $0x1400, s5;
	s6 =	smax.u32 s31, $0x1;
	v5 =	vor.u32 $0x30, v3;
	v6 =	vor.u32 $0x20, v3;
	v7 =	vor.u32 $0x10, v3  }
.LBB2_1:
0xe: {  	[tilespmem:s2], [sflag:$0x1] =	stream.linear.gather [hbm4b:s3+s2], $0x80, $0x38;
	[tilespmem:$0x180] =	vst v63  }
0xf: {  	_ =	swait.ge [sflag:s7], $0x80  }
0x10: {  	[sflag:s7] =	ssyncset.done $0x0  }
0x11: {  	[sflag:s7] =	ssyncadd.s32 $0xFFFFFF80  }
0x12: {  	v13 =	vld [tilespmem:$0x0]  }
0x13: {  	v16 =	vld [tilespmem:$0x10]  }
0x14: {  	v15 =	vld [tilespmem:$0x20]  }
0x15: {  	v14 =	vld [tilespmem:$0x30];
	_ =	sdelay $0x4  }
0x16: {  	v8 =	vmax.f32 v13, v16;
	v9 =	vmax.f32 v15, v14  }
0x17: {  	v8 =	vmax.f32 v8, v9  }
0x18: {  	v9 =	vperm.xlane v8, v0;
	_ =	sdelay $0x1  }
0x19: {  	v8 =	vmax.f32 v8, v9  }
0x1a: {  	v9 =	vperm.xlane v8, v1;
	_ =	sdelay $0x1  }
0x1b: {  	v8 =	vmax.f32 v8, v9  }
0x1c: {  	v9 =	vperm.xlane v8, v2;
	_ =	sdelay $0x1  }
0x1d: {  	v8 =	vmax.f32 v8, v9  }
0x1e: {  	v9 =	vperm.xlane v8, v4;
	_ =	sdelay $0x1  }
0x1f: {  	v17 =	vmax.f32 v8, v9  }
0x20: {  	vm0 =	veq.f32 v14, v17  }
0x21: {  	vm1 =	veq.f32 v15, v17;
	v8 =	vnsel vm0, $0x40, v5  }
0x22: {  	vm9 =	veq.f32 v16, v17;
	v8 =	vsel vm1, v6, v8  }
0x23: {  	vm10 =	veq.f32 v13, v17;
	v8 =	vsel vm9, v7, v8  }
0x24: {  	v8 =	vsel vm10, v3, v8  }
0x25: {  	v45 =	vperm.xlane v8, v0;
	_ =	sdelay $0x1  }
0x26: {  	vm11 =	vlt.s32 v8, v45  }
0x27: {  	v8 =	vsel vm11, v8, v45  }
0x28: {  	v9 =	vperm.xlane v8, v1;
	_ =	sdelay $0x1  }
0x29: {  	vm0 =	vlt.s32 v8, v9  }
0x2a: {  	v8 =	vsel vm0, v8, v9  }
0x2b: {  	v9 =	vperm.xlane v8, v2;
	_ =	sdelay $0x1  }
0x2c: {  	vm0 =	vlt.s32 v8, v9  }
0x2d: {  	v8 =	vsel vm0, v8, v9  }
0x2e: {  	v9 =	vperm.xlane v8, v4;
	_ =	sdelay $0x1  }
0x2f: {  	v46 =	vimm.s32 $0x0;
	vm0 =	vlt.s32 v8, v9  }
0x30: {  	v47 =	vimm.s32 $0x0;
	v48 =	vimm.s32 $0x0;
	v8 =	vsel vm0, v8, v9  }
0x31: {  	v49 =	vimm.s32 $0x0;
	vm3 =	veq.s32 v8, v3;
	vm2 =	veq.s32 v8, v7  }
0x32: {  	vm0 =	veq.s32 v8, v6;
	vm12 =	veq.s32 v8, v5;
	v9 =	vsel vm3, $0xFFFFFFFF, v46  }
0x33: {  	v10 =	vsel vm3, $0xFF61B1E6, v13;
	v11 =	vsel vm2, $0xFF61B1E6, v16;
	[tilespmem:$0x1FF20] =	vst v9;
	v9 =	vsel vm2, $0xFFFFFFFF, v47  }
0x34: {  	v12 =	vsel vm0, $0xFF61B1E6, v15;
	v18 =	vsel vm12, $0xFF61B1E6, v14;
	[tilespmem:$0x1FF30] =	vst v9;
	v9 =	vsel vm0, $0xFFFFFFFF, v48  }
0x35: {  	v50 =	vmax.f32 v10, v11;
	v19 =	vmax.f32 v12, v18;
	[tilespmem:$0x1FF40] =	vst v9;
	v9 =	vsel vm12, $0xFFFFFFFF, v49  }
0x36: {  	[tilespmem:$0x1FF50] =	vst v9;
	v9 =	vmax.f32 v50, v19  }
0x37: {  	v19 =	vperm.xlane v9, v0;
	_ =	sdelay $0x1  }
0x38: {  	v9 =	vmax.f32 v9, v19  }
0x39: {  	v19 =	vperm.xlane v9, v1;
	_ =	sdelay $0x1  }
0x3a: {  	v9 =	vmax.f32 v9, v19  }
0x3b: {  	v19 =	vperm.xlane v9, v2;
	_ =	sdelay $0x1  }
0x3c: {  	v9 =	vmax.f32 v9, v19  }
0x3d: {  	v19 =	vperm.xlane v9, v4;
	_ =	sdelay $0x1  }
0x3e: {  	v9 =	vmax.f32 v9, v19  }
0x3f: {  	vm13 =	veq.f32 v18, v9  }
0x40: {  	vm14 =	veq.f32 v12, v9;
	v51 =	vnsel vm13, $0x40, v5  }
0x41: {  	vm15 =	veq.f32 v11, v9;
	v19 =	vsel vm14, v6, v51  }
0x42: {  	vm4 =	veq.f32 v10, v9;
	v52 =	vsel vm15, v7, v19  }
0x43: {  	v9 =	vsel vm4, v3, v52  }
0x44: {  	v53 =	vperm.xlane v9, v0;
	_ =	sdelay $0x1  }
0x45: {  	vm5 =	vlt.s32 v9, v53  }
0x46: {  	v9 =	vsel vm5, v9, v53  }
0x47: {  	v19 =	vperm.xlane v9, v1;
	_ =	sdelay $0x1  }
0x48: {  	vm0 =	vlt.s32 v9, v19  }
0x49: {  	v9 =	vsel vm0, v9, v19  }
0x4a: {  	v19 =	vperm.xlane v9, v2;
	_ =	sdelay $0x1  }
0x4b: {  	vm0 =	vlt.s32 v9, v19  }
0x4c: {  	v9 =	vsel vm0, v9, v19  }
0x4d: {  	v19 =	vperm.xlane v9, v4;
	_ =	sdelay $0x1  }
0x4e: {  	vm0 =	vlt.s32 v9, v19  }
0x4f: {  	v9 =	vsel vm0, v9, v19  }
0x50: {  	vm6 =	veq.s32 v9, v3;
	vm7 =	veq.s32 v9, v7  }
0x51: {  	vm0 =	veq.s32 v9, v6;
	vm8 =	veq.s32 v9, v5;
	v58 =	vsel vm6, $0xFF61B1E6, v10  }
0x52: {  	v11 =	vsel vm7, $0xFF61B1E6, v11;
	v12 =	vsel vm0, $0xFF61B1E6, v12;
	v18 =	vsel vm8, $0xFF61B1E6, v18  }
0x53: {  	v10 =	vmax.f32 v58, v11;
	v20 =	vmax.f32 v12, v18  }
0x54: {  	v10 =	vmax.f32 v10, v20  }
0x55: {  	v20 =	vperm.xlane v10, v0;
	_ =	sdelay $0x1  }
0x56: {  	v10 =	vmax.f32 v10, v20  }
0x57: {  	v20 =	vperm.xlane v10, v1;
	_ =	sdelay $0x1  }
0x58: {  	v10 =	vmax.f32 v10, v20  }
0x59: {  	v20 =	vperm.xlane v10, v2;
	_ =	sdelay $0x1  }
0x5a: {  	v10 =	vmax.f32 v10, v20  }
0x5b: {  	v20 =	vperm.xlane v10, v4;
	_ =	sdelay $0x1  }
0x5c: {  	v10 =	vmax.f32 v10, v20  }
0x5d: {  	vm9 =	veq.f32 v18, v10  }
0x5e: {  	vm10 =	veq.f32 v12, v10;
	v59 =	vnsel vm9, $0x40, v5  }
0x5f: {  	vm11 =	veq.f32 v11, v10;
	v20 =	vsel vm10, v6, v59  }
0x60: {  	vm12 =	veq.f32 v58, v10;
	v60 =	vsel vm11, v7, v20  }
0x61: {  	v10 =	vsel vm12, v3, v60  }
0x62: {  	v61 =	vperm.xlane v10, v0;
	_ =	sdelay $0x1  }
0x63: {  	vm13 =	vlt.s32 v10, v61  }
0x64: {  	v54 =	vimm.s32 $0x0;
	v10 =	vsel vm13, v10, v61  }
0x65: {  	v55 =	vimm.s32 $0x0;
	v19 =	vsel vm6, $0xFFFFFFFF, v54;
	v20 =	vperm.xlane v10, v1  }
0x66: {  	v56 =	vimm.s32 $0x0;
	[tilespmem:$0x1FF60] =	vst v19;
	v19 =	vsel vm7, $0xFFFFFFFF, v55  }
0x67: {  	[tilespmem:$0x1FF70] =	vst v19;
	v19 =	vsel vm0, $0xFFFFFFFF, v56;
	vm0 =	vlt.s32 v10, v20  }
0x68: {  	v10 =	vsel vm0, v10, v20  }
0x69: {  	v20 =	vperm.xlane v10, v2;
	_ =	sdelay $0x1  }
0x6a: {  	vm0 =	vlt.s32 v10, v20  }
0x6b: {  	v10 =	vsel vm0, v10, v20  }
0x6c: {  	v20 =	vperm.xlane v10, v4;
	_ =	sdelay $0x1  }
0x6d: {  	vm0 =	vlt.s32 v10, v20  }
0x6e: {  	v57 =	vimm.s32 $0x0;
	v10 =	vsel vm0, v10, v20  }
0x6f: {  	[tilespmem:$0x1FF80] =	vst v19;
	v19 =	vsel vm8, $0xFFFFFFFF, v57;
	vm15 =	veq.s32 v10, v3;
	vm14 =	veq.s32 v10, v7  }
0x70: {  	[tilespmem:$0x1FF90] =	vst v19;
	vm0 =	veq.s32 v10, v6;
	vm4 =	veq.s32 v10, v5;
	v19 =	vsel vm15, $0xFF61B1E6, v58  }
0x71: {  	v25 =	vsel vm14, $0xFF61B1E6, v11;
	v12 =	vsel vm0, $0xFF61B1E6, v12;
	v18 =	vsel vm4, $0xFF61B1E6, v18  }
0x72: {  	v11 =	vmax.f32 v19, v25;
	v21 =	vmax.f32 v12, v18  }
0x73: {  	v11 =	vmax.f32 v11, v21  }
0x74: {  	v21 =	vperm.xlane v11, v0;
	_ =	sdelay $0x1  }
0x75: {  	v11 =	vmax.f32 v11, v21  }
0x76: {  	v21 =	vperm.xlane v11, v1;
	_ =	sdelay $0x1  }
0x77: {  	v11 =	vmax.f32 v11, v21  }
0x78: {  	v21 =	vperm.xlane v11, v2;
	_ =	sdelay $0x1  }
0x79: {  	v11 =	vmax.f32 v11, v21  }
0x7a: {  	v21 =	vperm.xlane v11, v4;
	_ =	sdelay $0x1  }
0x7b: {  	v11 =	vmax.f32 v11, v21  }
0x7c: {  	vm5 =	veq.f32 v18, v11  }
0x7d: {  	vm6 =	veq.f32 v12, v11;
	v26 =	vnsel vm5, $0x40, v5  }
0x7e: {  	vm7 =	veq.f32 v25, v11;
	v21 =	vsel vm6, v6, v26  }
0x7f: {  	vm8 =	veq.f32 v19, v11;
	v27 =	vsel vm7, v7, v21  }
0x80: {  	v11 =	vsel vm8, v3, v27  }
0x81: {  	v28 =	vperm.xlane v11, v0;
	_ =	sdelay $0x1  }
0x82: {  	vm9 =	vlt.s32 v11, v28  }
0x83: {  	v11 =	vsel vm9, v11, v28  }
0x84: {  	v62 =	vimm.s32 $0x0;
	v21 =	vperm.xlane v11, v1  }
0x85: {  	v63 =	vimm.s32 $0x0;
	v20 =	vsel vm14, $0xFFFFFFFF, v62  }
0x86: {  	[tilespmem:$0x1FFA0] =	vst v20;
	v20 =	vsel vm0, $0xFFFFFFFF, v63;
	vm0 =	vlt.s32 v11, v21  }
0x87: {  	v11 =	vsel vm0, v11, v21  }
0x88: {  	v21 =	vperm.xlane v11, v2;
	_ =	sdelay $0x1  }
0x89: {  	vm0 =	vlt.s32 v11, v21  }
0x8a: {  	v11 =	vsel vm0, v11, v21  }
0x8b: {  	v21 =	vperm.xlane v11, v4;
	_ =	sdelay $0x1  }
0x8c: {  	vm0 =	vlt.s32 v11, v21  }
0x8d: {  	v24 =	vimm.s32 $0x0;
	v11 =	vsel vm0, v11, v21  }
0x8e: {  	[tilespmem:$0x1FFB0] =	vst v20;
	v20 =	vsel vm4, $0xFFFFFFFF, v24;
	vm13 =	veq.s32 v11, v3;
	vm14 =	veq.s32 v11, v7  }
0x8f: {  	vm10 =	veq.s32 v11, v6;
	vm0 =	veq.s32 v11, v5;
	v19 =	vsel vm13, $0xFF61B1E6, v19  }
0x90: {  	[tilespmem:$0x1FFC0] =	vst v20;
	v20 =	vsel vm14, $0xFF61B1E6, v25;
	v31 =	vsel vm10, $0xFF61B1E6, v12;
	v18 =	vsel vm0, $0xFF61B1E6, v18  }
0x91: {  	v32 =	vmax.f32 v19, v20;
	v22 =	vmax.f32 v31, v18  }
0x92: {  	v12 =	vmax.f32 v32, v22  }
0x93: {  	v22 =	vperm.xlane v12, v0;
	_ =	sdelay $0x1  }
0x94: {  	v12 =	vmax.f32 v12, v22  }
0x95: {  	v22 =	vperm.xlane v12, v1;
	_ =	sdelay $0x1  }
0x96: {  	v12 =	vmax.f32 v12, v22  }
0x97: {  	v22 =	vperm.xlane v12, v2;
	_ =	sdelay $0x1  }
0x98: {  	v12 =	vmax.f32 v12, v22  }
0x99: {  	v22 =	vperm.xlane v12, v4  }
0x9a: {  	v29 =	vimm.s32 $0x0  }
0x9b: {  	v30 =	vimm.s32 $0x0;
	v21 =	vsel vm10, $0xFFFFFFFF, v29;
	v12 =	vmax.f32 v12, v22  }
0x9c: {  	[tilespmem:$0x1FFD0] =	vst v21;
	v21 =	vsel vm0, $0xFFFFFFFF, v30;
	vm0 =	veq.f32 v18, v12  }
0x9d: {  	vm11 =	veq.f32 v31, v12;
	v33 =	vnsel vm0, $0x40, v5  }
0x9e: {  	vm12 =	veq.f32 v20, v12;
	v22 =	vsel vm11, v6, v33  }
0x9f: {  	vm4 =	veq.f32 v19, v12;
	v22 =	vsel vm12, v7, v22  }
0xa0: {  	v12 =	vsel vm4, v3, v22  }
0xa1: {  	v22 =	vperm.xlane v12, v0;
	_ =	sdelay $0x1  }
0xa2: {  	vm0 =	vlt.s32 v12, v22  }
0xa3: {  	v12 =	vsel vm0, v12, v22  }
0xa4: {  	v22 =	vperm.xlane v12, v1;
	_ =	sdelay $0x1  }
0xa5: {  	vm0 =	vlt.s32 v12, v22  }
0xa6: {  	v12 =	vsel vm0, v12, v22  }
0xa7: {  	v22 =	vperm.xlane v12, v2;
	_ =	sdelay $0x1  }
0xa8: {  	vm0 =	vlt.s32 v12, v22  }
0xa9: {  	v12 =	vsel vm0, v12, v22  }
0xaa: {  	v22 =	vperm.xlane v12, v4;
	_ =	sdelay $0x1  }
0xab: {  	vm0 =	vlt.s32 v12, v22  }
0xac: {  	v12 =	vsel vm0, v12, v22  }
0xad: {  	vm9 =	veq.s32 v12, v3;
	vm10 =	veq.s32 v12, v7  }
0xae: {  	vm11 =	veq.s32 v12, v6;
	vm12 =	veq.s32 v12, v5;
	v19 =	vsel vm9, $0xFF61B1E6, v19  }
0xaf: {  	[tilespmem:$0x1FFE0] =	vst v21;
	v20 =	vsel vm10, $0xFF61B1E6, v20;
	v21 =	vsel vm11, $0xFF61B1E6, v31;
	v18 =	vsel vm12, $0xFF61B1E6, v18  }
0xb0: {  	v34 =	vmax.f32 v19, v20;
	v23 =	vmax.f32 v21, v18  }
0xb1: {  	v22 =	vmax.f32 v34, v23  }
0xb2: {  	v23 =	vperm.xlane v22, v0;
	_ =	sdelay $0x1  }
0xb3: {  	v22 =	vmax.f32 v22, v23  }
0xb4: {  	v23 =	vperm.xlane v22, v1;
	_ =	sdelay $0x1  }
0xb5: {  	v22 =	vmax.f32 v22, v23  }
0xb6: {  	v23 =	vperm.xlane v22, v2;
	_ =	sdelay $0x1  }
0xb7: {  	v22 =	vmax.f32 v22, v23  }
0xb8: {  	v23 =	vperm.xlane v22, v4;
	_ =	sdelay $0x1  }
0xb9: {  	v13 =	vsub.f32 v13, v17;
	v16 =	vsub.f32 v16, v17;
	v22 =	vmax.f32 v22, v23  }
0xba: {  	v15 =	vsub.f32 v15, v17;
	v14 =	vsub.f32 v14, v17;
	vm5 =	veq.f32 v18, v22  }
0xbb: {  	v16 =	vmul.f32 $1.442695020e+00, v16;
	vm6 =	veq.f32 v21, v22;
	v35 =	vnsel vm5, $0x40, v5  }
0xbc: {  	v24 =	vmul.f32 $1.442695020e+00, v13;
	vm7 =	veq.f32 v20, v22;
	v23 =	vsel vm6, v6, v35  }
0xbd: {  	v15 =	vmul.f32 $1.442695020e+00, v15;
	vm8 =	veq.f32 v19, v22;
	v23 =	vsel vm7, v7, v23  }
0xbe: {  	v14 =	vmul.f32 $1.442695020e+00, v14;
	(erf) = vpow2.f32 v24;
	v22 =	vsel vm8, v3, v23  }
0xbf: {  	(erf) = vpow2.f32 v16;
	v23 =	vperm.xlane v22, v0  }
0xc0: {  	(erf) = vpow2.f32 v15  }
0xc1: {  	(erf) = vpow2.f32 v14;
	vm0 =	vlt.s32 v22, v23  }
0xc2: {  	v22 =	vsel vm0, v22, v23  }
0xc3: {  	v23 =	vperm.xlane v22, v1;
	_ =	sdelay $0x1  }
0xc4: {  	vm0 =	vlt.s32 v22, v23  }
0xc5: {  	v22 =	vsel vm0, v22, v23  }
0xc6: {  	v41 =	vpop (erf);
	v23 =	vperm.xlane v22, v2  }
0xc7: {  	v43 =	vpop (erf)  }
0xc8: {  	v44 =	vpop (erf);
	vm0 =	vlt.s32 v22, v23  }
0xc9: {  	v45 =	vpop (erf);
	v22 =	vsel vm0, v22, v23  }
0xca: {  	v47 =	vadd.f32 v43, v41;
	v25 =	vadd.f32 v45, v44;
	v23 =	vperm.xlane v22, v4;
	_ =	sdelay $0x1  }
0xcb: {  	v48 =	vadd.f32 v25, v47;
	vm0 =	vlt.s32 v22, v23  }
0xcc: {  	v13 =	vsel vm0, v22, v23  }
0xcd: {  	v25 =	vperm.xlane v48, v0;
	vm6 =	veq.s32 v13, v3;
	vm5 =	veq.s32 v13, v7  }
0xce: {  	vm7 =	veq.s32 v13, v6;
	vm8 =	veq.s32 v13, v5;
	v36 =	vsel vm6, $0xFF61B1E6, v19  }
0xcf: {  	v37 =	vsel vm5, $0xFF61B1E6, v20;
	v38 =	vsel vm7, $0xFF61B1E6, v21;
	v18 =	vsel vm8, $0xFF61B1E6, v18  }
0xd0: {  	v20 =	vmax.f32 v36, v37;
	v21 =	vmax.f32 v38, v18  }
0xd1: {  	v23 =	vadd.f32 v48, v25;
	v39 =	vmax.f32 v20, v21  }
0xd2: {  	v40 =	vperm.xlane v39, v0  }
0xd3: {  	v25 =	vperm.xlane v23, v1  }
0xd4: {  	v14 =	vmax.f32 v39, v40  }
0xd5: {  	v23 =	vadd.f32 v23, v25;
	v15 =	vperm.xlane v14, v1;
	_ =	sdelay $0x1  }
0xd6: {  	v25 =	vperm.xlane v23, v2;
	v14 =	vmax.f32 v14, v15  }
0xd7: {  	v42 =	vperm.xlane v14, v2  }
0xd8: {  	v23 =	vadd.f32 v23, v25  }
0xd9: {  	v14 =	vmax.f32 v14, v42  }
0xda: {  	v25 =	vperm.xlane v23, v4;
	v46 =	vperm.xlane v14, v4;
	_ =	sdelay $0x1  }
0xdb: {  	v23 =	vadd.f32 v23, v25;
	v14 =	vmax.f32 v14, v46  }
0xdc: {  	vm4 =	veq.f32 v18, v14  }
0xdd: {  	(erf) = vrcp.f32 v23;
	v49 =	vnsel vm4, $0x40, v5;
	vm4 =	veq.f32 v38, v14  }
0xde: {  	v24 =	vsel vm4, v6, v49;
	vm4 =	veq.f32 v37, v14  }
0xdf: {  	v24 =	vsel vm4, v7, v24;
	vm4 =	veq.f32 v36, v14  }
0xe0: {  	v14 =	vsel vm4, v3, v24  }
0xe1: {  	v24 =	vperm.xlane v14, v0;
	_ =	sdelay $0x1  }
0xe2: {  	vm0 =	vlt.s32 v14, v24  }
0xe3: {  	v14 =	vsel vm0, v14, v24  }
0xe4: {  	v24 =	vperm.xlane v14, v1  }
0xe5: {  	v52 =	vpop (erf)  }
0xe6: {  	v15 =	vmul.f32 v52, v41;
	vm0 =	vlt.s32 v14, v24  }
0xe7: {  	v21 =	vmul.f32 v52, v43;
	v22 =	vmul.f32 v52, v44;
	v14 =	vsel vm0, v14, v24  }
0xe8: {  	v33 =	vld [tilespmem:$0x1FFA0];
	v20 =	vmul.f32 v52, v45;
	v24 =	vperm.xlane v14, v2  }
0xe9: {  	v40 =	vld [tilespmem:$0x1FFE0];
	v15 =	vmax.f32 v15, $9.999999970e-07;
	v21 =	vmax.f32 v21, $9.999999970e-07  }
0xea: {  	v22 =	vmax.f32 v22, $9.999999970e-07;
	v20 =	vmax.f32 v20, $9.999999970e-07;
	vm0 =	vlt.s32 v14, v24  }
0xeb: {  	v54 =	vld [tilespmem:$0x1FF20];
	v15 =	vmin.f32 v15, $1.000000000e+00;
	v21 =	vmin.f32 v21, $1.000000000e+00;
	v14 =	vsel vm0, v14, v24  }
0xec: {  	v22 =	vmin.f32 v22, $1.000000000e+00;
	v20 =	vmin.f32 v20, $1.000000000e+00;
	v24 =	vperm.xlane v14, v4  }
0xed: {  	v26 =	vld [tilespmem:$0x1FF30];
	v56 =	vnsel vm15, $0x0, v15;
	vm15 =	vnez.u8 v33;
	v60 =	vnsel vm13, $0x0, v15  }
0xee: {  	v63 =	vnsel vm14, $0x0, v21;
	vm14 =	vnez.u8 v40;
	vm0 =	vlt.s32 v14, v24  }
0xef: {  	v42 =	vnsel vm9, $0x0, v15;
	v43 =	vnsel vm10, $0x0, v21;
	v14 =	vsel vm0, v14, v24  }
0xf0: {  	v27 =	vld [tilespmem:$0x1FF40];
	v44 =	vnsel vm11, $0x0, v22;
	vm0 =	vnez.u8 v54;
	vm2 =	veq.s32 v14, v3  }
0xf1: {  	vm1 =	veq.s32 v14, v7;
	vm3 =	veq.s32 v14, v6;
	vm4 =	veq.s32 v14, v5  }
0xf2: {  	v28 =	vld [tilespmem:$0x1FF50];
	v24 =	vnsel vm0, $0x0, v15;
	vm0 =	vnez.u8 v26;
	v16 =	vsel vm2, $0xFF61B1E6, v36  }
0xf3: {  	v17 =	vsel vm1, $0xFF61B1E6, v37;
	v19 =	vsel vm3, $0xFF61B1E6, v38;
	v18 =	vsel vm4, $0xFF61B1E6, v18  }
0xf4: {  	v57 =	vld [tilespmem:$0x1FFB0];
	v26 =	vnsel vm0, $0x0, v21;
	v50 =	vmax.f32 v16, v17;
	v51 =	vmax.f32 v19, v18  }
0xf5: {  	vm0 =	vnez.u8 v27;
	v24 =	vadd.f32 v26, v24;
	v23 =	vmax.f32 v50, v51  }
0xf6: {  	v55 =	vld [tilespmem:$0x1FF60];
	v47 =	vnsel vm12, $0x0, v20;
	v27 =	vnsel vm0, $0x0, v22;
	v53 =	vperm.xlane v23, v0  }
0xf7: {  	v34 =	vnsel vm8, $0x0, v20;
	vm0 =	vnez.u8 v28;
	v24 =	vadd.f32 v24, v27  }
0xf8: {  	v33 =	vnsel vm15, $0x0, v21;
	v28 =	vnsel vm0, $0x0, v20;
	v23 =	vmax.f32 v23, v53  }
0xf9: {  	v29 =	vld [tilespmem:$0x1FF70];
	vm15 =	vnez.u8 v57;
	v24 =	vadd.f32 v24, v28;
	v25 =	vperm.xlane v23, v1  }
0xfa: {  	v31 =	vld [tilespmem:$0x1FF80];
	v35 =	vnsel vm2, $0x0, v15;
	v40 =	vnsel vm4, $0x0, v20;
	v26 =	vadd.f32 v33, v56  }
0xfb: {  	v32 =	vld [tilespmem:$0x1FF90];
	vm0 =	vnez.u8 v55;
	v62 =	vperm.xlane v24, v0;
	v23 =	vmax.f32 v23, v25  }
0xfc: {  	v50 =	vnsel vm6, $0x0, v15;
	v55 =	vadd.f32 v43, v42;
	v25 =	vperm.xlane v23, v2  }
0xfd: {  	v58 =	vld [tilespmem:$0x1FFC0];
	v51 =	vnsel vm5, $0x0, v21;
	v28 =	vadd.f32 v63, v60;
	v36 =	vadd.f32 v24, v62  }
0xfe: {  	v23 =	vmax.f32 v23, v25;
	v25 =	vnsel vm0, $0x0, v15;
	vm0 =	vnez.u8 v29  }
0xff: {  	v29 =	vnsel vm0, $0x0, v21;
	v30 =	vperm.xlane v23, v4;
	vm0 =	vnez.u8 v31  }
0x100: {  	v41 =	vperm.xlane v36, v1;
	v31 =	vnsel vm0, $0x0, v22;
	vm0 =	vnez.u8 v32  }
0x101: {  	v25 =	vadd.f32 v29, v25;
	v32 =	vnsel vm0, $0x0, v20;
	v23 =	vmax.f32 v23, v30  }
0x102: {  	vm0 =	veq.f32 v18, v23;
	v18 =	vnsel vm15, $0x0, v22;
	vm15 =	vnez.u8 v58  }
0x103: {  	v38 =	vld [tilespmem:$0x1FFD0];
	v27 =	vnsel vm15, $0x0, v20;
	v59 =	vnsel vm0, $0x40, v5;
	vm15 =	veq.f32 v19, v23  }
0x104: {  	v25 =	vadd.f32 v25, v31;
	vm13 =	veq.f32 v17, v23;
	v19 =	vsel vm15, v6, v59  }
0x105: {  	v18 =	vadd.f32 v26, v18;
	vm15 =	veq.f32 v16, v23;
	v17 =	vsel vm13, v7, v19  }
0x106: {  	v26 =	vnsel vm14, $0x0, v20;
	v61 =	vadd.f32 v25, v32;
	v16 =	vsel vm15, v3, v17  }
0x107: {  	v59 =	vnsel vm7, $0x0, v22;
	v25 =	vadd.f32 v51, v50;
	v39 =	vperm.xlane v16, v0  }
0x108: {  	vm13 =	vnez.u8 v38;
	v18 =	vadd.f32 v18, v27;
	v37 =	vperm.xlane v61, v0  }
0x109: {  	v24 =	vnsel vm13, $0x0, v22;
	v17 =	vadd.f32 v36, v41;
	vm15 =	vlt.s32 v16, v39  }
0x10a: {  	v25 =	vadd.f32 v25, v59;
	v36 =	vnsel vm1, $0x0, v21;
	v16 =	vsel vm15, v16, v39  }
0x10b: {  	v46 =	vperm.xlane v18, v0;
	v24 =	vadd.f32 v28, v24;
	v48 =	vperm.xlane v16, v1  }
0x10c: {  	v19 =	vadd.f32 v61, v37;
	v49 =	vperm.xlane v17, v2;
	v25 =	vadd.f32 v25, v34  }
0x10d: {  	v37 =	vnsel vm3, $0x0, v22;
	v18 =	vadd.f32 v18, v46;
	vm0 =	vlt.s32 v16, v48  }
0x10e: {  	v53 =	vadd.f32 v24, v26;
	v45 =	vperm.xlane v19, v1;
	v16 =	vsel vm0, v16, v48  }
0x10f: {  	v26 =	vadd.f32 v55, v44;
	v39 =	vperm.xlane v25, v0;
	v56 =	vperm.xlane v16, v2  }
0x110: {  	v17 =	vadd.f32 v17, v49;
	v54 =	vperm.xlane v18, v1;
	v58 =	vperm.xlane v53, v0  }
0x111: {  	v61 =	vadd.f32 v26, v47;
	v26 =	vadd.f32 v36, v35;
	vm0 =	vlt.s32 v16, v56  }
0x112: {  	v19 =	vadd.f32 v19, v45;
	v57 =	vperm.xlane v17, v4;
	v16 =	vsel vm0, v16, v56  }
0x113: {  	v18 =	vadd.f32 v18, v54;
	v23 =	vadd.f32 v53, v58;
	v63 =	vperm.xlane v16, v4  }
0x114: {  	v33 =	vperm.xlane v61, v0;
	v26 =	vadd.f32 v26, v37;
	v52 =	vperm.xlane v19, v2  }
0x115: {  	v17 =	vadd.f32 v17, v57;
	v62 =	vperm.xlane v18, v2;
	vm0 =	vlt.s32 v16, v63  }
0x116: {  	v32 =	vperm.xlane v23, v1;
	v24 =	vadd.f32 v61, v33;
	v16 =	vsel vm0, v16, v63  }
0x117: {  	v26 =	vadd.f32 v26, v40;
	vm0 =	veq.s32 v16, v3;
	vm5 =	veq.s32 v16, v7  }
0x118: {  	v19 =	vadd.f32 v19, v52;
	v15 =	vnsel vm0, $0x0, v15;
	v21 =	vnsel vm5, $0x0, v21  }
0x119: {  	v47 =	vadd.f32 $0.0e+00, v17;
	vm6 =	veq.s32 v16, v6;
	v15 =	vadd.f32 v21, v15  }
0x11a: {  	v18 =	vadd.f32 v18, v62;
	v23 =	vadd.f32 v23, v32;
	v38 =	vnsel vm6, $0x0, v22  }
0x11b: {  	v41 =	vperm.xlane v24, v1;
	vm7 =	veq.s32 v16, v5;
	v15 =	vadd.f32 v15, v38  }
0x11c: {  	v27 =	vperm.xlane v26, v0;
	v60 =	vperm.xlane v19, v4;
	v20 =	vnsel vm7, $0x0, v20  }
0x11d: {  	v42 =	vperm.xlane v23, v2;
	v22 =	vadd.f32 v25, v39;
	v15 =	vadd.f32 v15, v20  }
0x11e: {  	v43 =	vperm.xlane v18, v4;
	v45 =	vadd.f32 v26, v27;
	v21 =	vadd.f32 v24, v41  }
0x11f: {  	v19 =	vadd.f32 v19, v60;
	v44 =	vperm.xlane v22, v1;
	v46 =	vperm.xlane v15, v0  }
0x120: {  	v23 =	vadd.f32 v23, v42;
	v18 =	vadd.f32 v18, v43;
	v48 =	vperm.xlane v21, v2  }
0x121: {  	v49 =	vperm.xlane v45, v1;
	v22 =	vadd.f32 v22, v44;
	v15 =	vadd.f32 v15, v46  }
0x122: {  	v27 =	vadd.f32 v19, v47;
	v50 =	vperm.xlane v23, v4;
	v21 =	vadd.f32 v21, v48  }
0x123: {  	v20 =	vadd.f32 v45, v49;
	v51 =	vperm.xlane v22, v2;
	v52 =	vperm.xlane v15, v1  }
0x124: {  	v54 =	vadd.f32 v18, v27;
	v23 =	vadd.f32 v23, v50;
	v53 =	vperm.xlane v21, v4  }
0x125: {  	v55 =	vperm.xlane v20, v2;
	v22 =	vadd.f32 v22, v51;
	v15 =	vadd.f32 v15, v52  }
0x126: {  	v26 =	vadd.f32 v23, v54;
	v21 =	vadd.f32 v21, v53  }
0x127: {  	v20 =	vadd.f32 v20, v55;
	v56 =	vperm.xlane v22, v4;
	v57 =	vperm.xlane v15, v2  }
0x128: {  	v58 =	vadd.f32 v21, v26  }
0x129: {  	v59 =	vperm.xlane v20, v4;
	v22 =	vadd.f32 v22, v56;
	v15 =	vadd.f32 v15, v57;
	_ =	sdelay $0x1  }
0x12a: {  	v20 =	vadd.f32 v20, v59;
	v24 =	vadd.f32 v22, v58;
	v60 =	vperm.xlane v15, v4;
	_ =	sdelay $0x1  }
0x12b: {  	v24 =	vadd.f32 v20, v24;
	v15 =	vadd.f32 v15, v60;
	_ =	sdelay $0x1  }
0x12c: {  	v61 =	vld [tilespmem:$0x1FFF0];
	v24 =	vadd.f32 v15, v24;
	_ =	sdelay $0x1  }
0x12d: {  	v24 =	vadd.f32 $9.999999930e-09, v24;
	_ =	sdelay $0x1  }
0x12e: {  	(erf) = vrcp.f32 v24  }
0x12f: {  	vm8 =	vnez.u8 v61  }
0x130: {  	vm9 =	vcmask $0x320;
	v17 =	vnsel vm8, $0x0, v17  }
0x131: {  	vm10 =	vcmask $0x720;
	v8 =	vnsel vm8, $0x0, v8;
	v17 =	vsel vm9, v17, v19  }
0x132: {  	vm11 =	vcmask $0xB20;
	v8 =	vsel vm9, v8, v9;
	v17 =	vsel vm10, v17, v18  }
0x133: {  	vm12 =	vcmask $0xF20;
	v8 =	vsel vm10, v8, v10;
	v17 =	vsel vm11, v17, v23  }
0x134: {  	vm13 =	vcmask $0x1320;
	v8 =	vsel vm11, v8, v11;
	v62 =	vsel vm12, v17, v21  }
0x135: {  	vm14 =	vcmask $0x1720;
	v8 =	vsel vm12, v8, v12;
	v9 =	vsel vm13, v62, v22  }
0x136: {  	vm15 =	vcmask $0x1B20;
	v8 =	vsel vm13, v8, v13;
	v9 =	vsel vm14, v9, v20  }
0x137: {  	v8 =	vsel vm14, v8, v14;
	v9 =	vsel vm15, v9, v15;
	v63 =	vpop (erf)  }
0x138: {  	v8 =	vsel vm15, v8, v16;
	v9 =	vmul.f32 v63, v9  }
0x139: {  	[tilespmem:$0x100] =	vst v8  }
0x13a: {  	[tilespmem:$0x80] =	vst v9  }
0x13b: {  	[hbm4b:s4+s2] =	stream.linear.scatter [tilespmem:s8], [sflag:$0x1], $0x80, $0x38;
	[tilespmem:$0x180] =	vst v63  }
0x13c: {  	_ =	swait.ge [sflag:s7], $0x80  }
0x13d: {  	p0 =	sne.s32 s6, $0x1;
	[sflag:s7] =	ssyncset.done $0x0  }
.Ltmp0:
0x13e: {  	[sflag:s7] =	ssyncadd.s32 $0xFFFFFF80;
	(pc) =	sbr.rel @p0 .LBB2_1-.Ltmp0, $4  }
0x13f: {  	[hbm4b:s5+s2] =	stream.linear.scatter [tilespmem:s9], [sflag:$0x1], $0x80, $0x38;
	[tilespmem:$0x180] =	vst v63  }
0x140: {  	_ =	swait.ge [sflag:s7], $0x80  }
0x141: {  	[sflag:s7] =	ssyncset.done $0x0  }
0x142: {  	s6 =	sadd.s32 $0xFFFFFFFF, s6;
	[sflag:s7] =	ssyncadd.s32 $0xFFFFFF80  }
0x143: {  	_ =	sfence.sel $0x180000  }
0x144: {  	[bflag:$0x0] =	sbarrier.arrive $0xFFFF  }
0x145: {  	p0 =	sne.s32 s0, $0x0;
	_ =	strace $0x90000047  }
0x146: {  	s0 =	sadd.s32 @!p0 $0x100000, s1;
	[bflag:$0x2] =	sbarrier.arrive $0xFFFF  }
0x147: {  	[sflag:s0] =	ssyncadd.tile.s32 @!p0 $0x1;
	_ =	shalt  }
.Lfunc_end2:
_tile_overlayer_lowered:
.L_overlay_start_2:
0x148: {  	(tag) =	ssettag $0x2  }
0x149: {  	s0 =	rddreg [dreg:$0x0];
	s2 =	stileid.u32  }
0x14a: {  	s1 =	rddreg [dreg:$0x1];
	p0 =	sne.s32 s2, $0x0  }
0x14b: {  	s3 =	rddreg [dreg:$0x2];
	[bflag:$0x3] =	sbarrier.arrive $0xFFFF;
	s2 =	simm.s32 @!p0 $0x1C01  }
0x14c: {  	[timem:s3], [sflag:s2] =	dma.local @!p0 [hbm:s0], s1  }
0x14d: {  	s0 =	simm.s32 @!p0 $0x1  }
0x14e: {  	_ =	swait.ge @!p0 [sflag:s0], s1  }
0x14f: {  	s1 =	ssub.s32 @!p0 $0x0, s1;
	[sflag:s0] =	ssyncset.done @!p0 $0x0  }
0x150: {  	[sflag:s0] =	ssyncadd.s32 @!p0 s1  }
0x151: {  	[bflag:$0x3] =	sbarrier.arrive $0xFFFF  }
0x152: {  	_ =	shalt  }

</sc_bundles>
